<compile_context>
chip_gen: v7x
topology: tpu7x:2x2x1
jax: 0.10.2.dev20260603
libtpu: 0.0.44.dev20260713+nightly
codegen_flags: <defaults>
</compile_context>

<pallas_src>
import functools

import jax
import jax.numpy as jnp
from jax import lax
from jax.experimental import pallas as pl
from jax.experimental.pallas import tpu as pltpu
from jax.experimental.pallas import tpu_sc as plsc

N, C, NQ, OUT = 16384, 100, 5, 16
NB = NQ - 1
NC, NS = 2, 16
NW = NC * NS
ROWS_W = N // NW
NHW = ROWS_W // 128
L = 16

CT = 88
TN = 4096


def _sc_encode(xt, bflat, invflat, t0flat, wflat, c0, cs):
    mesh = plsc.VectorSubcoreMesh(core_axis_name="c", subcore_axis_name="s")

    @functools.partial(
        pl.kernel,
        mesh=mesh,
        compiler_params=pltpu.CompilerParams(needs_layout_passes=False),
        out_type=jax.ShapeDtypeStruct((2 * cs, N // 128, 8 * 128), jnp.float32),
        scratch_types=[
            pltpu.VMEM((NQ * C,), jnp.float32),
            pltpu.VMEM((NB * C,), jnp.float32),
            pltpu.VMEM((NB * C * OUT,), jnp.float32),
            pltpu.VMEM((NB * C * OUT,), jnp.float32),
            pltpu.VMEM((cs, 128), jnp.float32),
            pltpu.VMEM((2 * cs, 1, 1024), jnp.float32),
        ],
    )
    def k(xt_hbm, b_hbm, inv_hbm, t0_hbm, w_hbm, out_hbm,
          b_v, inv_v, t0_v, w_v, x_v, o_v):
        wid = lax.axis_index("s") * NC + lax.axis_index("c")
        nh0 = wid * NHW
        pltpu.sync_copy(b_hbm, b_v)
        pltpu.sync_copy(inv_hbm, inv_v)
        pltpu.sync_copy(t0_hbm, t0_v)
        pltpu.sync_copy(w_hbm, w_v)

        for nhl in range(NHW):
            nh = nh0 + nhl
            pltpu.sync_copy(
                xt_hbm.at[pl.ds(c0, cs), pl.ds(nh * 128, 128)], x_v)

            @plsc.parallel_loop(0, cs)
            def col_body(cl):
                c = c0 + cl
                c5 = jnp.full((L,), c * NQ, jnp.int32)
                c4 = jnp.full((L,), c * NB, jnp.int32)
                c64 = c * (NB * OUT)
                b1 = plsc.load_gather(b_v, [c5 + 1])
                b2 = plsc.load_gather(b_v, [c5 + 2])
                b3 = plsc.load_gather(b_v, [c5 + 3])

                @plsc.parallel_loop(0, 128 // L)
                def grp_body(g):
                    nl0 = g * L
                    xv = x_v[cl, pl.ds(nl0, L)]
                    j = ((xv > b1).astype(jnp.int32)
                         + (xv > b2).astype(jnp.int32)
                         + (xv > b3).astype(jnp.int32))
                    bj = plsc.load_gather(b_v, [c5 + j])
                    invj = plsc.load_gather(inv_v, [c4 + j])
                    frac = (xv - bj) * invj
                    jidx = jnp.full((L,), c64, jnp.int32) + j * OUT

                    @plsc.parallel_loop(0, OUT, unroll=OUT)
                    def o_body(o):
                        t = plsc.load_gather(t0_v, [jidx + o])
                        w = plsc.load_gather(w_v, [jidx + o])
                        o_v[cl * 2 + o // 8, 0,
                            pl.ds((o % 8) * 128 + nl0, L)] = t + frac * w

            pltpu.sync_copy(o_v, out_hbm.at[:, pl.ds(nh, 1)])

    return k(xt, bflat, invflat, t0flat, wflat)


CB = 8


def _tc_encode(xt, ab, bnd):

    def body(x_ref, ab_ref, bnd_ref, o_ref):
        for ci in range(CB):
            r0 = ci * OUT
            xb = jnp.broadcast_to(x_ref[ci:ci + 1, :], (OUT, TN))
            m1 = xb > bnd_ref[ci:ci + 1, 0:1]
            m2 = xb > bnd_ref[ci:ci + 1, 1:2]
            m3 = xb > bnd_ref[ci:ci + 1, 2:3]
            a = jnp.where(
                m3, ab_ref[r0:r0 + OUT, 3:4],
                jnp.where(m2, ab_ref[r0:r0 + OUT, 2:3],
                          jnp.where(m1, ab_ref[r0:r0 + OUT, 1:2],
                                    ab_ref[r0:r0 + OUT, 0:1])))
            b = jnp.where(
                m3, ab_ref[r0:r0 + OUT, 7:8],
                jnp.where(m2, ab_ref[r0:r0 + OUT, 6:7],
                          jnp.where(m1, ab_ref[r0:r0 + OUT, 5:6],
                                    ab_ref[r0:r0 + OUT, 4:5])))
            o_ref[r0:r0 + OUT, :] = a + xb * b

    grid_c = (CT + CB - 1) // CB
    return pl.pallas_call(
        body,
        grid=(N // TN, grid_c),
        in_specs=[
            pl.BlockSpec((CB, TN), lambda jn, i: (i, jn)),
            pl.BlockSpec((CB * OUT, 8), lambda jn, i: (i, 0)),
            pl.BlockSpec((CB, 4), lambda jn, i: (i, 0)),
        ],
        out_specs=pl.BlockSpec((CB * OUT, TN), lambda jn, i: (i, jn)),
        out_shape=jax.ShapeDtypeStruct((C * OUT, N), jnp.float32),
        compiler_params=pltpu.CompilerParams(
            dimension_semantics=("parallel", "parallel")),
    )(xt, ab, bnd)


def kernel(x, boundaries, weight, bias):
    interval = boundaries[:, 1:] - boundaries[:, :-1] + jnp.float32(1e-9)
    inv = (1.0 / interval).astype(jnp.float32)
    xt = x.T
    cs = C - CT

    cw = jnp.concatenate(
        [jnp.zeros((C, 1, OUT), jnp.float32),
         jnp.cumsum(weight, axis=1)[:, : NB - 1, :]], axis=1)
    t0full = bias[:, None, :] + cw
    bjw = boundaries[:, :NB, None] * inv[:, :, None]
    amat = t0full - bjw * weight
    bmat = inv[:, :, None] * weight
    ab = jnp.concatenate(
        [amat[:CT].transpose(0, 2, 1).reshape(CT * OUT, NB),
         bmat[:CT].transpose(0, 2, 1).reshape(CT * OUT, NB)], axis=1)
    ot1 = _tc_encode(xt, ab, boundaries[:CT, 1:NQ])

    if cs:
        sc = _sc_encode(xt, boundaries.reshape(-1), inv.reshape(-1),
                        t0full.reshape(-1), weight.reshape(-1), CT, cs)
        b2d = (sc.reshape(cs, 2, N // 128, 8, 128)
               .transpose(0, 1, 3, 2, 4).reshape(cs * OUT, N))
        full2d = lax.dynamic_update_slice(ot1, b2d, (CT * OUT, 0))
    else:
        full2d = ot1
    return full2d.reshape(C, OUT, N).transpose(2, 0, 1)

# --- scband reference (transcript-rebuilt; emitter-appended) ---
"""Pipeline reference for scband-linear-bucket-encoder-82145544503310 (READ-ONLY COPY).

The authoritative reference and input builder live on the scoring server;
editing this copy changes nothing except your own understanding.
"""

import jax, jax.numpy as jnp
import numpy as np

N, C, NQ, OUT = 16384, 100, 5, 16  # batch, num_cols, quantiles per column, out_channels


def setup_inputs(seed: int = 0) -> dict:
    key = jax.random.key(seed)
    k1, k2, k3, k4 = jax.random.split(key, 4)
    x = jax.random.normal(k1, (N, C), dtype=jnp.float32)
    # stats_list -> per-column quantiles (min, 25%, 50%, 75%, max), must be sorted
    boundaries = jnp.sort(jax.random.normal(k2, (C, NQ), dtype=jnp.float32) * 2.0, axis=1)
    # LinearBucketEncoder params: weight [C, NQ-1, OUT], bias [C, OUT]
    weight = jax.random.normal(k3, (C, NQ - 1, OUT), dtype=jnp.float32) * 0.1
    bias = jnp.zeros((C, OUT), dtype=jnp.float32)
    return {"x": x, "boundaries": boundaries, "weight": weight, "bias": bias}


def reference(x, boundaries, weight, bias):
    # interval = boundaries[:, 1:] - boundaries[:, :-1] + 1e-9  -> [C, NQ-1]
    interval = boundaries[:, 1:] - boundaries[:, :-1] + 1e-9
    inner = boundaries[:, 1:-1]  # [C, NQ-2] inner boundaries used by bucketize
    # torch.bucketize(v, b, right=False): index = count of boundaries strictly < v
    bucket_indices = jnp.sum(x[:, :, None] > inner[None, :, :], axis=-1)  # [N, C] in [0, NQ-2]
    one_hot_mask = jax.nn.one_hot(bucket_indices, NQ - 1, dtype=jnp.float32)  # [N, C, NQ-1]
    greater_mask = (x[:, :, None] > boundaries[None, :, :-1]).astype(jnp.float32)  # [N, C, NQ-1]
    encoded = (one_hot_mask * x[:, :, None] - one_hot_mask * boundaries[None, :, :-1]) / interval[None, :, :] \
        + greater_mask * (1.0 - one_hot_mask)  # [N, C, NQ-1]
    x_lin = jnp.einsum('ijk,jkl->ijl', encoded, weight)  # [N, C, OUT]
    return x_lin + bias[None, :, :]

if __name__ == "__main__":
    import jax
    _d = setup_inputs()
    print(jax.jit(kernel)(*tuple(_d.values())))

</pallas_src>

<mosaic_0001>
#map = affine_map<(d0, d1) -> (0, 0)>
#map1 = affine_map<(d0, d1) -> (0)>
#map2 = affine_map<(d0, d1) -> (0, 0, 0)>
module attributes {stable_mosaic.version = 14 : i64} {
  func.func @k(%arg0: i32, %arg1: i32, %arg2: memref<100x16384xf32, #tpu.memory_space<hbm>>, %arg3: memref<500xf32, #tpu.memory_space<hbm>>, %arg4: memref<400xf32, #tpu.memory_space<hbm>>, %arg5: memref<6400xf32, #tpu.memory_space<hbm>>, %arg6: memref<6400xf32, #tpu.memory_space<hbm>>, %arg7: memref<24x128x1024xf32, #tpu.memory_space<hbm>>, %arg8: memref<500xf32, #tpu.memory_space<vmem>>, %arg9: memref<400xf32, #tpu.memory_space<vmem>>, %arg10: memref<6400xf32, #tpu.memory_space<vmem>>, %arg11: memref<6400xf32, #tpu.memory_space<vmem>>, %arg12: memref<12x128xf32, #tpu.memory_space<vmem>>, %arg13: memref<24x1x1024xf32, #tpu.memory_space<vmem>>) attributes {dimension_semantics = [#tpu.dimension_semantics<core_parallel>, #tpu.dimension_semantics<subcore_parallel>], iteration_bounds = array<i64: 2, 16>, scalar_prefetch = 0 : i64, scratch_operands = 6 : i64, tpu.core_type = #tpu.core_type<sc_vector_subcore>, window_params = [{transform_indices = #map}, {transform_indices = #map1}, {transform_indices = #map1}, {transform_indices = #map1}, {transform_indices = #map1}, {transform_indices = #map2}]} {
    %mul3A = arith.constant 2 : i32
    %mul3A_0 = arith.muli %arg1, %mul3A : i32
    %add3A = arith.addi %mul3A_0, %arg0 : i32
    %mul3A_1 = arith.constant 4 : i32
    %mul3A_2 = arith.muli %add3A, %mul3A_1 : i32
    "tpu.region"() ({
      %run_scoped3A = tpu.sem_alloc : memref<!tpu.dma_semaphore, #tpu.memory_space<semaphore_mem>>
      tpu.enqueue_dma source(%arg3 : memref<500xf32, #tpu.memory_space<hbm>>) target(%arg8 : memref<500xf32, #tpu.memory_space<vmem>>) target_semaphore(%run_scoped3A : memref<!tpu.dma_semaphore, #tpu.memory_space<semaphore_mem>>)
      tpu.wait_dma2 semaphore(%run_scoped3A : memref<!tpu.dma_semaphore, #tpu.memory_space<semaphore_mem>>) src(%arg3 : memref<500xf32, #tpu.memory_space<hbm>>) dst(%arg8 : memref<500xf32, #tpu.memory_space<vmem>>)
      tpu.yield
    }) : () -> ()
    "tpu.region"() ({
      %run_scoped3A = tpu.sem_alloc : memref<!tpu.dma_semaphore, #tpu.memory_space<semaphore_mem>>
      tpu.enqueue_dma source(%arg4 : memref<400xf32, #tpu.memory_space<hbm>>) target(%arg9 : memref<400xf32, #tpu.memory_space<vmem>>) target_semaphore(%run_scoped3A : memref<!tpu.dma_semaphore, #tpu.memory_space<semaphore_mem>>)
      tpu.wait_dma2 semaphore(%run_scoped3A : memref<!tpu.dma_semaphore, #tpu.memory_space<semaphore_mem>>) src(%arg4 : memref<400xf32, #tpu.memory_space<hbm>>) dst(%arg9 : memref<400xf32, #tpu.memory_space<vmem>>)
      tpu.yield
    }) : () -> ()
    "tpu.region"() ({
      %run_scoped3A = tpu.sem_alloc : memref<!tpu.dma_semaphore, #tpu.memory_space<semaphore_mem>>
      tpu.enqueue_dma source(%arg5 : memref<6400xf32, #tpu.memory_space<hbm>>) target(%arg10 : memref<6400xf32, #tpu.memory_space<vmem>>) target_semaphore(%run_scoped3A : memref<!tpu.dma_semaphore, #tpu.memory_space<semaphore_mem>>)
      tpu.wait_dma2 semaphore(%run_scoped3A : memref<!tpu.dma_semaphore, #tpu.memory_space<semaphore_mem>>) src(%arg5 : memref<6400xf32, #tpu.memory_space<hbm>>) dst(%arg10 : memref<6400xf32, #tpu.memory_space<vmem>>)
      tpu.yield
    }) : () -> ()
    "tpu.region"() ({
      %run_scoped3A = tpu.sem_alloc : memref<!tpu.dma_semaphore, #tpu.memory_space<semaphore_mem>>
      tpu.enqueue_dma source(%arg6 : memref<6400xf32, #tpu.memory_space<hbm>>) target(%arg11 : memref<6400xf32, #tpu.memory_space<vmem>>) target_semaphore(%run_scoped3A : memref<!tpu.dma_semaphore, #tpu.memory_space<semaphore_mem>>)
      tpu.wait_dma2 semaphore(%run_scoped3A : memref<!tpu.dma_semaphore, #tpu.memory_space<semaphore_mem>>) src(%arg6 : memref<6400xf32, #tpu.memory_space<hbm>>) dst(%arg11 : memref<6400xf32, #tpu.memory_space<vmem>>)
      tpu.yield
    }) : () -> ()
    %add3A_3 = arith.constant 0 : i32
    %add3A_4 = arith.addi %mul3A_2, %add3A_3 : i32
    %mul3A_5 = arith.constant 128 : i32
    %mul3A_6 = arith.muli %add3A_4, %mul3A_5 : i32
    "tpu.region"() ({
      %run_scoped3A = tpu.sem_alloc : memref<!tpu.dma_semaphore, #tpu.memory_space<semaphore_mem>>
      %dma_start3A = arith.constant 88 : i32
      %dma_start3A_30 = tpu.memref_slice %arg2[%dma_start3A, %mul3A_6] : memref<100x16384xf32, #tpu.memory_space<hbm>> -> memref<12x128xf32, #tpu.memory_space<hbm>>
      %dma_start3A_31 = arith.constant 88 : i32
      %dma_start3A_32 = tpu.memref_slice %arg2[%dma_start3A_31, %mul3A_6] : memref<100x16384xf32, #tpu.memory_space<hbm>> -> memref<12x128xf32, #tpu.memory_space<hbm>>
      tpu.enqueue_dma source(%dma_start3A_32 : memref<12x128xf32, #tpu.memory_space<hbm>>) target(%arg12 : memref<12x128xf32, #tpu.memory_space<vmem>>) target_semaphore(%run_scoped3A : memref<!tpu.dma_semaphore, #tpu.memory_space<semaphore_mem>>)
      %dma_wait3A = arith.constant 88 : i32
      %dma_wait3A_33 = tpu.memref_slice %arg2[%dma_wait3A, %mul3A_6] : memref<100x16384xf32, #tpu.memory_space<hbm>> -> memref<12x128xf32, #tpu.memory_space<hbm>>
      %dma_wait3A_34 = arith.constant 88 : i32
      %dma_wait3A_35 = tpu.memref_slice %arg2[%dma_wait3A_34, %mul3A_6] : memref<100x16384xf32, #tpu.memory_space<hbm>> -> memref<12x128xf32, #tpu.memory_space<hbm>>
      tpu.wait_dma2 semaphore(%run_scoped3A : memref<!tpu.dma_semaphore, #tpu.memory_space<semaphore_mem>>) src(%dma_wait3A_35 : memref<12x128xf32, #tpu.memory_space<hbm>>) dst(%arg12 : memref<12x128xf32, #tpu.memory_space<vmem>>)
      tpu.yield
    }) : () -> ()
    %parallel_loop3A = arith.constant 0 : i32
    %parallel_loop3A_7 = arith.constant 12 : i32
    %parallel_loop3A_8 = arith.constant 1 : i32
    scf.for %parallel_loop3A_30 = %parallel_loop3A to %parallel_loop3A_7 step %parallel_loop3A_8  : i32 {
      %parallel_loop3A_31 = arith.constant 88 : i32
      %parallel_loop3A_32 = arith.addi %parallel_loop3A_31, %parallel_loop3A_30 : i32
      %parallel_loop3A_33 = arith.constant 5 : i32
      %parallel_loop3A_34 = arith.muli %parallel_loop3A_32, %parallel_loop3A_33 : i32
      %parallel_loop3A_35 = vector.broadcast %parallel_loop3A_34 : i32 to vector<16xi32>
      %parallel_loop3A_36 = arith.constant 4 : i32
      %parallel_loop3A_37 = arith.muli %parallel_loop3A_32, %parallel_loop3A_36 : i32
      %parallel_loop3A_38 = vector.broadcast %parallel_loop3A_37 : i32 to vector<16xi32>
      %parallel_loop3A_39 = arith.constant 64 : i32
      %parallel_loop3A_40 = arith.muli %parallel_loop3A_32, %parallel_loop3A_39 : i32
      %parallel_loop3A_41 = arith.constant 1 : i32
      %parallel_loop3A_42 = vector.broadcast %parallel_loop3A_41 : i32 to vector<16xi32>
      %parallel_loop3A_43 = arith.addi %parallel_loop3A_35, %parallel_loop3A_42 : vector<16xi32>
      %parallel_loop3A_44 = tpu.vector_load_idx %arg8[%parallel_loop3A_43] : memref<500xf32, #tpu.memory_space<vmem>>[vector<16xi32>], vector<16xf32>,
      %parallel_loop3A_45 = arith.constant 2 : i32
      %parallel_loop3A_46 = vector.broadcast %parallel_loop3A_45 : i32 to vector<16xi32>
      %parallel_loop3A_47 = arith.addi %parallel_loop3A_35, %parallel_loop3A_46 : vector<16xi32>
      %parallel_loop3A_48 = tpu.vector_load_idx %arg8[%parallel_loop3A_47] : memref<500xf32, #tpu.memory_space<vmem>>[vector<16xi32>], vector<16xf32>,
      %parallel_loop3A_49 = arith.constant 3 : i32
      %parallel_loop3A_50 = vector.broadcast %parallel_loop3A_49 : i32 to vector<16xi32>
      %parallel_loop3A_51 = arith.addi %parallel_loop3A_35, %parallel_loop3A_50 : vector<16xi32>
      %parallel_loop3A_52 = tpu.vector_load_idx %arg8[%parallel_loop3A_51] : memref<500xf32, #tpu.memory_space<vmem>>[vector<16xi32>], vector<16xf32>,
      %parallel_loop3A_53 = arith.constant 0 : i32
      %parallel_loop3A_54 = arith.constant 8 : i32
      %parallel_loop3A_55 = arith.constant 1 : i32
      scf.for %parallel_loop3A_56 = %parallel_loop3A_53 to %parallel_loop3A_54 step %parallel_loop3A_55  : i32 {
        %parallel_loop3A_57 = arith.constant 16 : i32
        %parallel_loop3A_58 = arith.muli %parallel_loop3A_56, %parallel_loop3A_57 : i32
        %parallel_loop3A_59 = arith.index_cast %parallel_loop3A_30 : i32 to index
        %parallel_loop3A_60 = arith.index_cast %parallel_loop3A_58 : i32 to index
        %parallel_loop3A_61 = tpu.vector_load %arg12[%parallel_loop3A_59, %parallel_loop3A_60] {strides = array<i32>} : memref<12x128xf32, #tpu.memory_space<vmem>>, vector<16xf32>,
        %parallel_loop3A_62 = arith.cmpf ogt, %parallel_loop3A_61, %parallel_loop3A_44 : vector<16xf32>
        %parallel_loop3A_63 = arith.extui %parallel_loop3A_62 : vector<16xi1> to vector<16xi32>
        %parallel_loop3A_64 = arith.cmpf ogt, %parallel_loop3A_61, %parallel_loop3A_48 : vector<16xf32>
        %parallel_loop3A_65 = arith.extui %parallel_loop3A_64 : vector<16xi1> to vector<16xi32>
        %parallel_loop3A_66 = arith.addi %parallel_loop3A_63, %parallel_loop3A_65 : vector<16xi32>
        %parallel_loop3A_67 = arith.cmpf ogt, %parallel_loop3A_61, %parallel_loop3A_52 : vector<16xf32>
        %parallel_loop3A_68 = arith.extui %parallel_loop3A_67 : vector<16xi1> to vector<16xi32>
        %parallel_loop3A_69 = arith.addi %parallel_loop3A_66, %parallel_loop3A_68 : vector<16xi32>
        %parallel_loop3A_70 = arith.addi %parallel_loop3A_35, %parallel_loop3A_69 : vector<16xi32>
        %parallel_loop3A_71 = tpu.vector_load_idx %arg8[%parallel_loop3A_70] : memref<500xf32, #tpu.memory_space<vmem>>[vector<16xi32>], vector<16xf32>,
        %parallel_loop3A_72 = arith.addi %parallel_loop3A_38, %parallel_loop3A_69 : vector<16xi32>
        %parallel_loop3A_73 = tpu.vector_load_idx %arg9[%parallel_loop3A_72] : memref<400xf32, #tpu.memory_space<vmem>>[vector<16xi32>], vector<16xf32>,
        %parallel_loop3A_74 = arith.subf %parallel_loop3A_61, %parallel_loop3A_71 : vector<16xf32>
        %parallel_loop3A_75 = arith.mulf %parallel_loop3A_74, %parallel_loop3A_73 : vector<16xf32>
        %parallel_loop3A_76 = vector.broadcast %parallel_loop3A_40 : i32 to vector<16xi32>
        %parallel_loop3A_77 = arith.constant 16 : i32
        %parallel_loop3A_78 = vector.broadcast %parallel_loop3A_77 : i32 to vector<16xi32>
        %parallel_loop3A_79 = arith.muli %parallel_loop3A_69, %parallel_loop3A_78 : vector<16xi32>
        %parallel_loop3A_80 = arith.addi %parallel_loop3A_76, %parallel_loop3A_79 : vector<16xi32>
        %parallel_loop3A_81 = arith.constant 0 : i32
        %parallel_loop3A_82 = arith.constant 16 : i32
        %parallel_loop3A_83 = arith.constant 1 : i32
        scf.for %parallel_loop3A_84 = %parallel_loop3A_81 to %parallel_loop3A_82 step %parallel_loop3A_83  : i32 {
          %parallel_loop3A_85 = vector.broadcast %parallel_loop3A_84 : i32 to vector<16xi32>
          %parallel_loop3A_86 = arith.addi %parallel_loop3A_80, %parallel_loop3A_85 : vector<16xi32>
          %parallel_loop3A_87 = tpu.vector_load_idx %arg10[%parallel_loop3A_86] : memref<6400xf32, #tpu.memory_space<vmem>>[vector<16xi32>], vector<16xf32>,
          %parallel_loop3A_88 = vector.broadcast %parallel_loop3A_84 : i32 to vector<16xi32>
          %parallel_loop3A_89 = arith.addi %parallel_loop3A_80, %parallel_loop3A_88 : vector<16xi32>
          %parallel_loop3A_90 = tpu.vector_load_idx %arg11[%parallel_loop3A_89] : memref<6400xf32, #tpu.memory_space<vmem>>[vector<16xi32>], vector<16xf32>,
          %parallel_loop3A_91 = arith.mulf %parallel_loop3A_75, %parallel_loop3A_90 : vector<16xf32>
          %parallel_loop3A_92 = arith.addf %parallel_loop3A_87, %parallel_loop3A_91 : vector<16xf32>
          %parallel_loop3A_93 = arith.constant 2 : i32
          %parallel_loop3A_94 = arith.muli %parallel_loop3A_30, %parallel_loop3A_93 : i32
          %parallel_loop3A_95 = arith.constant 8 : i32
          %parallel_loop3A_96 = arith.divsi %parallel_loop3A_84, %parallel_loop3A_95 : i32
          %parallel_loop3A_97 = arith.constant 0 : i32
          %parallel_loop3A_98 = arith.cmpi sgt, %parallel_loop3A_84, %parallel_loop3A_97 : i32
          %parallel_loop3A_99 = arith.extui %parallel_loop3A_98 : i1 to i32
          %parallel_loop3A_100 = arith.constant 0 : i32
          %parallel_loop3A_101 = arith.cmpi slt, %parallel_loop3A_84, %parallel_loop3A_100 : i32
          %parallel_loop3A_102 = arith.extui %parallel_loop3A_101 : i1 to i32
          %parallel_loop3A_103 = arith.subi %parallel_loop3A_99, %parallel_loop3A_102 : i32
          %parallel_loop3A_104 = arith.constant 0 : i32
          %parallel_loop3A_105 = arith.cmpi sgt, %parallel_loop3A_95, %parallel_loop3A_104 : i32
          %parallel_loop3A_106 = arith.extui %parallel_loop3A_105 : i1 to i32
          %parallel_loop3A_107 = arith.constant 0 : i32
          %parallel_loop3A_108 = arith.cmpi slt, %parallel_loop3A_95, %parallel_loop3A_107 : i32
          %parallel_loop3A_109 = arith.extui %parallel_loop3A_108 : i1 to i32
          %parallel_loop3A_110 = arith.subi %parallel_loop3A_106, %parallel_loop3A_109 : i32
          %parallel_loop3A_111 = arith.cmpi ne, %parallel_loop3A_103, %parallel_loop3A_110 : i32
          %parallel_loop3A_112 = arith.remsi %parallel_loop3A_84, %parallel_loop3A_95 : i32
          %parallel_loop3A_113 = arith.constant 0 : i32
          %parallel_loop3A_114 = arith.cmpi ne, %parallel_loop3A_112, %parallel_loop3A_113 : i32
          %parallel_loop3A_115 = arith.andi %parallel_loop3A_111, %parallel_loop3A_114 : i1
          %parallel_loop3A_116 = arith.constant 1 : i32
          %parallel_loop3A_117 = arith.subi %parallel_loop3A_96, %parallel_loop3A_116 : i32
          %parallel_loop3A_118 = arith.select %parallel_loop3A_115, %parallel_loop3A_117, %parallel_loop3A_96 : i32
          %parallel_loop3A_119 = arith.addi %parallel_loop3A_94, %parallel_loop3A_118 : i32
          %parallel_loop3A_120 = arith.constant 8 : i32
          %parallel_loop3A_121 = arith.constant 0 : i32
          %parallel_loop3A_122 = arith.cmpi eq, %parallel_loop3A_120, %parallel_loop3A_121 : i32
          %parallel_loop3A_123 = arith.constant 1 : i32
          %parallel_loop3A_124 = arith.select %parallel_loop3A_122, %parallel_loop3A_123, %parallel_loop3A_120 : i32
          %parallel_loop3A_125 = arith.remsi %parallel_loop3A_84, %parallel_loop3A_124 : i32
          %parallel_loop3A_126 = arith.constant 0 : i32
          %parallel_loop3A_127 = arith.cmpi ne, %parallel_loop3A_125, %parallel_loop3A_126 : i32
          %parallel_loop3A_128 = arith.constant 0 : i32
          %parallel_loop3A_129 = arith.cmpi slt, %parallel_loop3A_125, %parallel_loop3A_128 : i32
          %parallel_loop3A_130 = arith.constant 0 : i32
          %parallel_loop3A_131 = arith.cmpi slt, %parallel_loop3A_124, %parallel_loop3A_130 : i32
          %parallel_loop3A_132 = arith.xori %parallel_loop3A_129, %parallel_loop3A_131 : i1
          %parallel_loop3A_133 = arith.andi %parallel_loop3A_132, %parallel_loop3A_127 : i1
          %parallel_loop3A_134 = arith.addi %parallel_loop3A_125, %parallel_loop3A_124 : i32
          %parallel_loop3A_135 = arith.select %parallel_loop3A_133, %parallel_loop3A_134, %parallel_loop3A_125 : i32
          %parallel_loop3A_136 = arith.constant 128 : i32
          %parallel_loop3A_137 = arith.muli %parallel_loop3A_135, %parallel_loop3A_136 : i32
          %parallel_loop3A_138 = arith.addi %parallel_loop3A_137, %parallel_loop3A_58 : i32
          %parallel_loop3A_139 = arith.constant 0 : i32
          %parallel_loop3A_140 = arith.index_cast %parallel_loop3A_119 : i32 to index
          %parallel_loop3A_141 = arith.index_cast %parallel_loop3A_139 : i32 to index
          %parallel_loop3A_142 = arith.index_cast %parallel_loop3A_138 : i32 to index
          %parallel_loop3A_143 = tpu.vector_load %arg13[%parallel_loop3A_140, %parallel_loop3A_141, %parallel_loop3A_142] {strides = array<i32>} : memref<24x1x1024xf32, #tpu.memory_space<vmem>>, vector<16xf32>,
          tpu.vector_store %arg13[%parallel_loop3A_140, %parallel_loop3A_141, %parallel_loop3A_142], %parallel_loop3A_92 {strides = array<i32>} : memref<24x1x1024xf32, #tpu.memory_space<vmem>>, vector<16xf32>,
        } {sc.loop_unroll_factor = 16 : i64, sc.parallel_access}
      } {sc.loop_unroll_factor = 1 : i64, sc.parallel_access}
    } {sc.loop_unroll_factor = 1 : i64, sc.parallel_access}
    "tpu.region"() ({
      %run_scoped3A = tpu.sem_alloc : memref<!tpu.dma_semaphore, #tpu.memory_space<semaphore_mem>>
      %dma_start3A = arith.constant 0 : i32
      %dma_start3A_30 = arith.constant 0 : i32
      %dma_start3A_31 = tpu.memref_slice %arg7[%dma_start3A, %add3A_4, %dma_start3A_30] : memref<24x128x1024xf32, #tpu.memory_space<hbm>> -> memref<24x1x1024xf32, #tpu.memory_space<hbm>>
      %dma_start3A_32 = arith.constant 0 : i32
      %dma_start3A_33 = arith.constant 0 : i32
      %dma_start3A_34 = tpu.memref_slice %arg7[%dma_start3A_32, %add3A_4, %dma_start3A_33] : memref<24x128x1024xf32, #tpu.memory_space<hbm>> -> memref<24x1x1024xf32, #tpu.memory_space<hbm>>
      tpu.enqueue_dma source(%arg13 : memref<24x1x1024xf32, #tpu.memory_space<vmem>>) target(%dma_start3A_34 : memref<24x1x1024xf32, #tpu.memory_space<hbm>>) target_semaphore(%run_scoped3A : memref<!tpu.dma_semaphore, #tpu.memory_space<semaphore_mem>>)
      %dma_wait3A = arith.constant 0 : i32
      %dma_wait3A_35 = arith.constant 0 : i32
      %dma_wait3A_36 = tpu.memref_slice %arg7[%dma_wait3A, %add3A_4, %dma_wait3A_35] : memref<24x128x1024xf32, #tpu.memory_space<hbm>> -> memref<24x1x1024xf32, #tpu.memory_space<hbm>>
      %dma_wait3A_37 = arith.constant 0 : i32
      %dma_wait3A_38 = arith.constant 0 : i32
      %dma_wait3A_39 = tpu.memref_slice %arg7[%dma_wait3A_37, %add3A_4, %dma_wait3A_38] : memref<24x128x1024xf32, #tpu.memory_space<hbm>> -> memref<24x1x1024xf32, #tpu.memory_space<hbm>>
      tpu.wait_dma2 semaphore(%run_scoped3A : memref<!tpu.dma_semaphore, #tpu.memory_space<semaphore_mem>>) src(%arg13 : memref<24x1x1024xf32, #tpu.memory_space<vmem>>) dst(%dma_wait3A_39 : memref<24x1x1024xf32, #tpu.memory_space<hbm>>)
      tpu.yield
    }) : () -> ()
    %add3A_9 = arith.constant 1 : i32
    %add3A_10 = arith.addi %mul3A_2, %add3A_9 : i32
    %mul3A_11 = arith.constant 128 : i32
    %mul3A_12 = arith.muli %add3A_10, %mul3A_11 : i32
    "tpu.region"() ({
      %run_scoped3A = tpu.sem_alloc : memref<!tpu.dma_semaphore, #tpu.memory_space<semaphore_mem>>
      %dma_start3A = arith.constant 88 : i32
      %dma_start3A_30 = tpu.memref_slice %arg2[%dma_start3A, %mul3A_12] : memref<100x16384xf32, #tpu.memory_space<hbm>> -> memref<12x128xf32, #tpu.memory_space<hbm>>
      %dma_start3A_31 = arith.constant 88 : i32
      %dma_start3A_32 = tpu.memref_slice %arg2[%dma_start3A_31, %mul3A_12] : memref<100x16384xf32, #tpu.memory_space<hbm>> -> memref<12x128xf32, #tpu.memory_space<hbm>>
      tpu.enqueue_dma source(%dma_start3A_32 : memref<12x128xf32, #tpu.memory_space<hbm>>) target(%arg12 : memref<12x128xf32, #tpu.memory_space<vmem>>) target_semaphore(%run_scoped3A : memref<!tpu.dma_semaphore, #tpu.memory_space<semaphore_mem>>)
      %dma_wait3A = arith.constant 88 : i32
      %dma_wait3A_33 = tpu.memref_slice %arg2[%dma_wait3A, %mul3A_12] : memref<100x16384xf32, #tpu.memory_space<hbm>> -> memref<12x128xf32, #tpu.memory_space<hbm>>
      %dma_wait3A_34 = arith.constant 88 : i32
      %dma_wait3A_35 = tpu.memref_slice %arg2[%dma_wait3A_34, %mul3A_12] : memref<100x16384xf32, #tpu.memory_space<hbm>> -> memref<12x128xf32, #tpu.memory_space<hbm>>
      tpu.wait_dma2 semaphore(%run_scoped3A : memref<!tpu.dma_semaphore, #tpu.memory_space<semaphore_mem>>) src(%dma_wait3A_35 : memref<12x128xf32, #tpu.memory_space<hbm>>) dst(%arg12 : memref<12x128xf32, #tpu.memory_space<vmem>>)
      tpu.yield
    }) : () -> ()
    %parallel_loop3A_13 = arith.constant 0 : i32
    %parallel_loop3A_14 = arith.constant 12 : i32
    %parallel_loop3A_15 = arith.constant 1 : i32
    scf.for %parallel_loop3A_30 = %parallel_loop3A_13 to %parallel_loop3A_14 step %parallel_loop3A_15  : i32 {
      %parallel_loop3A_31 = arith.constant 88 : i32
      %parallel_loop3A_32 = arith.addi %parallel_loop3A_31, %parallel_loop3A_30 : i32
      %parallel_loop3A_33 = arith.constant 5 : i32
      %parallel_loop3A_34 = arith.muli %parallel_loop3A_32, %parallel_loop3A_33 : i32
      %parallel_loop3A_35 = vector.broadcast %parallel_loop3A_34 : i32 to vector<16xi32>
      %parallel_loop3A_36 = arith.constant 4 : i32
      %parallel_loop3A_37 = arith.muli %parallel_loop3A_32, %parallel_loop3A_36 : i32
      %parallel_loop3A_38 = vector.broadcast %parallel_loop3A_37 : i32 to vector<16xi32>
      %parallel_loop3A_39 = arith.constant 64 : i32
      %parallel_loop3A_40 = arith.muli %parallel_loop3A_32, %parallel_loop3A_39 : i32
      %parallel_loop3A_41 = arith.constant 1 : i32
      %parallel_loop3A_42 = vector.broadcast %parallel_loop3A_41 : i32 to vector<16xi32>
      %parallel_loop3A_43 = arith.addi %parallel_loop3A_35, %parallel_loop3A_42 : vector<16xi32>
      %parallel_loop3A_44 = tpu.vector_load_idx %arg8[%parallel_loop3A_43] : memref<500xf32, #tpu.memory_space<vmem>>[vector<16xi32>], vector<16xf32>,
      %parallel_loop3A_45 = arith.constant 2 : i32
      %parallel_loop3A_46 = vector.broadcast %parallel_loop3A_45 : i32 to vector<16xi32>
      %parallel_loop3A_47 = arith.addi %parallel_loop3A_35, %parallel_loop3A_46 : vector<16xi32>
      %parallel_loop3A_48 = tpu.vector_load_idx %arg8[%parallel_loop3A_47] : memref<500xf32, #tpu.memory_space<vmem>>[vector<16xi32>], vector<16xf32>,
      %parallel_loop3A_49 = arith.constant 3 : i32
      %parallel_loop3A_50 = vector.broadcast %parallel_loop3A_49 : i32 to vector<16xi32>
      %parallel_loop3A_51 = arith.addi %parallel_loop3A_35, %parallel_loop3A_50 : vector<16xi32>
      %parallel_loop3A_52 = tpu.vector_load_idx %arg8[%parallel_loop3A_51] : memref<500xf32, #tpu.memory_space<vmem>>[vector<16xi32>], vector<16xf32>,
      %parallel_loop3A_53 = arith.constant 0 : i32
      %parallel_loop3A_54 = arith.constant 8 : i32
      %parallel_loop3A_55 = arith.constant 1 : i32
      scf.for %parallel_loop3A_56 = %parallel_loop3A_53 to %parallel_loop3A_54 step %parallel_loop3A_55  : i32 {
        %parallel_loop3A_57 = arith.constant 16 : i32
        %parallel_loop3A_58 = arith.muli %parallel_loop3A_56, %parallel_loop3A_57 : i32
        %parallel_loop3A_59 = arith.index_cast %parallel_loop3A_30 : i32 to index
        %parallel_loop3A_60 = arith.index_cast %parallel_loop3A_58 : i32 to index
        %parallel_loop3A_61 = tpu.vector_load %arg12[%parallel_loop3A_59, %parallel_loop3A_60] {strides = array<i32>} : memref<12x128xf32, #tpu.memory_space<vmem>>, vector<16xf32>,
        %parallel_loop3A_62 = arith.cmpf ogt, %parallel_loop3A_61, %parallel_loop3A_44 : vector<16xf32>
        %parallel_loop3A_63 = arith.extui %parallel_loop3A_62 : vector<16xi1> to vector<16xi32>
        %parallel_loop3A_64 = arith.cmpf ogt, %parallel_loop3A_61, %parallel_loop3A_48 : vector<16xf32>
        %parallel_loop3A_65 = arith.extui %parallel_loop3A_64 : vector<16xi1> to vector<16xi32>
        %parallel_loop3A_66 = arith.addi %parallel_loop3A_63, %parallel_loop3A_65 : vector<16xi32>
        %parallel_loop3A_67 = arith.cmpf ogt, %parallel_loop3A_61, %parallel_loop3A_52 : vector<16xf32>
        %parallel_loop3A_68 = arith.extui %parallel_loop3A_67 : vector<16xi1> to vector<16xi32>
        %parallel_loop3A_69 = arith.addi %parallel_loop3A_66, %parallel_loop3A_68 : vector<16xi32>
        %parallel_loop3A_70 = arith.addi %parallel_loop3A_35, %parallel_loop3A_69 : vector<16xi32>
        %parallel_loop3A_71 = tpu.vector_load_idx %arg8[%parallel_loop3A_70] : memref<500xf32, #tpu.memory_space<vmem>>[vector<16xi32>], vector<16xf32>,
        %parallel_loop3A_72 = arith.addi %parallel_loop3A_38, %parallel_loop3A_69 : vector<16xi32>
        %parallel_loop3A_73 = tpu.vector_load_idx %arg9[%parallel_loop3A_72] : memref<400xf32, #tpu.memory_space<vmem>>[vector<16xi32>], vector<16xf32>,
        %parallel_loop3A_74 = arith.subf %parallel_loop3A_61, %parallel_loop3A_71 : vector<16xf32>
        %parallel_loop3A_75 = arith.mulf %parallel_loop3A_74, %parallel_loop3A_73 : vector<16xf32>
        %parallel_loop3A_76 = vector.broadcast %parallel_loop3A_40 : i32 to vector<16xi32>
        %parallel_loop3A_77 = arith.constant 16 : i32
        %parallel_loop3A_78 = vector.broadcast %parallel_loop3A_77 : i32 to vector<16xi32>
        %parallel_loop3A_79 = arith.muli %parallel_loop3A_69, %parallel_loop3A_78 : vector<16xi32>
        %parallel_loop3A_80 = arith.addi %parallel_loop3A_76, %parallel_loop3A_79 : vector<16xi32>
        %parallel_loop3A_81 = arith.constant 0 : i32
        %parallel_loop3A_82 = arith.constant 16 : i32
        %parallel_loop3A_83 = arith.constant 1 : i32
        scf.for %parallel_loop3A_84 = %parallel_loop3A_81 to %parallel_loop3A_82 step %parallel_loop3A_83  : i32 {
          %parallel_loop3A_85 = vector.broadcast %parallel_loop3A_84 : i32 to vector<16xi32>
          %parallel_loop3A_86 = arith.addi %parallel_loop3A_80, %parallel_loop3A_85 : vector<16xi32>
          %parallel_loop3A_87 = tpu.vector_load_idx %arg10[%parallel_loop3A_86] : memref<6400xf32, #tpu.memory_space<vmem>>[vector<16xi32>], vector<16xf32>,
          %parallel_loop3A_88 = vector.broadcast %parallel_loop3A_84 : i32 to vector<16xi32>
          %parallel_loop3A_89 = arith.addi %parallel_loop3A_80, %parallel_loop3A_88 : vector<16xi32>
          %parallel_loop3A_90 = tpu.vector_load_idx %arg11[%parallel_loop3A_89] : memref<6400xf32, #tpu.memory_space<vmem>>[vector<16xi32>], vector<16xf32>,
          %parallel_loop3A_91 = arith.mulf %parallel_loop3A_75, %parallel_loop3A_90 : vector<16xf32>
          %parallel_loop3A_92 = arith.addf %parallel_loop3A_87, %parallel_loop3A_91 : vector<16xf32>
          %parallel_loop3A_93 = arith.constant 2 : i32
          %parallel_loop3A_94 = arith.muli %parallel_loop3A_30, %parallel_loop3A_93 : i32
          %parallel_loop3A_95 = arith.constant 8 : i32
          %parallel_loop3A_96 = arith.divsi %parallel_loop3A_84, %parallel_loop3A_95 : i32
          %parallel_loop3A_97 = arith.constant 0 : i32
          %parallel_loop3A_98 = arith.cmpi sgt, %parallel_loop3A_84, %parallel_loop3A_97 : i32
          %parallel_loop3A_99 = arith.extui %parallel_loop3A_98 : i1 to i32
          %parallel_loop3A_100 = arith.constant 0 : i32
          %parallel_loop3A_101 = arith.cmpi slt, %parallel_loop3A_84, %parallel_loop3A_100 : i32
          %parallel_loop3A_102 = arith.extui %parallel_loop3A_101 : i1 to i32
          %parallel_loop3A_103 = arith.subi %parallel_loop3A_99, %parallel_loop3A_102 : i32
          %parallel_loop3A_104 = arith.constant 0 : i32
          %parallel_loop3A_105 = arith.cmpi sgt, %parallel_loop3A_95, %parallel_loop3A_104 : i32
          %parallel_loop3A_106 = arith.extui %parallel_loop3A_105 : i1 to i32
          %parallel_loop3A_107 = arith.constant 0 : i32
          %parallel_loop3A_108 = arith.cmpi slt, %parallel_loop3A_95, %parallel_loop3A_107 : i32
          %parallel_loop3A_109 = arith.extui %parallel_loop3A_108 : i1 to i32
          %parallel_loop3A_110 = arith.subi %parallel_loop3A_106, %parallel_loop3A_109 : i32
          %parallel_loop3A_111 = arith.cmpi ne, %parallel_loop3A_103, %parallel_loop3A_110 : i32
          %parallel_loop3A_112 = arith.remsi %parallel_loop3A_84, %parallel_loop3A_95 : i32
          %parallel_loop3A_113 = arith.constant 0 : i32
          %parallel_loop3A_114 = arith.cmpi ne, %parallel_loop3A_112, %parallel_loop3A_113 : i32
          %parallel_loop3A_115 = arith.andi %parallel_loop3A_111, %parallel_loop3A_114 : i1
          %parallel_loop3A_116 = arith.constant 1 : i32
          %parallel_loop3A_117 = arith.subi %parallel_loop3A_96, %parallel_loop3A_116 : i32
          %parallel_loop3A_118 = arith.select %parallel_loop3A_115, %parallel_loop3A_117, %parallel_loop3A_96 : i32
          %parallel_loop3A_119 = arith.addi %parallel_loop3A_94, %parallel_loop3A_118 : i32
          %parallel_loop3A_120 = arith.constant 8 : i32
          %parallel_loop3A_121 = arith.constant 0 : i32
          %parallel_loop3A_122 = arith.cmpi eq, %parallel_loop3A_120, %parallel_loop3A_121 : i32
          %parallel_loop3A_123 = arith.constant 1 : i32
          %parallel_loop3A_124 = arith.select %parallel_loop3A_122, %parallel_loop3A_123, %parallel_loop3A_120 : i32
          %parallel_loop3A_125 = arith.remsi %parallel_loop3A_84, %parallel_loop3A_124 : i32
          %parallel_loop3A_126 = arith.constant 0 : i32
          %parallel_loop3A_127 = arith.cmpi ne, %parallel_loop3A_125, %parallel_loop3A_126 : i32
          %parallel_loop3A_128 = arith.constant 0 : i32
          %parallel_loop3A_129 = arith.cmpi slt, %parallel_loop3A_125, %parallel_loop3A_128 : i32
          %parallel_loop3A_130 = arith.constant 0 : i32
          %parallel_loop3A_131 = arith.cmpi slt, %parallel_loop3A_124, %parallel_loop3A_130 : i32
          %parallel_loop3A_132 = arith.xori %parallel_loop3A_129, %parallel_loop3A_131 : i1
          %parallel_loop3A_133 = arith.andi %parallel_loop3A_132, %parallel_loop3A_127 : i1
          %parallel_loop3A_134 = arith.addi %parallel_loop3A_125, %parallel_loop3A_124 : i32
          %parallel_loop3A_135 = arith.select %parallel_loop3A_133, %parallel_loop3A_134, %parallel_loop3A_125 : i32
          %parallel_loop3A_136 = arith.constant 128 : i32
          %parallel_loop3A_137 = arith.muli %parallel_loop3A_135, %parallel_loop3A_136 : i32
          %parallel_loop3A_138 = arith.addi %parallel_loop3A_137, %parallel_loop3A_58 : i32
          %parallel_loop3A_139 = arith.constant 0 : i32
          %parallel_loop3A_140 = arith.index_cast %parallel_loop3A_119 : i32 to index
          %parallel_loop3A_141 = arith.index_cast %parallel_loop3A_139 : i32 to index
          %parallel_loop3A_142 = arith.index_cast %parallel_loop3A_138 : i32 to index
          %parallel_loop3A_143 = tpu.vector_load %arg13[%parallel_loop3A_140, %parallel_loop3A_141, %parallel_loop3A_142] {strides = array<i32>} : memref<24x1x1024xf32, #tpu.memory_space<vmem>>, vector<16xf32>,
          tpu.vector_store %arg13[%parallel_loop3A_140, %parallel_loop3A_141, %parallel_loop3A_142], %parallel_loop3A_92 {strides = array<i32>} : memref<24x1x1024xf32, #tpu.memory_space<vmem>>, vector<16xf32>,
        } {sc.loop_unroll_factor = 16 : i64, sc.parallel_access}
      } {sc.loop_unroll_factor = 1 : i64, sc.parallel_access}
    } {sc.loop_unroll_factor = 1 : i64, sc.parallel_access}
    "tpu.region"() ({
      %run_scoped3A = tpu.sem_alloc : memref<!tpu.dma_semaphore, #tpu.memory_space<semaphore_mem>>
      %dma_start3A = arith.constant 0 : i32
      %dma_start3A_30 = arith.constant 0 : i32
      %dma_start3A_31 = tpu.memref_slice %arg7[%dma_start3A, %add3A_10, %dma_start3A_30] : memref<24x128x1024xf32, #tpu.memory_space<hbm>> -> memref<24x1x1024xf32, #tpu.memory_space<hbm>>
      %dma_start3A_32 = arith.constant 0 : i32
      %dma_start3A_33 = arith.constant 0 : i32
      %dma_start3A_34 = tpu.memref_slice %arg7[%dma_start3A_32, %add3A_10, %dma_start3A_33] : memref<24x128x1024xf32, #tpu.memory_space<hbm>> -> memref<24x1x1024xf32, #tpu.memory_space<hbm>>
      tpu.enqueue_dma source(%arg13 : memref<24x1x1024xf32, #tpu.memory_space<vmem>>) target(%dma_start3A_34 : memref<24x1x1024xf32, #tpu.memory_space<hbm>>) target_semaphore(%run_scoped3A : memref<!tpu.dma_semaphore, #tpu.memory_space<semaphore_mem>>)
      %dma_wait3A = arith.constant 0 : i32
      %dma_wait3A_35 = arith.constant 0 : i32
      %dma_wait3A_36 = tpu.memref_slice %arg7[%dma_wait3A, %add3A_10, %dma_wait3A_35] : memref<24x128x1024xf32, #tpu.memory_space<hbm>> -> memref<24x1x1024xf32, #tpu.memory_space<hbm>>
      %dma_wait3A_37 = arith.constant 0 : i32
      %dma_wait3A_38 = arith.constant 0 : i32
      %dma_wait3A_39 = tpu.memref_slice %arg7[%dma_wait3A_37, %add3A_10, %dma_wait3A_38] : memref<24x128x1024xf32, #tpu.memory_space<hbm>> -> memref<24x1x1024xf32, #tpu.memory_space<hbm>>
      tpu.wait_dma2 semaphore(%run_scoped3A : memref<!tpu.dma_semaphore, #tpu.memory_space<semaphore_mem>>) src(%arg13 : memref<24x1x1024xf32, #tpu.memory_space<vmem>>) dst(%dma_wait3A_39 : memref<24x1x1024xf32, #tpu.memory_space<hbm>>)
      tpu.yield
    }) : () -> ()
    %add3A_16 = arith.constant 2 : i32
    %add3A_17 = arith.addi %mul3A_2, %add3A_16 : i32
    %mul3A_18 = arith.constant 128 : i32
    %mul3A_19 = arith.muli %add3A_17, %mul3A_18 : i32
    "tpu.region"() ({
      %run_scoped3A = tpu.sem_alloc : memref<!tpu.dma_semaphore, #tpu.memory_space<semaphore_mem>>
      %dma_start3A = arith.constant 88 : i32
      %dma_start3A_30 = tpu.memref_slice %arg2[%dma_start3A, %mul3A_19] : memref<100x16384xf32, #tpu.memory_space<hbm>> -> memref<12x128xf32, #tpu.memory_space<hbm>>
      %dma_start3A_31 = arith.constant 88 : i32
      %dma_start3A_32 = tpu.memref_slice %arg2[%dma_start3A_31, %mul3A_19] : memref<100x16384xf32, #tpu.memory_space<hbm>> -> memref<12x128xf32, #tpu.memory_space<hbm>>
      tpu.enqueue_dma source(%dma_start3A_32 : memref<12x128xf32, #tpu.memory_space<hbm>>) target(%arg12 : memref<12x128xf32, #tpu.memory_space<vmem>>) target_semaphore(%run_scoped3A : memref<!tpu.dma_semaphore, #tpu.memory_space<semaphore_mem>>)
      %dma_wait3A = arith.constant 88 : i32
      %dma_wait3A_33 = tpu.memref_slice %arg2[%dma_wait3A, %mul3A_19] : memref<100x16384xf32, #tpu.memory_space<hbm>> -> memref<12x128xf32, #tpu.memory_space<hbm>>
      %dma_wait3A_34 = arith.constant 88 : i32
      %dma_wait3A_35 = tpu.memref_slice %arg2[%dma_wait3A_34, %mul3A_19] : memref<100x16384xf32, #tpu.memory_space<hbm>> -> memref<12x128xf32, #tpu.memory_space<hbm>>
      tpu.wait_dma2 semaphore(%run_scoped3A : memref<!tpu.dma_semaphore, #tpu.memory_space<semaphore_mem>>) src(%dma_wait3A_35 : memref<12x128xf32, #tpu.memory_space<hbm>>) dst(%arg12 : memref<12x128xf32, #tpu.memory_space<vmem>>)
      tpu.yield
    }) : () -> ()
    %parallel_loop3A_20 = arith.constant 0 : i32
    %parallel_loop3A_21 = arith.constant 12 : i32
    %parallel_loop3A_22 = arith.constant 1 : i32
    scf.for %parallel_loop3A_30 = %parallel_loop3A_20 to %parallel_loop3A_21 step %parallel_loop3A_22  : i32 {
      %parallel_loop3A_31 = arith.constant 88 : i32
      %parallel_loop3A_32 = arith.addi %parallel_loop3A_31, %parallel_loop3A_30 : i32
      %parallel_loop3A_33 = arith.constant 5 : i32
      %parallel_loop3A_34 = arith.muli %parallel_loop3A_32, %parallel_loop3A_33 : i32
      %parallel_loop3A_35 = vector.broadcast %parallel_loop3A_34 : i32 to vector<16xi32>
      %parallel_loop3A_36 = arith.constant 4 : i32
      %parallel_loop3A_37 = arith.muli %parallel_loop3A_32, %parallel_loop3A_36 : i32
      %parallel_loop3A_38 = vector.broadcast %parallel_loop3A_37 : i32 to vector<16xi32>
      %parallel_loop3A_39 = arith.constant 64 : i32
      %parallel_loop3A_40 = arith.muli %parallel_loop3A_32, %parallel_loop3A_39 : i32
      %parallel_loop3A_41 = arith.constant 1 : i32
      %parallel_loop3A_42 = vector.broadcast %parallel_loop3A_41 : i32 to vector<16xi32>
      %parallel_loop3A_43 = arith.addi %parallel_loop3A_35, %parallel_loop3A_42 : vector<16xi32>
      %parallel_loop3A_44 = tpu.vector_load_idx %arg8[%parallel_loop3A_43] : memref<500xf32, #tpu.memory_space<vmem>>[vector<16xi32>], vector<16xf32>,
      %parallel_loop3A_45 = arith.constant 2 : i32
      %parallel_loop3A_46 = vector.broadcast %parallel_loop3A_45 : i32 to vector<16xi32>
      %parallel_loop3A_47 = arith.addi %parallel_loop3A_35, %parallel_loop3A_46 : vector<16xi32>
      %parallel_loop3A_48 = tpu.vector_load_idx %arg8[%parallel_loop3A_47] : memref<500xf32, #tpu.memory_space<vmem>>[vector<16xi32>], vector<16xf32>,
      %parallel_loop3A_49 = arith.constant 3 : i32
      %parallel_loop3A_50 = vector.broadcast %parallel_loop3A_49 : i32 to vector<16xi32>
      %parallel_loop3A_51 = arith.addi %parallel_loop3A_35, %parallel_loop3A_50 : vector<16xi32>
      %parallel_loop3A_52 = tpu.vector_load_idx %arg8[%parallel_loop3A_51] : memref<500xf32, #tpu.memory_space<vmem>>[vector<16xi32>], vector<16xf32>,
      %parallel_loop3A_53 = arith.constant 0 : i32
      %parallel_loop3A_54 = arith.constant 8 : i32
      %parallel_loop3A_55 = arith.constant 1 : i32
      scf.for %parallel_loop3A_56 = %parallel_loop3A_53 to %parallel_loop3A_54 step %parallel_loop3A_55  : i32 {
        %parallel_loop3A_57 = arith.constant 16 : i32
        %parallel_loop3A_58 = arith.muli %parallel_loop3A_56, %parallel_loop3A_57 : i32
        %parallel_loop3A_59 = arith.index_cast %parallel_loop3A_30 : i32 to index
        %parallel_loop3A_60 = arith.index_cast %parallel_loop3A_58 : i32 to index
        %parallel_loop3A_61 = tpu.vector_load %arg12[%parallel_loop3A_59, %parallel_loop3A_60] {strides = array<i32>} : memref<12x128xf32, #tpu.memory_space<vmem>>, vector<16xf32>,
        %parallel_loop3A_62 = arith.cmpf ogt, %parallel_loop3A_61, %parallel_loop3A_44 : vector<16xf32>
        %parallel_loop3A_63 = arith.extui %parallel_loop3A_62 : vector<16xi1> to vector<16xi32>
        %parallel_loop3A_64 = arith.cmpf ogt, %parallel_loop3A_61, %parallel_loop3A_48 : vector<16xf32>
        %parallel_loop3A_65 = arith.extui %parallel_loop3A_64 : vector<16xi1> to vector<16xi32>
        %parallel_loop3A_66 = arith.addi %parallel_loop3A_63, %parallel_loop3A_65 : vector<16xi32>
        %parallel_loop3A_67 = arith.cmpf ogt, %parallel_loop3A_61, %parallel_loop3A_52 : vector<16xf32>
        %parallel_loop3A_68 = arith.extui %parallel_loop3A_67 : vector<16xi1> to vector<16xi32>
        %parallel_loop3A_69 = arith.addi %parallel_loop3A_66, %parallel_loop3A_68 : vector<16xi32>
        %parallel_loop3A_70 = arith.addi %parallel_loop3A_35, %parallel_loop3A_69 : vector<16xi32>
        %parallel_loop3A_71 = tpu.vector_load_idx %arg8[%parallel_loop3A_70] : memref<500xf32, #tpu.memory_space<vmem>>[vector<16xi32>], vector<16xf32>,
        %parallel_loop3A_72 = arith.addi %parallel_loop3A_38, %parallel_loop3A_69 : vector<16xi32>
        %parallel_loop3A_73 = tpu.vector_load_idx %arg9[%parallel_loop3A_72] : memref<400xf32, #tpu.memory_space<vmem>>[vector<16xi32>], vector<16xf32>,
        %parallel_loop3A_74 = arith.subf %parallel_loop3A_61, %parallel_loop3A_71 : vector<16xf32>
        %parallel_loop3A_75 = arith.mulf %parallel_loop3A_74, %parallel_loop3A_73 : vector<16xf32>
        %parallel_loop3A_76 = vector.broadcast %parallel_loop3A_40 : i32 to vector<16xi32>
        %parallel_loop3A_77 = arith.constant 16 : i32
        %parallel_loop3A_78 = vector.broadcast %parallel_loop3A_77 : i32 to vector<16xi32>
        %parallel_loop3A_79 = arith.muli %parallel_loop3A_69, %parallel_loop3A_78 : vector<16xi32>
        %parallel_loop3A_80 = arith.addi %parallel_loop3A_76, %parallel_loop3A_79 : vector<16xi32>
        %parallel_loop3A_81 = arith.constant 0 : i32
        %parallel_loop3A_82 = arith.constant 16 : i32
        %parallel_loop3A_83 = arith.constant 1 : i32
        scf.for %parallel_loop3A_84 = %parallel_loop3A_81 to %parallel_loop3A_82 step %parallel_loop3A_83  : i32 {
          %parallel_loop3A_85 = vector.broadcast %parallel_loop3A_84 : i32 to vector<16xi32>
          %parallel_loop3A_86 = arith.addi %parallel_loop3A_80, %parallel_loop3A_85 : vector<16xi32>
          %parallel_loop3A_87 = tpu.vector_load_idx %arg10[%parallel_loop3A_86] : memref<6400xf32, #tpu.memory_space<vmem>>[vector<16xi32>], vector<16xf32>,
          %parallel_loop3A_88 = vector.broadcast %parallel_loop3A_84 : i32 to vector<16xi32>
          %parallel_loop3A_89 = arith.addi %parallel_loop3A_80, %parallel_loop3A_88 : vector<16xi32>
          %parallel_loop3A_90 = tpu.vector_load_idx %arg11[%parallel_loop3A_89] : memref<6400xf32, #tpu.memory_space<vmem>>[vector<16xi32>], vector<16xf32>,
          %parallel_loop3A_91 = arith.mulf %parallel_loop3A_75, %parallel_loop3A_90 : vector<16xf32>
          %parallel_loop3A_92 = arith.addf %parallel_loop3A_87, %parallel_loop3A_91 : vector<16xf32>
          %parallel_loop3A_93 = arith.constant 2 : i32
          %parallel_loop3A_94 = arith.muli %parallel_loop3A_30, %parallel_loop3A_93 : i32
          %parallel_loop3A_95 = arith.constant 8 : i32
          %parallel_loop3A_96 = arith.divsi %parallel_loop3A_84, %parallel_loop3A_95 : i32
          %parallel_loop3A_97 = arith.constant 0 : i32
          %parallel_loop3A_98 = arith.cmpi sgt, %parallel_loop3A_84, %parallel_loop3A_97 : i32
          %parallel_loop3A_99 = arith.extui %parallel_loop3A_98 : i1 to i32
          %parallel_loop3A_100 = arith.constant 0 : i32
          %parallel_loop3A_101 = arith.cmpi slt, %parallel_loop3A_84, %parallel_loop3A_100 : i32
          %parallel_loop3A_102 = arith.extui %parallel_loop3A_101 : i1 to i32
          %parallel_loop3A_103 = arith.subi %parallel_loop3A_99, %parallel_loop3A_102 : i32
          %parallel_loop3A_104 = arith.constant 0 : i32
          %parallel_loop3A_105 = arith.cmpi sgt, %parallel_loop3A_95, %parallel_loop3A_104 : i32
          %parallel_loop3A_106 = arith.extui %parallel_loop3A_105 : i1 to i32
          %parallel_loop3A_107 = arith.constant 0 : i32
          %parallel_loop3A_108 = arith.cmpi slt, %parallel_loop3A_95, %parallel_loop3A_107 : i32
          %parallel_loop3A_109 = arith.extui %parallel_loop3A_108 : i1 to i32
          %parallel_loop3A_110 = arith.subi %parallel_loop3A_106, %parallel_loop3A_109 : i32
          %parallel_loop3A_111 = arith.cmpi ne, %parallel_loop3A_103, %parallel_loop3A_110 : i32
          %parallel_loop3A_112 = arith.remsi %parallel_loop3A_84, %parallel_loop3A_95 : i32
          %parallel_loop3A_113 = arith.constant 0 : i32
          %parallel_loop3A_114 = arith.cmpi ne, %parallel_loop3A_112, %parallel_loop3A_113 : i32
          %parallel_loop3A_115 = arith.andi %parallel_loop3A_111, %parallel_loop3A_114 : i1
          %parallel_loop3A_116 = arith.constant 1 : i32
          %parallel_loop3A_117 = arith.subi %parallel_loop3A_96, %parallel_loop3A_116 : i32
          %parallel_loop3A_118 = arith.select %parallel_loop3A_115, %parallel_loop3A_117, %parallel_loop3A_96 : i32
          %parallel_loop3A_119 = arith.addi %parallel_loop3A_94, %parallel_loop3A_118 : i32
          %parallel_loop3A_120 = arith.constant 8 : i32
          %parallel_loop3A_121 = arith.constant 0 : i32
          %parallel_loop3A_122 = arith.cmpi eq, %parallel_loop3A_120, %parallel_loop3A_121 : i32
          %parallel_loop3A_123 = arith.constant 1 : i32
          %parallel_loop3A_124 = arith.select %parallel_loop3A_122, %parallel_loop3A_123, %parallel_loop3A_120 : i32
          %parallel_loop3A_125 = arith.remsi %parallel_loop3A_84, %parallel_loop3A_124 : i32
          %parallel_loop3A_126 = arith.constant 0 : i32
          %parallel_loop3A_127 = arith.cmpi ne, %parallel_loop3A_125, %parallel_loop3A_126 : i32
          %parallel_loop3A_128 = arith.constant 0 : i32
          %parallel_loop3A_129 = arith.cmpi slt, %parallel_loop3A_125, %parallel_loop3A_128 : i32
          %parallel_loop3A_130 = arith.constant 0 : i32
          %parallel_loop3A_131 = arith.cmpi slt, %parallel_loop3A_124, %parallel_loop3A_130 : i32
          %parallel_loop3A_132 = arith.xori %parallel_loop3A_129, %parallel_loop3A_131 : i1
          %parallel_loop3A_133 = arith.andi %parallel_loop3A_132, %parallel_loop3A_127 : i1
          %parallel_loop3A_134 = arith.addi %parallel_loop3A_125, %parallel_loop3A_124 : i32
          %parallel_loop3A_135 = arith.select %parallel_loop3A_133, %parallel_loop3A_134, %parallel_loop3A_125 : i32
          %parallel_loop3A_136 = arith.constant 128 : i32
          %parallel_loop3A_137 = arith.muli %parallel_loop3A_135, %parallel_loop3A_136 : i32
          %parallel_loop3A_138 = arith.addi %parallel_loop3A_137, %parallel_loop3A_58 : i32
          %parallel_loop3A_139 = arith.constant 0 : i32
          %parallel_loop3A_140 = arith.index_cast %parallel_loop3A_119 : i32 to index
          %parallel_loop3A_141 = arith.index_cast %parallel_loop3A_139 : i32 to index
          %parallel_loop3A_142 = arith.index_cast %parallel_loop3A_138 : i32 to index
          %parallel_loop3A_143 = tpu.vector_load %arg13[%parallel_loop3A_140, %parallel_loop3A_141, %parallel_loop3A_142] {strides = array<i32>} : memref<24x1x1024xf32, #tpu.memory_space<vmem>>, vector<16xf32>,
          tpu.vector_store %arg13[%parallel_loop3A_140, %parallel_loop3A_141, %parallel_loop3A_142], %parallel_loop3A_92 {strides = array<i32>} : memref<24x1x1024xf32, #tpu.memory_space<vmem>>, vector<16xf32>,
        } {sc.loop_unroll_factor = 16 : i64, sc.parallel_access}
      } {sc.loop_unroll_factor = 1 : i64, sc.parallel_access}
    } {sc.loop_unroll_factor = 1 : i64, sc.parallel_access}
    "tpu.region"() ({
      %run_scoped3A = tpu.sem_alloc : memref<!tpu.dma_semaphore, #tpu.memory_space<semaphore_mem>>
      %dma_start3A = arith.constant 0 : i32
      %dma_start3A_30 = arith.constant 0 : i32
      %dma_start3A_31 = tpu.memref_slice %arg7[%dma_start3A, %add3A_17, %dma_start3A_30] : memref<24x128x1024xf32, #tpu.memory_space<hbm>> -> memref<24x1x1024xf32, #tpu.memory_space<hbm>>
      %dma_start3A_32 = arith.constant 0 : i32
      %dma_start3A_33 = arith.constant 0 : i32
      %dma_start3A_34 = tpu.memref_slice %arg7[%dma_start3A_32, %add3A_17, %dma_start3A_33] : memref<24x128x1024xf32, #tpu.memory_space<hbm>> -> memref<24x1x1024xf32, #tpu.memory_space<hbm>>
      tpu.enqueue_dma source(%arg13 : memref<24x1x1024xf32, #tpu.memory_space<vmem>>) target(%dma_start3A_34 : memref<24x1x1024xf32, #tpu.memory_space<hbm>>) target_semaphore(%run_scoped3A : memref<!tpu.dma_semaphore, #tpu.memory_space<semaphore_mem>>)
      %dma_wait3A = arith.constant 0 : i32
      %dma_wait3A_35 = arith.constant 0 : i32
      %dma_wait3A_36 = tpu.memref_slice %arg7[%dma_wait3A, %add3A_17, %dma_wait3A_35] : memref<24x128x1024xf32, #tpu.memory_space<hbm>> -> memref<24x1x1024xf32, #tpu.memory_space<hbm>>
      %dma_wait3A_37 = arith.constant 0 : i32
      %dma_wait3A_38 = arith.constant 0 : i32
      %dma_wait3A_39 = tpu.memref_slice %arg7[%dma_wait3A_37, %add3A_17, %dma_wait3A_38] : memref<24x128x1024xf32, #tpu.memory_space<hbm>> -> memref<24x1x1024xf32, #tpu.memory_space<hbm>>
      tpu.wait_dma2 semaphore(%run_scoped3A : memref<!tpu.dma_semaphore, #tpu.memory_space<semaphore_mem>>) src(%arg13 : memref<24x1x1024xf32, #tpu.memory_space<vmem>>) dst(%dma_wait3A_39 : memref<24x1x1024xf32, #tpu.memory_space<hbm>>)
      tpu.yield
    }) : () -> ()
    %add3A_23 = arith.constant 3 : i32
    %add3A_24 = arith.addi %mul3A_2, %add3A_23 : i32
    %mul3A_25 = arith.constant 128 : i32
    %mul3A_26 = arith.muli %add3A_24, %mul3A_25 : i32
    "tpu.region"() ({
      %run_scoped3A = tpu.sem_alloc : memref<!tpu.dma_semaphore, #tpu.memory_space<semaphore_mem>>
      %dma_start3A = arith.constant 88 : i32
      %dma_start3A_30 = tpu.memref_slice %arg2[%dma_start3A, %mul3A_26] : memref<100x16384xf32, #tpu.memory_space<hbm>> -> memref<12x128xf32, #tpu.memory_space<hbm>>
      %dma_start3A_31 = arith.constant 88 : i32
      %dma_start3A_32 = tpu.memref_slice %arg2[%dma_start3A_31, %mul3A_26] : memref<100x16384xf32, #tpu.memory_space<hbm>> -> memref<12x128xf32, #tpu.memory_space<hbm>>
      tpu.enqueue_dma source(%dma_start3A_32 : memref<12x128xf32, #tpu.memory_space<hbm>>) target(%arg12 : memref<12x128xf32, #tpu.memory_space<vmem>>) target_semaphore(%run_scoped3A : memref<!tpu.dma_semaphore, #tpu.memory_space<semaphore_mem>>)
      %dma_wait3A = arith.constant 88 : i32
      %dma_wait3A_33 = tpu.memref_slice %arg2[%dma_wait3A, %mul3A_26] : memref<100x16384xf32, #tpu.memory_space<hbm>> -> memref<12x128xf32, #tpu.memory_space<hbm>>
      %dma_wait3A_34 = arith.constant 88 : i32
      %dma_wait3A_35 = tpu.memref_slice %arg2[%dma_wait3A_34, %mul3A_26] : memref<100x16384xf32, #tpu.memory_space<hbm>> -> memref<12x128xf32, #tpu.memory_space<hbm>>
      tpu.wait_dma2 semaphore(%run_scoped3A : memref<!tpu.dma_semaphore, #tpu.memory_space<semaphore_mem>>) src(%dma_wait3A_35 : memref<12x128xf32, #tpu.memory_space<hbm>>) dst(%arg12 : memref<12x128xf32, #tpu.memory_space<vmem>>)
      tpu.yield
    }) : () -> ()
    %parallel_loop3A_27 = arith.constant 0 : i32
    %parallel_loop3A_28 = arith.constant 12 : i32
    %parallel_loop3A_29 = arith.constant 1 : i32
    scf.for %parallel_loop3A_30 = %parallel_loop3A_27 to %parallel_loop3A_28 step %parallel_loop3A_29  : i32 {
      %parallel_loop3A_31 = arith.constant 88 : i32
      %parallel_loop3A_32 = arith.addi %parallel_loop3A_31, %parallel_loop3A_30 : i32
      %parallel_loop3A_33 = arith.constant 5 : i32
      %parallel_loop3A_34 = arith.muli %parallel_loop3A_32, %parallel_loop3A_33 : i32
      %parallel_loop3A_35 = vector.broadcast %parallel_loop3A_34 : i32 to vector<16xi32>
      %parallel_loop3A_36 = arith.constant 4 : i32
      %parallel_loop3A_37 = arith.muli %parallel_loop3A_32, %parallel_loop3A_36 : i32
      %parallel_loop3A_38 = vector.broadcast %parallel_loop3A_37 : i32 to vector<16xi32>
      %parallel_loop3A_39 = arith.constant 64 : i32
      %parallel_loop3A_40 = arith.muli %parallel_loop3A_32, %parallel_loop3A_39 : i32
      %parallel_loop3A_41 = arith.constant 1 : i32
      %parallel_loop3A_42 = vector.broadcast %parallel_loop3A_41 : i32 to vector<16xi32>
      %parallel_loop3A_43 = arith.addi %parallel_loop3A_35, %parallel_loop3A_42 : vector<16xi32>
      %parallel_loop3A_44 = tpu.vector_load_idx %arg8[%parallel_loop3A_43] : memref<500xf32, #tpu.memory_space<vmem>>[vector<16xi32>], vector<16xf32>,
      %parallel_loop3A_45 = arith.constant 2 : i32
      %parallel_loop3A_46 = vector.broadcast %parallel_loop3A_45 : i32 to vector<16xi32>
      %parallel_loop3A_47 = arith.addi %parallel_loop3A_35, %parallel_loop3A_46 : vector<16xi32>
      %parallel_loop3A_48 = tpu.vector_load_idx %arg8[%parallel_loop3A_47] : memref<500xf32, #tpu.memory_space<vmem>>[vector<16xi32>], vector<16xf32>,
      %parallel_loop3A_49 = arith.constant 3 : i32
      %parallel_loop3A_50 = vector.broadcast %parallel_loop3A_49 : i32 to vector<16xi32>
      %parallel_loop3A_51 = arith.addi %parallel_loop3A_35, %parallel_loop3A_50 : vector<16xi32>
      %parallel_loop3A_52 = tpu.vector_load_idx %arg8[%parallel_loop3A_51] : memref<500xf32, #tpu.memory_space<vmem>>[vector<16xi32>], vector<16xf32>,
      %parallel_loop3A_53 = arith.constant 0 : i32
      %parallel_loop3A_54 = arith.constant 8 : i32
      %parallel_loop3A_55 = arith.constant 1 : i32
      scf.for %parallel_loop3A_56 = %parallel_loop3A_53 to %parallel_loop3A_54 step %parallel_loop3A_55  : i32 {
        %parallel_loop3A_57 = arith.constant 16 : i32
        %parallel_loop3A_58 = arith.muli %parallel_loop3A_56, %parallel_loop3A_57 : i32
        %parallel_loop3A_59 = arith.index_cast %parallel_loop3A_30 : i32 to index
        %parallel_loop3A_60 = arith.index_cast %parallel_loop3A_58 : i32 to index
        %parallel_loop3A_61 = tpu.vector_load %arg12[%parallel_loop3A_59, %parallel_loop3A_60] {strides = array<i32>} : memref<12x128xf32, #tpu.memory_space<vmem>>, vector<16xf32>,
        %parallel_loop3A_62 = arith.cmpf ogt, %parallel_loop3A_61, %parallel_loop3A_44 : vector<16xf32>
        %parallel_loop3A_63 = arith.extui %parallel_loop3A_62 : vector<16xi1> to vector<16xi32>
        %parallel_loop3A_64 = arith.cmpf ogt, %parallel_loop3A_61, %parallel_loop3A_48 : vector<16xf32>
        %parallel_loop3A_65 = arith.extui %parallel_loop3A_64 : vector<16xi1> to vector<16xi32>
        %parallel_loop3A_66 = arith.addi %parallel_loop3A_63, %parallel_loop3A_65 : vector<16xi32>
        %parallel_loop3A_67 = arith.cmpf ogt, %parallel_loop3A_61, %parallel_loop3A_52 : vector<16xf32>
        %parallel_loop3A_68 = arith.extui %parallel_loop3A_67 : vector<16xi1> to vector<16xi32>
        %parallel_loop3A_69 = arith.addi %parallel_loop3A_66, %parallel_loop3A_68 : vector<16xi32>
        %parallel_loop3A_70 = arith.addi %parallel_loop3A_35, %parallel_loop3A_69 : vector<16xi32>
        %parallel_loop3A_71 = tpu.vector_load_idx %arg8[%parallel_loop3A_70] : memref<500xf32, #tpu.memory_space<vmem>>[vector<16xi32>], vector<16xf32>,
        %parallel_loop3A_72 = arith.addi %parallel_loop3A_38, %parallel_loop3A_69 : vector<16xi32>
        %parallel_loop3A_73 = tpu.vector_load_idx %arg9[%parallel_loop3A_72] : memref<400xf32, #tpu.memory_space<vmem>>[vector<16xi32>], vector<16xf32>,
        %parallel_loop3A_74 = arith.subf %parallel_loop3A_61, %parallel_loop3A_71 : vector<16xf32>
        %parallel_loop3A_75 = arith.mulf %parallel_loop3A_74, %parallel_loop3A_73 : vector<16xf32>
        %parallel_loop3A_76 = vector.broadcast %parallel_loop3A_40 : i32 to vector<16xi32>
        %parallel_loop3A_77 = arith.constant 16 : i32
        %parallel_loop3A_78 = vector.broadcast %parallel_loop3A_77 : i32 to vector<16xi32>
        %parallel_loop3A_79 = arith.muli %parallel_loop3A_69, %parallel_loop3A_78 : vector<16xi32>
        %parallel_loop3A_80 = arith.addi %parallel_loop3A_76, %parallel_loop3A_79 : vector<16xi32>
        %parallel_loop3A_81 = arith.constant 0 : i32
        %parallel_loop3A_82 = arith.constant 16 : i32
        %parallel_loop3A_83 = arith.constant 1 : i32
        scf.for %parallel_loop3A_84 = %parallel_loop3A_81 to %parallel_loop3A_82 step %parallel_loop3A_83  : i32 {
          %parallel_loop3A_85 = vector.broadcast %parallel_loop3A_84 : i32 to vector<16xi32>
          %parallel_loop3A_86 = arith.addi %parallel_loop3A_80, %parallel_loop3A_85 : vector<16xi32>
          %parallel_loop3A_87 = tpu.vector_load_idx %arg10[%parallel_loop3A_86] : memref<6400xf32, #tpu.memory_space<vmem>>[vector<16xi32>], vector<16xf32>,
          %parallel_loop3A_88 = vector.broadcast %parallel_loop3A_84 : i32 to vector<16xi32>
          %parallel_loop3A_89 = arith.addi %parallel_loop3A_80, %parallel_loop3A_88 : vector<16xi32>
          %parallel_loop3A_90 = tpu.vector_load_idx %arg11[%parallel_loop3A_89] : memref<6400xf32, #tpu.memory_space<vmem>>[vector<16xi32>], vector<16xf32>,
          %parallel_loop3A_91 = arith.mulf %parallel_loop3A_75, %parallel_loop3A_90 : vector<16xf32>
          %parallel_loop3A_92 = arith.addf %parallel_loop3A_87, %parallel_loop3A_91 : vector<16xf32>
          %parallel_loop3A_93 = arith.constant 2 : i32
          %parallel_loop3A_94 = arith.muli %parallel_loop3A_30, %parallel_loop3A_93 : i32
          %parallel_loop3A_95 = arith.constant 8 : i32
          %parallel_loop3A_96 = arith.divsi %parallel_loop3A_84, %parallel_loop3A_95 : i32
          %parallel_loop3A_97 = arith.constant 0 : i32
          %parallel_loop3A_98 = arith.cmpi sgt, %parallel_loop3A_84, %parallel_loop3A_97 : i32
          %parallel_loop3A_99 = arith.extui %parallel_loop3A_98 : i1 to i32
          %parallel_loop3A_100 = arith.constant 0 : i32
          %parallel_loop3A_101 = arith.cmpi slt, %parallel_loop3A_84, %parallel_loop3A_100 : i32
          %parallel_loop3A_102 = arith.extui %parallel_loop3A_101 : i1 to i32
          %parallel_loop3A_103 = arith.subi %parallel_loop3A_99, %parallel_loop3A_102 : i32
          %parallel_loop3A_104 = arith.constant 0 : i32
          %parallel_loop3A_105 = arith.cmpi sgt, %parallel_loop3A_95, %parallel_loop3A_104 : i32
          %parallel_loop3A_106 = arith.extui %parallel_loop3A_105 : i1 to i32
          %parallel_loop3A_107 = arith.constant 0 : i32
          %parallel_loop3A_108 = arith.cmpi slt, %parallel_loop3A_95, %parallel_loop3A_107 : i32
          %parallel_loop3A_109 = arith.extui %parallel_loop3A_108 : i1 to i32
          %parallel_loop3A_110 = arith.subi %parallel_loop3A_106, %parallel_loop3A_109 : i32
          %parallel_loop3A_111 = arith.cmpi ne, %parallel_loop3A_103, %parallel_loop3A_110 : i32
          %parallel_loop3A_112 = arith.remsi %parallel_loop3A_84, %parallel_loop3A_95 : i32
          %parallel_loop3A_113 = arith.constant 0 : i32
          %parallel_loop3A_114 = arith.cmpi ne, %parallel_loop3A_112, %parallel_loop3A_113 : i32
          %parallel_loop3A_115 = arith.andi %parallel_loop3A_111, %parallel_loop3A_114 : i1
          %parallel_loop3A_116 = arith.constant 1 : i32
          %parallel_loop3A_117 = arith.subi %parallel_loop3A_96, %parallel_loop3A_116 : i32
          %parallel_loop3A_118 = arith.select %parallel_loop3A_115, %parallel_loop3A_117, %parallel_loop3A_96 : i32
          %parallel_loop3A_119 = arith.addi %parallel_loop3A_94, %parallel_loop3A_118 : i32
          %parallel_loop3A_120 = arith.constant 8 : i32
          %parallel_loop3A_121 = arith.constant 0 : i32
          %parallel_loop3A_122 = arith.cmpi eq, %parallel_loop3A_120, %parallel_loop3A_121 : i32
          %parallel_loop3A_123 = arith.constant 1 : i32
          %parallel_loop3A_124 = arith.select %parallel_loop3A_122, %parallel_loop3A_123, %parallel_loop3A_120 : i32
          %parallel_loop3A_125 = arith.remsi %parallel_loop3A_84, %parallel_loop3A_124 : i32
          %parallel_loop3A_126 = arith.constant 0 : i32
          %parallel_loop3A_127 = arith.cmpi ne, %parallel_loop3A_125, %parallel_loop3A_126 : i32
          %parallel_loop3A_128 = arith.constant 0 : i32
          %parallel_loop3A_129 = arith.cmpi slt, %parallel_loop3A_125, %parallel_loop3A_128 : i32
          %parallel_loop3A_130 = arith.constant 0 : i32
          %parallel_loop3A_131 = arith.cmpi slt, %parallel_loop3A_124, %parallel_loop3A_130 : i32
          %parallel_loop3A_132 = arith.xori %parallel_loop3A_129, %parallel_loop3A_131 : i1
          %parallel_loop3A_133 = arith.andi %parallel_loop3A_132, %parallel_loop3A_127 : i1
          %parallel_loop3A_134 = arith.addi %parallel_loop3A_125, %parallel_loop3A_124 : i32
          %parallel_loop3A_135 = arith.select %parallel_loop3A_133, %parallel_loop3A_134, %parallel_loop3A_125 : i32
          %parallel_loop3A_136 = arith.constant 128 : i32
          %parallel_loop3A_137 = arith.muli %parallel_loop3A_135, %parallel_loop3A_136 : i32
          %parallel_loop3A_138 = arith.addi %parallel_loop3A_137, %parallel_loop3A_58 : i32
          %parallel_loop3A_139 = arith.constant 0 : i32
          %parallel_loop3A_140 = arith.index_cast %parallel_loop3A_119 : i32 to index
          %parallel_loop3A_141 = arith.index_cast %parallel_loop3A_139 : i32 to index
          %parallel_loop3A_142 = arith.index_cast %parallel_loop3A_138 : i32 to index
          %parallel_loop3A_143 = tpu.vector_load %arg13[%parallel_loop3A_140, %parallel_loop3A_141, %parallel_loop3A_142] {strides = array<i32>} : memref<24x1x1024xf32, #tpu.memory_space<vmem>>, vector<16xf32>,
          tpu.vector_store %arg13[%parallel_loop3A_140, %parallel_loop3A_141, %parallel_loop3A_142], %parallel_loop3A_92 {strides = array<i32>} : memref<24x1x1024xf32, #tpu.memory_space<vmem>>, vector<16xf32>,
        } {sc.loop_unroll_factor = 16 : i64, sc.parallel_access}
      } {sc.loop_unroll_factor = 1 : i64, sc.parallel_access}
    } {sc.loop_unroll_factor = 1 : i64, sc.parallel_access}
    "tpu.region"() ({
      %run_scoped3A = tpu.sem_alloc : memref<!tpu.dma_semaphore, #tpu.memory_space<semaphore_mem>>
      %dma_start3A = arith.constant 0 : i32
      %dma_start3A_30 = arith.constant 0 : i32
      %dma_start3A_31 = tpu.memref_slice %arg7[%dma_start3A, %add3A_24, %dma_start3A_30] : memref<24x128x1024xf32, #tpu.memory_space<hbm>> -> memref<24x1x1024xf32, #tpu.memory_space<hbm>>
      %dma_start3A_32 = arith.constant 0 : i32
      %dma_start3A_33 = arith.constant 0 : i32
      %dma_start3A_34 = tpu.memref_slice %arg7[%dma_start3A_32, %add3A_24, %dma_start3A_33] : memref<24x128x1024xf32, #tpu.memory_space<hbm>> -> memref<24x1x1024xf32, #tpu.memory_space<hbm>>
      tpu.enqueue_dma source(%arg13 : memref<24x1x1024xf32, #tpu.memory_space<vmem>>) target(%dma_start3A_34 : memref<24x1x1024xf32, #tpu.memory_space<hbm>>) target_semaphore(%run_scoped3A : memref<!tpu.dma_semaphore, #tpu.memory_space<semaphore_mem>>)
      %dma_wait3A = arith.constant 0 : i32
      %dma_wait3A_35 = arith.constant 0 : i32
      %dma_wait3A_36 = tpu.memref_slice %arg7[%dma_wait3A, %add3A_24, %dma_wait3A_35] : memref<24x128x1024xf32, #tpu.memory_space<hbm>> -> memref<24x1x1024xf32, #tpu.memory_space<hbm>>
      %dma_wait3A_37 = arith.constant 0 : i32
      %dma_wait3A_38 = arith.constant 0 : i32
      %dma_wait3A_39 = tpu.memref_slice %arg7[%dma_wait3A_37, %add3A_24, %dma_wait3A_38] : memref<24x128x1024xf32, #tpu.memory_space<hbm>> -> memref<24x1x1024xf32, #tpu.memory_space<hbm>>
      tpu.wait_dma2 semaphore(%run_scoped3A : memref<!tpu.dma_semaphore, #tpu.memory_space<semaphore_mem>>) src(%arg13 : memref<24x1x1024xf32, #tpu.memory_space<vmem>>) dst(%dma_wait3A_39 : memref<24x1x1024xf32, #tpu.memory_space<hbm>>)
      tpu.yield
    }) : () -> ()
    return
  }
}

module attributes {stable_mosaic.version = 14 : i64} {
  func.func @body(%arg0: i32, %arg1: i32, %arg2: memref<8x4096xf32, #tpu.memory_space<vmem>>, %arg3: memref<128x8xf32, #tpu.memory_space<vmem>>, %arg4: memref<8x4xf32, #tpu.memory_space<vmem>>, %arg5: memref<128x4096xf32, #tpu.memory_space<vmem>>) attributes {dimension_semantics = [#tpu.dimension_semantics<parallel>, #tpu.dimension_semantics<parallel>], iteration_bounds = array<i64: 4, 11>, scalar_prefetch = 0 : i64, scratch_operands = 0 : i64, tpu.core_type = #tpu.core_type<tc>, window_params = [{transform_indices = @transform_0, window_bounds = array<i64: 8, 4096>}, {transform_indices = @transform_1, window_bounds = array<i64: 128, 8>}, {transform_indices = @transform_2, window_bounds = array<i64: 8, 4>}, {transform_indices = @transform_3, window_bounds = array<i64: 128, 4096>}]} {
    %get3A = arith.constant 0 : index
    %get3A_0 = arith.constant 0 : index
    %get3A_1 = vector.load %arg2[%get3A, %get3A_0] : memref<8x4096xf32, #tpu.memory_space<vmem>>, vector<1x4096xf32>
    %broadcast_in_dim3A = vector.shape_cast %get3A_1 : vector<1x4096xf32> to vector<1x4096xf32>
    %broadcast_in_dim3A_2 = vector.broadcast %broadcast_in_dim3A : vector<1x4096xf32> to vector<16x4096xf32>
    %get3A_3 = arith.constant 0 : index
    %get3A_4 = arith.constant 0 : index
    %get3A_5 = vector.load %arg4[%get3A_3, %get3A_4] : memref<8x4xf32, #tpu.memory_space<vmem>>, vector<1x1xf32>
    %gt3A = vector.broadcast %get3A_5 : vector<1x1xf32> to vector<16x4096xf32>
    %gt3A_6 = arith.cmpf ogt, %broadcast_in_dim3A_2, %gt3A : vector<16x4096xf32>
    %get3A_7 = arith.constant 0 : index
    %get3A_8 = arith.constant 1 : index
    %get3A_9 = vector.load %arg4[%get3A_7, %get3A_8] : memref<8x4xf32, #tpu.memory_space<vmem>>, vector<1x1xf32>
    %gt3A_10 = vector.broadcast %get3A_9 : vector<1x1xf32> to vector<16x4096xf32>
    %gt3A_11 = arith.cmpf ogt, %broadcast_in_dim3A_2, %gt3A_10 : vector<16x4096xf32>
    %get3A_12 = arith.constant 0 : index
    %get3A_13 = arith.constant 2 : index
    %get3A_14 = vector.load %arg4[%get3A_12, %get3A_13] : memref<8x4xf32, #tpu.memory_space<vmem>>, vector<1x1xf32>
    %gt3A_15 = vector.broadcast %get3A_14 : vector<1x1xf32> to vector<16x4096xf32>
    %gt3A_16 = arith.cmpf ogt, %broadcast_in_dim3A_2, %gt3A_15 : vector<16x4096xf32>
    %get3A_17 = arith.constant 0 : index
    %get3A_18 = arith.constant 3 : index
    %get3A_19 = vector.load %arg3[%get3A_17, %get3A_18] : memref<128x8xf32, #tpu.memory_space<vmem>>, vector<16x1xf32>
    %get3A_20 = arith.constant 0 : index
    %get3A_21 = arith.constant 2 : index
    %get3A_22 = vector.load %arg3[%get3A_20, %get3A_21] : memref<128x8xf32, #tpu.memory_space<vmem>>, vector<16x1xf32>
    %get3A_23 = arith.constant 0 : index
    %get3A_24 = arith.constant 1 : index
    %get3A_25 = vector.load %arg3[%get3A_23, %get3A_24] : memref<128x8xf32, #tpu.memory_space<vmem>>, vector<16x1xf32>
    %get3A_26 = arith.constant 0 : index
    %get3A_27 = arith.constant 0 : index
    %get3A_28 = vector.load %arg3[%get3A_26, %get3A_27] : memref<128x8xf32, #tpu.memory_space<vmem>>, vector<16x1xf32>
    %broadcast_in_dim3A_29 = vector.shape_cast %get3A_25 : vector<16x1xf32> to vector<16x1xf32>
    %broadcast_in_dim3A_30 = vector.broadcast %broadcast_in_dim3A_29 : vector<16x1xf32> to vector<16x4096xf32>
    %broadcast_in_dim3A_31 = vector.shape_cast %get3A_28 : vector<16x1xf32> to vector<16x1xf32>
    %broadcast_in_dim3A_32 = vector.broadcast %broadcast_in_dim3A_31 : vector<16x1xf32> to vector<16x4096xf32>
    %select_n3A = arith.select %gt3A_6, %broadcast_in_dim3A_30, %broadcast_in_dim3A_32 : vector<16x4096xi1>, vector<16x4096xf32>
    %broadcast_in_dim3A_33 = vector.shape_cast %get3A_22 : vector<16x1xf32> to vector<16x1xf32>
    %broadcast_in_dim3A_34 = vector.broadcast %broadcast_in_dim3A_33 : vector<16x1xf32> to vector<16x4096xf32>
    %select_n3A_35 = arith.select %gt3A_11, %broadcast_in_dim3A_34, %select_n3A : vector<16x4096xi1>, vector<16x4096xf32>
    %broadcast_in_dim3A_36 = vector.shape_cast %get3A_19 : vector<16x1xf32> to vector<16x1xf32>
    %broadcast_in_dim3A_37 = vector.broadcast %broadcast_in_dim3A_36 : vector<16x1xf32> to vector<16x4096xf32>
    %select_n3A_38 = arith.select %gt3A_16, %broadcast_in_dim3A_37, %select_n3A_35 : vector<16x4096xi1>, vector<16x4096xf32>
    %get3A_39 = arith.constant 0 : index
    %get3A_40 = arith.constant 7 : index
    %get3A_41 = vector.load %arg3[%get3A_39, %get3A_40] : memref<128x8xf32, #tpu.memory_space<vmem>>, vector<16x1xf32>
    %get3A_42 = arith.constant 0 : index
    %get3A_43 = arith.constant 6 : index
    %get3A_44 = vector.load %arg3[%get3A_42, %get3A_43] : memref<128x8xf32, #tpu.memory_space<vmem>>, vector<16x1xf32>
    %get3A_45 = arith.constant 0 : index
    %get3A_46 = arith.constant 5 : index
    %get3A_47 = vector.load %arg3[%get3A_45, %get3A_46] : memref<128x8xf32, #tpu.memory_space<vmem>>, vector<16x1xf32>
    %get3A_48 = arith.constant 0 : index
    %get3A_49 = arith.constant 4 : index
    %get3A_50 = vector.load %arg3[%get3A_48, %get3A_49] : memref<128x8xf32, #tpu.memory_space<vmem>>, vector<16x1xf32>
    %broadcast_in_dim3A_51 = vector.shape_cast %get3A_47 : vector<16x1xf32> to vector<16x1xf32>
    %broadcast_in_dim3A_52 = vector.broadcast %broadcast_in_dim3A_51 : vector<16x1xf32> to vector<16x4096xf32>
    %broadcast_in_dim3A_53 = vector.shape_cast %get3A_50 : vector<16x1xf32> to vector<16x1xf32>
    %broadcast_in_dim3A_54 = vector.broadcast %broadcast_in_dim3A_53 : vector<16x1xf32> to vector<16x4096xf32>
    %select_n3A_55 = arith.select %gt3A_6, %broadcast_in_dim3A_52, %broadcast_in_dim3A_54 : vector<16x4096xi1>, vector<16x4096xf32>
    %broadcast_in_dim3A_56 = vector.shape_cast %get3A_44 : vector<16x1xf32> to vector<16x1xf32>
    %broadcast_in_dim3A_57 = vector.broadcast %broadcast_in_dim3A_56 : vector<16x1xf32> to vector<16x4096xf32>
    %select_n3A_58 = arith.select %gt3A_11, %broadcast_in_dim3A_57, %select_n3A_55 : vector<16x4096xi1>, vector<16x4096xf32>
    %broadcast_in_dim3A_59 = vector.shape_cast %get3A_41 : vector<16x1xf32> to vector<16x1xf32>
    %broadcast_in_dim3A_60 = vector.broadcast %broadcast_in_dim3A_59 : vector<16x1xf32> to vector<16x4096xf32>
    %select_n3A_61 = arith.select %gt3A_16, %broadcast_in_dim3A_60, %select_n3A_58 : vector<16x4096xi1>, vector<16x4096xf32>
    %mul3A = arith.mulf %broadcast_in_dim3A_2, %select_n3A_61 : vector<16x4096xf32>
    %add3A = arith.addf %select_n3A_38, %mul3A : vector<16x4096xf32>
    %swap3A = arith.constant 0 : index
    %swap3A_62 = arith.constant 0 : index
    %swap3A_63 = vector.load %arg5[%swap3A, %swap3A_62] : memref<128x4096xf32, #tpu.memory_space<vmem>>, vector<16x4096xf32>
    tpu.vector_store %arg5[%swap3A, %swap3A_62], %add3A {strides = array<i32>} : memref<128x4096xf32, #tpu.memory_space<vmem>>, vector<16x4096xf32>,
    %get3A_64 = arith.constant 1 : index
    %get3A_65 = arith.constant 0 : index
    %get3A_66 = vector.load %arg2[%get3A_64, %get3A_65] : memref<8x4096xf32, #tpu.memory_space<vmem>>, vector<1x4096xf32>
    %broadcast_in_dim3A_67 = vector.shape_cast %get3A_66 : vector<1x4096xf32> to vector<1x4096xf32>
    %broadcast_in_dim3A_68 = vector.broadcast %broadcast_in_dim3A_67 : vector<1x4096xf32> to vector<16x4096xf32>
    %get3A_69 = arith.constant 1 : index
    %get3A_70 = arith.constant 0 : index
    %get3A_71 = vector.load %arg4[%get3A_69, %get3A_70] : memref<8x4xf32, #tpu.memory_space<vmem>>, vector<1x1xf32>
    %gt3A_72 = vector.broadcast %get3A_71 : vector<1x1xf32> to vector<16x4096xf32>
    %gt3A_73 = arith.cmpf ogt, %broadcast_in_dim3A_68, %gt3A_72 : vector<16x4096xf32>
    %get3A_74 = arith.constant 1 : index
    %get3A_75 = arith.constant 1 : index
    %get3A_76 = vector.load %arg4[%get3A_74, %get3A_75] : memref<8x4xf32, #tpu.memory_space<vmem>>, vector<1x1xf32>
    %gt3A_77 = vector.broadcast %get3A_76 : vector<1x1xf32> to vector<16x4096xf32>
    %gt3A_78 = arith.cmpf ogt, %broadcast_in_dim3A_68, %gt3A_77 : vector<16x4096xf32>
    %get3A_79 = arith.constant 1 : index
    %get3A_80 = arith.constant 2 : index
    %get3A_81 = vector.load %arg4[%get3A_79, %get3A_80] : memref<8x4xf32, #tpu.memory_space<vmem>>, vector<1x1xf32>
    %gt3A_82 = vector.broadcast %get3A_81 : vector<1x1xf32> to vector<16x4096xf32>
    %gt3A_83 = arith.cmpf ogt, %broadcast_in_dim3A_68, %gt3A_82 : vector<16x4096xf32>
    %get3A_84 = arith.constant 16 : index
    %get3A_85 = arith.constant 3 : index
    %get3A_86 = vector.load %arg3[%get3A_84, %get3A_85] : memref<128x8xf32, #tpu.memory_space<vmem>>, vector<16x1xf32>
    %get3A_87 = arith.constant 16 : index
    %get3A_88 = arith.constant 2 : index
    %get3A_89 = vector.load %arg3[%get3A_87, %get3A_88] : memref<128x8xf32, #tpu.memory_space<vmem>>, vector<16x1xf32>
    %get3A_90 = arith.constant 16 : index
    %get3A_91 = arith.constant 1 : index
    %get3A_92 = vector.load %arg3[%get3A_90, %get3A_91] : memref<128x8xf32, #tpu.memory_space<vmem>>, vector<16x1xf32>
    %get3A_93 = arith.constant 16 : index
    %get3A_94 = arith.constant 0 : index
    %get3A_95 = vector.load %arg3[%get3A_93, %get3A_94] : memref<128x8xf32, #tpu.memory_space<vmem>>, vector<16x1xf32>
    %broadcast_in_dim3A_96 = vector.shape_cast %get3A_92 : vector<16x1xf32> to vector<16x1xf32>
    %broadcast_in_dim3A_97 = vector.broadcast %broadcast_in_dim3A_96 : vector<16x1xf32> to vector<16x4096xf32>
    %broadcast_in_dim3A_98 = vector.shape_cast %get3A_95 : vector<16x1xf32> to vector<16x1xf32>
    %broadcast_in_dim3A_99 = vector.broadcast %broadcast_in_dim3A_98 : vector<16x1xf32> to vector<16x4096xf32>
    %select_n3A_100 = arith.select %gt3A_73, %broadcast_in_dim3A_97, %broadcast_in_dim3A_99 : vector<16x4096xi1>, vector<16x4096xf32>
    %broadcast_in_dim3A_101 = vector.shape_cast %get3A_89 : vector<16x1xf32> to vector<16x1xf32>
    %broadcast_in_dim3A_102 = vector.broadcast %broadcast_in_dim3A_101 : vector<16x1xf32> to vector<16x4096xf32>
    %select_n3A_103 = arith.select %gt3A_78, %broadcast_in_dim3A_102, %select_n3A_100 : vector<16x4096xi1>, vector<16x4096xf32>
    %broadcast_in_dim3A_104 = vector.shape_cast %get3A_86 : vector<16x1xf32> to vector<16x1xf32>
    %broadcast_in_dim3A_105 = vector.broadcast %broadcast_in_dim3A_104 : vector<16x1xf32> to vector<16x4096xf32>
    %select_n3A_106 = arith.select %gt3A_83, %broadcast_in_dim3A_105, %select_n3A_103 : vector<16x4096xi1>, vector<16x4096xf32>
    %get3A_107 = arith.constant 16 : index
    %get3A_108 = arith.constant 7 : index
    %get3A_109 = vector.load %arg3[%get3A_107, %get3A_108] : memref<128x8xf32, #tpu.memory_space<vmem>>, vector<16x1xf32>
    %get3A_110 = arith.constant 16 : index
    %get3A_111 = arith.constant 6 : index
    %get3A_112 = vector.load %arg3[%get3A_110, %get3A_111] : memref<128x8xf32, #tpu.memory_space<vmem>>, vector<16x1xf32>
    %get3A_113 = arith.constant 16 : index
    %get3A_114 = arith.constant 5 : index
    %get3A_115 = vector.load %arg3[%get3A_113, %get3A_114] : memref<128x8xf32, #tpu.memory_space<vmem>>, vector<16x1xf32>
    %get3A_116 = arith.constant 16 : index
    %get3A_117 = arith.constant 4 : index
    %get3A_118 = vector.load %arg3[%get3A_116, %get3A_117] : memref<128x8xf32, #tpu.memory_space<vmem>>, vector<16x1xf32>
    %broadcast_in_dim3A_119 = vector.shape_cast %get3A_115 : vector<16x1xf32> to vector<16x1xf32>
    %broadcast_in_dim3A_120 = vector.broadcast %broadcast_in_dim3A_119 : vector<16x1xf32> to vector<16x4096xf32>
    %broadcast_in_dim3A_121 = vector.shape_cast %get3A_118 : vector<16x1xf32> to vector<16x1xf32>
    %broadcast_in_dim3A_122 = vector.broadcast %broadcast_in_dim3A_121 : vector<16x1xf32> to vector<16x4096xf32>
    %select_n3A_123 = arith.select %gt3A_73, %broadcast_in_dim3A_120, %broadcast_in_dim3A_122 : vector<16x4096xi1>, vector<16x4096xf32>
    %broadcast_in_dim3A_124 = vector.shape_cast %get3A_112 : vector<16x1xf32> to vector<16x1xf32>
    %broadcast_in_dim3A_125 = vector.broadcast %broadcast_in_dim3A_124 : vector<16x1xf32> to vector<16x4096xf32>
    %select_n3A_126 = arith.select %gt3A_78, %broadcast_in_dim3A_125, %select_n3A_123 : vector<16x4096xi1>, vector<16x4096xf32>
    %broadcast_in_dim3A_127 = vector.shape_cast %get3A_109 : vector<16x1xf32> to vector<16x1xf32>
    %broadcast_in_dim3A_128 = vector.broadcast %broadcast_in_dim3A_127 : vector<16x1xf32> to vector<16x4096xf32>
    %select_n3A_129 = arith.select %gt3A_83, %broadcast_in_dim3A_128, %select_n3A_126 : vector<16x4096xi1>, vector<16x4096xf32>
    %mul3A_130 = arith.mulf %broadcast_in_dim3A_68, %select_n3A_129 : vector<16x4096xf32>
    %add3A_131 = arith.addf %select_n3A_106, %mul3A_130 : vector<16x4096xf32>
    %swap3A_132 = arith.constant 16 : index
    %swap3A_133 = arith.constant 0 : index
    %swap3A_134 = vector.load %arg5[%swap3A_132, %swap3A_133] : memref<128x4096xf32, #tpu.memory_space<vmem>>, vector<16x4096xf32>
    tpu.vector_store %arg5[%swap3A_132, %swap3A_133], %add3A_131 {strides = array<i32>} : memref<128x4096xf32, #tpu.memory_space<vmem>>, vector<16x4096xf32>,
    %get3A_135 = arith.constant 2 : index
    %get3A_136 = arith.constant 0 : index
    %get3A_137 = vector.load %arg2[%get3A_135, %get3A_136] : memref<8x4096xf32, #tpu.memory_space<vmem>>, vector<1x4096xf32>
    %broadcast_in_dim3A_138 = vector.shape_cast %get3A_137 : vector<1x4096xf32> to vector<1x4096xf32>
    %broadcast_in_dim3A_139 = vector.broadcast %broadcast_in_dim3A_138 : vector<1x4096xf32> to vector<16x4096xf32>
    %get3A_140 = arith.constant 2 : index
    %get3A_141 = arith.constant 0 : index
    %get3A_142 = vector.load %arg4[%get3A_140, %get3A_141] : memref<8x4xf32, #tpu.memory_space<vmem>>, vector<1x1xf32>
    %gt3A_143 = vector.broadcast %get3A_142 : vector<1x1xf32> to vector<16x4096xf32>
    %gt3A_144 = arith.cmpf ogt, %broadcast_in_dim3A_139, %gt3A_143 : vector<16x4096xf32>
    %get3A_145 = arith.constant 2 : index
    %get3A_146 = arith.constant 1 : index
    %get3A_147 = vector.load %arg4[%get3A_145, %get3A_146] : memref<8x4xf32, #tpu.memory_space<vmem>>, vector<1x1xf32>
    %gt3A_148 = vector.broadcast %get3A_147 : vector<1x1xf32> to vector<16x4096xf32>
    %gt3A_149 = arith.cmpf ogt, %broadcast_in_dim3A_139, %gt3A_148 : vector<16x4096xf32>
    %get3A_150 = arith.constant 2 : index
    %get3A_151 = arith.constant 2 : index
    %get3A_152 = vector.load %arg4[%get3A_150, %get3A_151] : memref<8x4xf32, #tpu.memory_space<vmem>>, vector<1x1xf32>
    %gt3A_153 = vector.broadcast %get3A_152 : vector<1x1xf32> to vector<16x4096xf32>
    %gt3A_154 = arith.cmpf ogt, %broadcast_in_dim3A_139, %gt3A_153 : vector<16x4096xf32>
    %get3A_155 = arith.constant 32 : index
    %get3A_156 = arith.constant 3 : index
    %get3A_157 = vector.load %arg3[%get3A_155, %get3A_156] : memref<128x8xf32, #tpu.memory_space<vmem>>, vector<16x1xf32>
    %get3A_158 = arith.constant 32 : index
    %get3A_159 = arith.constant 2 : index
    %get3A_160 = vector.load %arg3[%get3A_158, %get3A_159] : memref<128x8xf32, #tpu.memory_space<vmem>>, vector<16x1xf32>
    %get3A_161 = arith.constant 32 : index
    %get3A_162 = arith.constant 1 : index
    %get3A_163 = vector.load %arg3[%get3A_161, %get3A_162] : memref<128x8xf32, #tpu.memory_space<vmem>>, vector<16x1xf32>
    %get3A_164 = arith.constant 32 : index
    %get3A_165 = arith.constant 0 : index
    %get3A_166 = vector.load %arg3[%get3A_164, %get3A_165] : memref<128x8xf32, #tpu.memory_space<vmem>>, vector<16x1xf32>
    %broadcast_in_dim3A_167 = vector.shape_cast %get3A_163 : vector<16x1xf32> to vector<16x1xf32>
    %broadcast_in_dim3A_168 = vector.broadcast %broadcast_in_dim3A_167 : vector<16x1xf32> to vector<16x4096xf32>
    %broadcast_in_dim3A_169 = vector.shape_cast %get3A_166 : vector<16x1xf32> to vector<16x1xf32>
    %broadcast_in_dim3A_170 = vector.broadcast %broadcast_in_dim3A_169 : vector<16x1xf32> to vector<16x4096xf32>
    %select_n3A_171 = arith.select %gt3A_144, %broadcast_in_dim3A_168, %broadcast_in_dim3A_170 : vector<16x4096xi1>, vector<16x4096xf32>
    %broadcast_in_dim3A_172 = vector.shape_cast %get3A_160 : vector<16x1xf32> to vector<16x1xf32>
    %broadcast_in_dim3A_173 = vector.broadcast %broadcast_in_dim3A_172 : vector<16x1xf32> to vector<16x4096xf32>
    %select_n3A_174 = arith.select %gt3A_149, %broadcast_in_dim3A_173, %select_n3A_171 : vector<16x4096xi1>, vector<16x4096xf32>
    %broadcast_in_dim3A_175 = vector.shape_cast %get3A_157 : vector<16x1xf32> to vector<16x1xf32>
    %broadcast_in_dim3A_176 = vector.broadcast %broadcast_in_dim3A_175 : vector<16x1xf32> to vector<16x4096xf32>
    %select_n3A_177 = arith.select %gt3A_154, %broadcast_in_dim3A_176, %select_n3A_174 : vector<16x4096xi1>, vector<16x4096xf32>
    %get3A_178 = arith.constant 32 : index
    %get3A_179 = arith.constant 7 : index
    %get3A_180 = vector.load %arg3[%get3A_178, %get3A_179] : memref<128x8xf32, #tpu.memory_space<vmem>>, vector<16x1xf32>
    %get3A_181 = arith.constant 32 : index
    %get3A_182 = arith.constant 6 : index
    %get3A_183 = vector.load %arg3[%get3A_181, %get3A_182] : memref<128x8xf32, #tpu.memory_space<vmem>>, vector<16x1xf32>
    %get3A_184 = arith.constant 32 : index
    %get3A_185 = arith.constant 5 : index
    %get3A_186 = vector.load %arg3[%get3A_184, %get3A_185] : memref<128x8xf32, #tpu.memory_space<vmem>>, vector<16x1xf32>
    %get3A_187 = arith.constant 32 : index
    %get3A_188 = arith.constant 4 : index
    %get3A_189 = vector.load %arg3[%get3A_187, %get3A_188] : memref<128x8xf32, #tpu.memory_space<vmem>>, vector<16x1xf32>
    %broadcast_in_dim3A_190 = vector.shape_cast %get3A_186 : vector<16x1xf32> to vector<16x1xf32>
    %broadcast_in_dim3A_191 = vector.broadcast %broadcast_in_dim3A_190 : vector<16x1xf32> to vector<16x4096xf32>
    %broadcast_in_dim3A_192 = vector.shape_cast %get3A_189 : vector<16x1xf32> to vector<16x1xf32>
    %broadcast_in_dim3A_193 = vector.broadcast %broadcast_in_dim3A_192 : vector<16x1xf32> to vector<16x4096xf32>
    %select_n3A_194 = arith.select %gt3A_144, %broadcast_in_dim3A_191, %broadcast_in_dim3A_193 : vector<16x4096xi1>, vector<16x4096xf32>
    %broadcast_in_dim3A_195 = vector.shape_cast %get3A_183 : vector<16x1xf32> to vector<16x1xf32>
    %broadcast_in_dim3A_196 = vector.broadcast %broadcast_in_dim3A_195 : vector<16x1xf32> to vector<16x4096xf32>
    %select_n3A_197 = arith.select %gt3A_149, %broadcast_in_dim3A_196, %select_n3A_194 : vector<16x4096xi1>, vector<16x4096xf32>
    %broadcast_in_dim3A_198 = vector.shape_cast %get3A_180 : vector<16x1xf32> to vector<16x1xf32>
    %broadcast_in_dim3A_199 = vector.broadcast %broadcast_in_dim3A_198 : vector<16x1xf32> to vector<16x4096xf32>
    %select_n3A_200 = arith.select %gt3A_154, %broadcast_in_dim3A_199, %select_n3A_197 : vector<16x4096xi1>, vector<16x4096xf32>
    %mul3A_201 = arith.mulf %broadcast_in_dim3A_139, %select_n3A_200 : vector<16x4096xf32>
    %add3A_202 = arith.addf %select_n3A_177, %mul3A_201 : vector<16x4096xf32>
    %swap3A_203 = arith.constant 32 : index
    %swap3A_204 = arith.constant 0 : index
    %swap3A_205 = vector.load %arg5[%swap3A_203, %swap3A_204] : memref<128x4096xf32, #tpu.memory_space<vmem>>, vector<16x4096xf32>
    tpu.vector_store %arg5[%swap3A_203, %swap3A_204], %add3A_202 {strides = array<i32>} : memref<128x4096xf32, #tpu.memory_space<vmem>>, vector<16x4096xf32>,
    %get3A_206 = arith.constant 3 : index
    %get3A_207 = arith.constant 0 : index
    %get3A_208 = vector.load %arg2[%get3A_206, %get3A_207] : memref<8x4096xf32, #tpu.memory_space<vmem>>, vector<1x4096xf32>
    %broadcast_in_dim3A_209 = vector.shape_cast %get3A_208 : vector<1x4096xf32> to vector<1x4096xf32>
    %broadcast_in_dim3A_210 = vector.broadcast %broadcast_in_dim3A_209 : vector<1x4096xf32> to vector<16x4096xf32>
    %get3A_211 = arith.constant 3 : index
    %get3A_212 = arith.constant 0 : index
    %get3A_213 = vector.load %arg4[%get3A_211, %get3A_212] : memref<8x4xf32, #tpu.memory_space<vmem>>, vector<1x1xf32>
    %gt3A_214 = vector.broadcast %get3A_213 : vector<1x1xf32> to vector<16x4096xf32>
    %gt3A_215 = arith.cmpf ogt, %broadcast_in_dim3A_210, %gt3A_214 : vector<16x4096xf32>
    %get3A_216 = arith.constant 3 : index
    %get3A_217 = arith.constant 1 : index
    %get3A_218 = vector.load %arg4[%get3A_216, %get3A_217] : memref<8x4xf32, #tpu.memory_space<vmem>>, vector<1x1xf32>
    %gt3A_219 = vector.broadcast %get3A_218 : vector<1x1xf32> to vector<16x4096xf32>
    %gt3A_220 = arith.cmpf ogt, %broadcast_in_dim3A_210, %gt3A_219 : vector<16x4096xf32>
    %get3A_221 = arith.constant 3 : index
    %get3A_222 = arith.constant 2 : index
    %get3A_223 = vector.load %arg4[%get3A_221, %get3A_222] : memref<8x4xf32, #tpu.memory_space<vmem>>, vector<1x1xf32>
    %gt3A_224 = vector.broadcast %get3A_223 : vector<1x1xf32> to vector<16x4096xf32>
    %gt3A_225 = arith.cmpf ogt, %broadcast_in_dim3A_210, %gt3A_224 : vector<16x4096xf32>
    %get3A_226 = arith.constant 48 : index
    %get3A_227 = arith.constant 3 : index
    %get3A_228 = vector.load %arg3[%get3A_226, %get3A_227] : memref<128x8xf32, #tpu.memory_space<vmem>>, vector<16x1xf32>
    %get3A_229 = arith.constant 48 : index
    %get3A_230 = arith.constant 2 : index
    %get3A_231 = vector.load %arg3[%get3A_229, %get3A_230] : memref<128x8xf32, #tpu.memory_space<vmem>>, vector<16x1xf32>
    %get3A_232 = arith.constant 48 : index
    %get3A_233 = arith.constant 1 : index
    %get3A_234 = vector.load %arg3[%get3A_232, %get3A_233] : memref<128x8xf32, #tpu.memory_space<vmem>>, vector<16x1xf32>
    %get3A_235 = arith.constant 48 : index
    %get3A_236 = arith.constant 0 : index
    %get3A_237 = vector.load %arg3[%get3A_235, %get3A_236] : memref<128x8xf32, #tpu.memory_space<vmem>>, vector<16x1xf32>
    %broadcast_in_dim3A_238 = vector.shape_cast %get3A_234 : vector<16x1xf32> to vector<16x1xf32>
    %broadcast_in_dim3A_239 = vector.broadcast %broadcast_in_dim3A_238 : vector<16x1xf32> to vector<16x4096xf32>
    %broadcast_in_dim3A_240 = vector.shape_cast %get3A_237 : vector<16x1xf32> to vector<16x1xf32>
    %broadcast_in_dim3A_241 = vector.broadcast %broadcast_in_dim3A_240 : vector<16x1xf32> to vector<16x4096xf32>
    %select_n3A_242 = arith.select %gt3A_215, %broadcast_in_dim3A_239, %broadcast_in_dim3A_241 : vector<16x4096xi1>, vector<16x4096xf32>
    %broadcast_in_dim3A_243 = vector.shape_cast %get3A_231 : vector<16x1xf32> to vector<16x1xf32>
    %broadcast_in_dim3A_244 = vector.broadcast %broadcast_in_dim3A_243 : vector<16x1xf32> to vector<16x4096xf32>
    %select_n3A_245 = arith.select %gt3A_220, %broadcast_in_dim3A_244, %select_n3A_242 : vector<16x4096xi1>, vector<16x4096xf32>
    %broadcast_in_dim3A_246 = vector.shape_cast %get3A_228 : vector<16x1xf32> to vector<16x1xf32>
    %broadcast_in_dim3A_247 = vector.broadcast %broadcast_in_dim3A_246 : vector<16x1xf32> to vector<16x4096xf32>
    %select_n3A_248 = arith.select %gt3A_225, %broadcast_in_dim3A_247, %select_n3A_245 : vector<16x4096xi1>, vector<16x4096xf32>
    %get3A_249 = arith.constant 48 : index
    %get3A_250 = arith.constant 7 : index
    %get3A_251 = vector.load %arg3[%get3A_249, %get3A_250] : memref<128x8xf32, #tpu.memory_space<vmem>>, vector<16x1xf32>
    %get3A_252 = arith.constant 48 : index
    %get3A_253 = arith.constant 6 : index
    %get3A_254 = vector.load %arg3[%get3A_252, %get3A_253] : memref<128x8xf32, #tpu.memory_space<vmem>>, vector<16x1xf32>
    %get3A_255 = arith.constant 48 : index
    %get3A_256 = arith.constant 5 : index
    %get3A_257 = vector.load %arg3[%get3A_255, %get3A_256] : memref<128x8xf32, #tpu.memory_space<vmem>>, vector<16x1xf32>
    %get3A_258 = arith.constant 48 : index
    %get3A_259 = arith.constant 4 : index
    %get3A_260 = vector.load %arg3[%get3A_258, %get3A_259] : memref<128x8xf32, #tpu.memory_space<vmem>>, vector<16x1xf32>
    %broadcast_in_dim3A_261 = vector.shape_cast %get3A_257 : vector<16x1xf32> to vector<16x1xf32>
    %broadcast_in_dim3A_262 = vector.broadcast %broadcast_in_dim3A_261 : vector<16x1xf32> to vector<16x4096xf32>
    %broadcast_in_dim3A_263 = vector.shape_cast %get3A_260 : vector<16x1xf32> to vector<16x1xf32>
    %broadcast_in_dim3A_264 = vector.broadcast %broadcast_in_dim3A_263 : vector<16x1xf32> to vector<16x4096xf32>
    %select_n3A_265 = arith.select %gt3A_215, %broadcast_in_dim3A_262, %broadcast_in_dim3A_264 : vector<16x4096xi1>, vector<16x4096xf32>
    %broadcast_in_dim3A_266 = vector.shape_cast %get3A_254 : vector<16x1xf32> to vector<16x1xf32>
    %broadcast_in_dim3A_267 = vector.broadcast %broadcast_in_dim3A_266 : vector<16x1xf32> to vector<16x4096xf32>
    %select_n3A_268 = arith.select %gt3A_220, %broadcast_in_dim3A_267, %select_n3A_265 : vector<16x4096xi1>, vector<16x4096xf32>
    %broadcast_in_dim3A_269 = vector.shape_cast %get3A_251 : vector<16x1xf32> to vector<16x1xf32>
    %broadcast_in_dim3A_270 = vector.broadcast %broadcast_in_dim3A_269 : vector<16x1xf32> to vector<16x4096xf32>
    %select_n3A_271 = arith.select %gt3A_225, %broadcast_in_dim3A_270, %select_n3A_268 : vector<16x4096xi1>, vector<16x4096xf32>
    %mul3A_272 = arith.mulf %broadcast_in_dim3A_210, %select_n3A_271 : vector<16x4096xf32>
    %add3A_273 = arith.addf %select_n3A_248, %mul3A_272 : vector<16x4096xf32>
    %swap3A_274 = arith.constant 48 : index
    %swap3A_275 = arith.constant 0 : index
    %swap3A_276 = vector.load %arg5[%swap3A_274, %swap3A_275] : memref<128x4096xf32, #tpu.memory_space<vmem>>, vector<16x4096xf32>
    tpu.vector_store %arg5[%swap3A_274, %swap3A_275], %add3A_273 {strides = array<i32>} : memref<128x4096xf32, #tpu.memory_space<vmem>>, vector<16x4096xf32>,
    %get3A_277 = arith.constant 4 : index
    %get3A_278 = arith.constant 0 : index
    %get3A_279 = vector.load %arg2[%get3A_277, %get3A_278] : memref<8x4096xf32, #tpu.memory_space<vmem>>, vector<1x4096xf32>
    %broadcast_in_dim3A_280 = vector.shape_cast %get3A_279 : vector<1x4096xf32> to vector<1x4096xf32>
    %broadcast_in_dim3A_281 = vector.broadcast %broadcast_in_dim3A_280 : vector<1x4096xf32> to vector<16x4096xf32>
    %get3A_282 = arith.constant 4 : index
    %get3A_283 = arith.constant 0 : index
    %get3A_284 = vector.load %arg4[%get3A_282, %get3A_283] : memref<8x4xf32, #tpu.memory_space<vmem>>, vector<1x1xf32>
    %gt3A_285 = vector.broadcast %get3A_284 : vector<1x1xf32> to vector<16x4096xf32>
    %gt3A_286 = arith.cmpf ogt, %broadcast_in_dim3A_281, %gt3A_285 : vector<16x4096xf32>
    %get3A_287 = arith.constant 4 : index
    %get3A_288 = arith.constant 1 : index
    %get3A_289 = vector.load %arg4[%get3A_287, %get3A_288] : memref<8x4xf32, #tpu.memory_space<vmem>>, vector<1x1xf32>
    %gt3A_290 = vector.broadcast %get3A_289 : vector<1x1xf32> to vector<16x4096xf32>
    %gt3A_291 = arith.cmpf ogt, %broadcast_in_dim3A_281, %gt3A_290 : vector<16x4096xf32>
    %get3A_292 = arith.constant 4 : index
    %get3A_293 = arith.constant 2 : index
    %get3A_294 = vector.load %arg4[%get3A_292, %get3A_293] : memref<8x4xf32, #tpu.memory_space<vmem>>, vector<1x1xf32>
    %gt3A_295 = vector.broadcast %get3A_294 : vector<1x1xf32> to vector<16x4096xf32>
    %gt3A_296 = arith.cmpf ogt, %broadcast_in_dim3A_281, %gt3A_295 : vector<16x4096xf32>
    %get3A_297 = arith.constant 64 : index
    %get3A_298 = arith.constant 3 : index
    %get3A_299 = vector.load %arg3[%get3A_297, %get3A_298] : memref<128x8xf32, #tpu.memory_space<vmem>>, vector<16x1xf32>
    %get3A_300 = arith.constant 64 : index
    %get3A_301 = arith.constant 2 : index
    %get3A_302 = vector.load %arg3[%get3A_300, %get3A_301] : memref<128x8xf32, #tpu.memory_space<vmem>>, vector<16x1xf32>
    %get3A_303 = arith.constant 64 : index
    %get3A_304 = arith.constant 1 : index
    %get3A_305 = vector.load %arg3[%get3A_303, %get3A_304] : memref<128x8xf32, #tpu.memory_space<vmem>>, vector<16x1xf32>
    %get3A_306 = arith.constant 64 : index
    %get3A_307 = arith.constant 0 : index
    %get3A_308 = vector.load %arg3[%get3A_306, %get3A_307] : memref<128x8xf32, #tpu.memory_space<vmem>>, vector<16x1xf32>
    %broadcast_in_dim3A_309 = vector.shape_cast %get3A_305 : vector<16x1xf32> to vector<16x1xf32>
    %broadcast_in_dim3A_310 = vector.broadcast %broadcast_in_dim3A_309 : vector<16x1xf32> to vector<16x4096xf32>
    %broadcast_in_dim3A_311 = vector.shape_cast %get3A_308 : vector<16x1xf32> to vector<16x1xf32>
    %broadcast_in_dim3A_312 = vector.broadcast %broadcast_in_dim3A_311 : vector<16x1xf32> to vector<16x4096xf32>
    %select_n3A_313 = arith.select %gt3A_286, %broadcast_in_dim3A_310, %broadcast_in_dim3A_312 : vector<16x4096xi1>, vector<16x4096xf32>
    %broadcast_in_dim3A_314 = vector.shape_cast %get3A_302 : vector<16x1xf32> to vector<16x1xf32>
    %broadcast_in_dim3A_315 = vector.broadcast %broadcast_in_dim3A_314 : vector<16x1xf32> to vector<16x4096xf32>
    %select_n3A_316 = arith.select %gt3A_291, %broadcast_in_dim3A_315, %select_n3A_313 : vector<16x4096xi1>, vector<16x4096xf32>
    %broadcast_in_dim3A_317 = vector.shape_cast %get3A_299 : vector<16x1xf32> to vector<16x1xf32>
    %broadcast_in_dim3A_318 = vector.broadcast %broadcast_in_dim3A_317 : vector<16x1xf32> to vector<16x4096xf32>
    %select_n3A_319 = arith.select %gt3A_296, %broadcast_in_dim3A_318, %select_n3A_316 : vector<16x4096xi1>, vector<16x4096xf32>
    %get3A_320 = arith.constant 64 : index
    %get3A_321 = arith.constant 7 : index
    %get3A_322 = vector.load %arg3[%get3A_320, %get3A_321] : memref<128x8xf32, #tpu.memory_space<vmem>>, vector<16x1xf32>
    %get3A_323 = arith.constant 64 : index
    %get3A_324 = arith.constant 6 : index
    %get3A_325 = vector.load %arg3[%get3A_323, %get3A_324] : memref<128x8xf32, #tpu.memory_space<vmem>>, vector<16x1xf32>
    %get3A_326 = arith.constant 64 : index
    %get3A_327 = arith.constant 5 : index
    %get3A_328 = vector.load %arg3[%get3A_326, %get3A_327] : memref<128x8xf32, #tpu.memory_space<vmem>>, vector<16x1xf32>
    %get3A_329 = arith.constant 64 : index
    %get3A_330 = arith.constant 4 : index
    %get3A_331 = vector.load %arg3[%get3A_329, %get3A_330] : memref<128x8xf32, #tpu.memory_space<vmem>>, vector<16x1xf32>
    %broadcast_in_dim3A_332 = vector.shape_cast %get3A_328 : vector<16x1xf32> to vector<16x1xf32>
    %broadcast_in_dim3A_333 = vector.broadcast %broadcast_in_dim3A_332 : vector<16x1xf32> to vector<16x4096xf32>
    %broadcast_in_dim3A_334 = vector.shape_cast %get3A_331 : vector<16x1xf32> to vector<16x1xf32>
    %broadcast_in_dim3A_335 = vector.broadcast %broadcast_in_dim3A_334 : vector<16x1xf32> to vector<16x4096xf32>
    %select_n3A_336 = arith.select %gt3A_286, %broadcast_in_dim3A_333, %broadcast_in_dim3A_335 : vector<16x4096xi1>, vector<16x4096xf32>
    %broadcast_in_dim3A_337 = vector.shape_cast %get3A_325 : vector<16x1xf32> to vector<16x1xf32>
    %broadcast_in_dim3A_338 = vector.broadcast %broadcast_in_dim3A_337 : vector<16x1xf32> to vector<16x4096xf32>
    %select_n3A_339 = arith.select %gt3A_291, %broadcast_in_dim3A_338, %select_n3A_336 : vector<16x4096xi1>, vector<16x4096xf32>
    %broadcast_in_dim3A_340 = vector.shape_cast %get3A_322 : vector<16x1xf32> to vector<16x1xf32>
    %broadcast_in_dim3A_341 = vector.broadcast %broadcast_in_dim3A_340 : vector<16x1xf32> to vector<16x4096xf32>
    %select_n3A_342 = arith.select %gt3A_296, %broadcast_in_dim3A_341, %select_n3A_339 : vector<16x4096xi1>, vector<16x4096xf32>
    %mul3A_343 = arith.mulf %broadcast_in_dim3A_281, %select_n3A_342 : vector<16x4096xf32>
    %add3A_344 = arith.addf %select_n3A_319, %mul3A_343 : vector<16x4096xf32>
    %swap3A_345 = arith.constant 64 : index
    %swap3A_346 = arith.constant 0 : index
    %swap3A_347 = vector.load %arg5[%swap3A_345, %swap3A_346] : memref<128x4096xf32, #tpu.memory_space<vmem>>, vector<16x4096xf32>
    tpu.vector_store %arg5[%swap3A_345, %swap3A_346], %add3A_344 {strides = array<i32>} : memref<128x4096xf32, #tpu.memory_space<vmem>>, vector<16x4096xf32>,
    %get3A_348 = arith.constant 5 : index
    %get3A_349 = arith.constant 0 : index
    %get3A_350 = vector.load %arg2[%get3A_348, %get3A_349] : memref<8x4096xf32, #tpu.memory_space<vmem>>, vector<1x4096xf32>
    %broadcast_in_dim3A_351 = vector.shape_cast %get3A_350 : vector<1x4096xf32> to vector<1x4096xf32>
    %broadcast_in_dim3A_352 = vector.broadcast %broadcast_in_dim3A_351 : vector<1x4096xf32> to vector<16x4096xf32>
    %get3A_353 = arith.constant 5 : index
    %get3A_354 = arith.constant 0 : index
    %get3A_355 = vector.load %arg4[%get3A_353, %get3A_354] : memref<8x4xf32, #tpu.memory_space<vmem>>, vector<1x1xf32>
    %gt3A_356 = vector.broadcast %get3A_355 : vector<1x1xf32> to vector<16x4096xf32>
    %gt3A_357 = arith.cmpf ogt, %broadcast_in_dim3A_352, %gt3A_356 : vector<16x4096xf32>
    %get3A_358 = arith.constant 5 : index
    %get3A_359 = arith.constant 1 : index
    %get3A_360 = vector.load %arg4[%get3A_358, %get3A_359] : memref<8x4xf32, #tpu.memory_space<vmem>>, vector<1x1xf32>
    %gt3A_361 = vector.broadcast %get3A_360 : vector<1x1xf32> to vector<16x4096xf32>
    %gt3A_362 = arith.cmpf ogt, %broadcast_in_dim3A_352, %gt3A_361 : vector<16x4096xf32>
    %get3A_363 = arith.constant 5 : index
    %get3A_364 = arith.constant 2 : index
    %get3A_365 = vector.load %arg4[%get3A_363, %get3A_364] : memref<8x4xf32, #tpu.memory_space<vmem>>, vector<1x1xf32>
    %gt3A_366 = vector.broadcast %get3A_365 : vector<1x1xf32> to vector<16x4096xf32>
    %gt3A_367 = arith.cmpf ogt, %broadcast_in_dim3A_352, %gt3A_366 : vector<16x4096xf32>
    %get3A_368 = arith.constant 80 : index
    %get3A_369 = arith.constant 3 : index
    %get3A_370 = vector.load %arg3[%get3A_368, %get3A_369] : memref<128x8xf32, #tpu.memory_space<vmem>>, vector<16x1xf32>
    %get3A_371 = arith.constant 80 : index
    %get3A_372 = arith.constant 2 : index
    %get3A_373 = vector.load %arg3[%get3A_371, %get3A_372] : memref<128x8xf32, #tpu.memory_space<vmem>>, vector<16x1xf32>
    %get3A_374 = arith.constant 80 : index
    %get3A_375 = arith.constant 1 : index
    %get3A_376 = vector.load %arg3[%get3A_374, %get3A_375] : memref<128x8xf32, #tpu.memory_space<vmem>>, vector<16x1xf32>
    %get3A_377 = arith.constant 80 : index
    %get3A_378 = arith.constant 0 : index
    %get3A_379 = vector.load %arg3[%get3A_377, %get3A_378] : memref<128x8xf32, #tpu.memory_space<vmem>>, vector<16x1xf32>
    %broadcast_in_dim3A_380 = vector.shape_cast %get3A_376 : vector<16x1xf32> to vector<16x1xf32>
    %broadcast_in_dim3A_381 = vector.broadcast %broadcast_in_dim3A_380 : vector<16x1xf32> to vector<16x4096xf32>
    %broadcast_in_dim3A_382 = vector.shape_cast %get3A_379 : vector<16x1xf32> to vector<16x1xf32>
    %broadcast_in_dim3A_383 = vector.broadcast %broadcast_in_dim3A_382 : vector<16x1xf32> to vector<16x4096xf32>
    %select_n3A_384 = arith.select %gt3A_357, %broadcast_in_dim3A_381, %broadcast_in_dim3A_383 : vector<16x4096xi1>, vector<16x4096xf32>
    %broadcast_in_dim3A_385 = vector.shape_cast %get3A_373 : vector<16x1xf32> to vector<16x1xf32>
    %broadcast_in_dim3A_386 = vector.broadcast %broadcast_in_dim3A_385 : vector<16x1xf32> to vector<16x4096xf32>
    %select_n3A_387 = arith.select %gt3A_362, %broadcast_in_dim3A_386, %select_n3A_384 : vector<16x4096xi1>, vector<16x4096xf32>
    %broadcast_in_dim3A_388 = vector.shape_cast %get3A_370 : vector<16x1xf32> to vector<16x1xf32>
    %broadcast_in_dim3A_389 = vector.broadcast %broadcast_in_dim3A_388 : vector<16x1xf32> to vector<16x4096xf32>
    %select_n3A_390 = arith.select %gt3A_367, %broadcast_in_dim3A_389, %select_n3A_387 : vector<16x4096xi1>, vector<16x4096xf32>
    %get3A_391 = arith.constant 80 : index
    %get3A_392 = arith.constant 7 : index
    %get3A_393 = vector.load %arg3[%get3A_391, %get3A_392] : memref<128x8xf32, #tpu.memory_space<vmem>>, vector<16x1xf32>
    %get3A_394 = arith.constant 80 : index
    %get3A_395 = arith.constant 6 : index
    %get3A_396 = vector.load %arg3[%get3A_394, %get3A_395] : memref<128x8xf32, #tpu.memory_space<vmem>>, vector<16x1xf32>
    %get3A_397 = arith.constant 80 : index
    %get3A_398 = arith.constant 5 : index
    %get3A_399 = vector.load %arg3[%get3A_397, %get3A_398] : memref<128x8xf32, #tpu.memory_space<vmem>>, vector<16x1xf32>
    %get3A_400 = arith.constant 80 : index
    %get3A_401 = arith.constant 4 : index
    %get3A_402 = vector.load %arg3[%get3A_400, %get3A_401] : memref<128x8xf32, #tpu.memory_space<vmem>>, vector<16x1xf32>
    %broadcast_in_dim3A_403 = vector.shape_cast %get3A_399 : vector<16x1xf32> to vector<16x1xf32>
    %broadcast_in_dim3A_404 = vector.broadcast %broadcast_in_dim3A_403 : vector<16x1xf32> to vector<16x4096xf32>
    %broadcast_in_dim3A_405 = vector.shape_cast %get3A_402 : vector<16x1xf32> to vector<16x1xf32>
    %broadcast_in_dim3A_406 = vector.broadcast %broadcast_in_dim3A_405 : vector<16x1xf32> to vector<16x4096xf32>
    %select_n3A_407 = arith.select %gt3A_357, %broadcast_in_dim3A_404, %broadcast_in_dim3A_406 : vector<16x4096xi1>, vector<16x4096xf32>
    %broadcast_in_dim3A_408 = vector.shape_cast %get3A_396 : vector<16x1xf32> to vector<16x1xf32>
    %broadcast_in_dim3A_409 = vector.broadcast %broadcast_in_dim3A_408 : vector<16x1xf32> to vector<16x4096xf32>
    %select_n3A_410 = arith.select %gt3A_362, %broadcast_in_dim3A_409, %select_n3A_407 : vector<16x4096xi1>, vector<16x4096xf32>
    %broadcast_in_dim3A_411 = vector.shape_cast %get3A_393 : vector<16x1xf32> to vector<16x1xf32>
    %broadcast_in_dim3A_412 = vector.broadcast %broadcast_in_dim3A_411 : vector<16x1xf32> to vector<16x4096xf32>
    %select_n3A_413 = arith.select %gt3A_367, %broadcast_in_dim3A_412, %select_n3A_410 : vector<16x4096xi1>, vector<16x4096xf32>
    %mul3A_414 = arith.mulf %broadcast_in_dim3A_352, %select_n3A_413 : vector<16x4096xf32>
    %add3A_415 = arith.addf %select_n3A_390, %mul3A_414 : vector<16x4096xf32>
    %swap3A_416 = arith.constant 80 : index
    %swap3A_417 = arith.constant 0 : index
    %swap3A_418 = vector.load %arg5[%swap3A_416, %swap3A_417] : memref<128x4096xf32, #tpu.memory_space<vmem>>, vector<16x4096xf32>
    tpu.vector_store %arg5[%swap3A_416, %swap3A_417], %add3A_415 {strides = array<i32>} : memref<128x4096xf32, #tpu.memory_space<vmem>>, vector<16x4096xf32>,
    %get3A_419 = arith.constant 6 : index
    %get3A_420 = arith.constant 0 : index
    %get3A_421 = vector.load %arg2[%get3A_419, %get3A_420] : memref<8x4096xf32, #tpu.memory_space<vmem>>, vector<1x4096xf32>
    %broadcast_in_dim3A_422 = vector.shape_cast %get3A_421 : vector<1x4096xf32> to vector<1x4096xf32>
    %broadcast_in_dim3A_423 = vector.broadcast %broadcast_in_dim3A_422 : vector<1x4096xf32> to vector<16x4096xf32>
    %get3A_424 = arith.constant 6 : index
    %get3A_425 = arith.constant 0 : index
    %get3A_426 = vector.load %arg4[%get3A_424, %get3A_425] : memref<8x4xf32, #tpu.memory_space<vmem>>, vector<1x1xf32>
    %gt3A_427 = vector.broadcast %get3A_426 : vector<1x1xf32> to vector<16x4096xf32>
    %gt3A_428 = arith.cmpf ogt, %broadcast_in_dim3A_423, %gt3A_427 : vector<16x4096xf32>
    %get3A_429 = arith.constant 6 : index
    %get3A_430 = arith.constant 1 : index
    %get3A_431 = vector.load %arg4[%get3A_429, %get3A_430] : memref<8x4xf32, #tpu.memory_space<vmem>>, vector<1x1xf32>
    %gt3A_432 = vector.broadcast %get3A_431 : vector<1x1xf32> to vector<16x4096xf32>
    %gt3A_433 = arith.cmpf ogt, %broadcast_in_dim3A_423, %gt3A_432 : vector<16x4096xf32>
    %get3A_434 = arith.constant 6 : index
    %get3A_435 = arith.constant 2 : index
    %get3A_436 = vector.load %arg4[%get3A_434, %get3A_435] : memref<8x4xf32, #tpu.memory_space<vmem>>, vector<1x1xf32>
    %gt3A_437 = vector.broadcast %get3A_436 : vector<1x1xf32> to vector<16x4096xf32>
    %gt3A_438 = arith.cmpf ogt, %broadcast_in_dim3A_423, %gt3A_437 : vector<16x4096xf32>
    %get3A_439 = arith.constant 96 : index
    %get3A_440 = arith.constant 3 : index
    %get3A_441 = vector.load %arg3[%get3A_439, %get3A_440] : memref<128x8xf32, #tpu.memory_space<vmem>>, vector<16x1xf32>
    %get3A_442 = arith.constant 96 : index
    %get3A_443 = arith.constant 2 : index
    %get3A_444 = vector.load %arg3[%get3A_442, %get3A_443] : memref<128x8xf32, #tpu.memory_space<vmem>>, vector<16x1xf32>
    %get3A_445 = arith.constant 96 : index
    %get3A_446 = arith.constant 1 : index
    %get3A_447 = vector.load %arg3[%get3A_445, %get3A_446] : memref<128x8xf32, #tpu.memory_space<vmem>>, vector<16x1xf32>
    %get3A_448 = arith.constant 96 : index
    %get3A_449 = arith.constant 0 : index
    %get3A_450 = vector.load %arg3[%get3A_448, %get3A_449] : memref<128x8xf32, #tpu.memory_space<vmem>>, vector<16x1xf32>
    %broadcast_in_dim3A_451 = vector.shape_cast %get3A_447 : vector<16x1xf32> to vector<16x1xf32>
    %broadcast_in_dim3A_452 = vector.broadcast %broadcast_in_dim3A_451 : vector<16x1xf32> to vector<16x4096xf32>
    %broadcast_in_dim3A_453 = vector.shape_cast %get3A_450 : vector<16x1xf32> to vector<16x1xf32>
    %broadcast_in_dim3A_454 = vector.broadcast %broadcast_in_dim3A_453 : vector<16x1xf32> to vector<16x4096xf32>
    %select_n3A_455 = arith.select %gt3A_428, %broadcast_in_dim3A_452, %broadcast_in_dim3A_454 : vector<16x4096xi1>, vector<16x4096xf32>
    %broadcast_in_dim3A_456 = vector.shape_cast %get3A_444 : vector<16x1xf32> to vector<16x1xf32>
    %broadcast_in_dim3A_457 = vector.broadcast %broadcast_in_dim3A_456 : vector<16x1xf32> to vector<16x4096xf32>
    %select_n3A_458 = arith.select %gt3A_433, %broadcast_in_dim3A_457, %select_n3A_455 : vector<16x4096xi1>, vector<16x4096xf32>
    %broadcast_in_dim3A_459 = vector.shape_cast %get3A_441 : vector<16x1xf32> to vector<16x1xf32>
    %broadcast_in_dim3A_460 = vector.broadcast %broadcast_in_dim3A_459 : vector<16x1xf32> to vector<16x4096xf32>
    %select_n3A_461 = arith.select %gt3A_438, %broadcast_in_dim3A_460, %select_n3A_458 : vector<16x4096xi1>, vector<16x4096xf32>
    %get3A_462 = arith.constant 96 : index
    %get3A_463 = arith.constant 7 : index
    %get3A_464 = vector.load %arg3[%get3A_462, %get3A_463] : memref<128x8xf32, #tpu.memory_space<vmem>>, vector<16x1xf32>
    %get3A_465 = arith.constant 96 : index
    %get3A_466 = arith.constant 6 : index
    %get3A_467 = vector.load %arg3[%get3A_465, %get3A_466] : memref<128x8xf32, #tpu.memory_space<vmem>>, vector<16x1xf32>
    %get3A_468 = arith.constant 96 : index
    %get3A_469 = arith.constant 5 : index
    %get3A_470 = vector.load %arg3[%get3A_468, %get3A_469] : memref<128x8xf32, #tpu.memory_space<vmem>>, vector<16x1xf32>
    %get3A_471 = arith.constant 96 : index
    %get3A_472 = arith.constant 4 : index
    %get3A_473 = vector.load %arg3[%get3A_471, %get3A_472] : memref<128x8xf32, #tpu.memory_space<vmem>>, vector<16x1xf32>
    %broadcast_in_dim3A_474 = vector.shape_cast %get3A_470 : vector<16x1xf32> to vector<16x1xf32>
    %broadcast_in_dim3A_475 = vector.broadcast %broadcast_in_dim3A_474 : vector<16x1xf32> to vector<16x4096xf32>
    %broadcast_in_dim3A_476 = vector.shape_cast %get3A_473 : vector<16x1xf32> to vector<16x1xf32>
    %broadcast_in_dim3A_477 = vector.broadcast %broadcast_in_dim3A_476 : vector<16x1xf32> to vector<16x4096xf32>
    %select_n3A_478 = arith.select %gt3A_428, %broadcast_in_dim3A_475, %broadcast_in_dim3A_477 : vector<16x4096xi1>, vector<16x4096xf32>
    %broadcast_in_dim3A_479 = vector.shape_cast %get3A_467 : vector<16x1xf32> to vector<16x1xf32>
    %broadcast_in_dim3A_480 = vector.broadcast %broadcast_in_dim3A_479 : vector<16x1xf32> to vector<16x4096xf32>
    %select_n3A_481 = arith.select %gt3A_433, %broadcast_in_dim3A_480, %select_n3A_478 : vector<16x4096xi1>, vector<16x4096xf32>
    %broadcast_in_dim3A_482 = vector.shape_cast %get3A_464 : vector<16x1xf32> to vector<16x1xf32>
    %broadcast_in_dim3A_483 = vector.broadcast %broadcast_in_dim3A_482 : vector<16x1xf32> to vector<16x4096xf32>
    %select_n3A_484 = arith.select %gt3A_438, %broadcast_in_dim3A_483, %select_n3A_481 : vector<16x4096xi1>, vector<16x4096xf32>
    %mul3A_485 = arith.mulf %broadcast_in_dim3A_423, %select_n3A_484 : vector<16x4096xf32>
    %add3A_486 = arith.addf %select_n3A_461, %mul3A_485 : vector<16x4096xf32>
    %swap3A_487 = arith.constant 96 : index
    %swap3A_488 = arith.constant 0 : index
    %swap3A_489 = vector.load %arg5[%swap3A_487, %swap3A_488] : memref<128x4096xf32, #tpu.memory_space<vmem>>, vector<16x4096xf32>
    tpu.vector_store %arg5[%swap3A_487, %swap3A_488], %add3A_486 {strides = array<i32>} : memref<128x4096xf32, #tpu.memory_space<vmem>>, vector<16x4096xf32>,
    %get3A_490 = arith.constant 7 : index
    %get3A_491 = arith.constant 0 : index
    %get3A_492 = vector.load %arg2[%get3A_490, %get3A_491] : memref<8x4096xf32, #tpu.memory_space<vmem>>, vector<1x4096xf32>
    %broadcast_in_dim3A_493 = vector.shape_cast %get3A_492 : vector<1x4096xf32> to vector<1x4096xf32>
    %broadcast_in_dim3A_494 = vector.broadcast %broadcast_in_dim3A_493 : vector<1x4096xf32> to vector<16x4096xf32>
    %get3A_495 = arith.constant 7 : index
    %get3A_496 = arith.constant 0 : index
    %get3A_497 = vector.load %arg4[%get3A_495, %get3A_496] : memref<8x4xf32, #tpu.memory_space<vmem>>, vector<1x1xf32>
    %gt3A_498 = vector.broadcast %get3A_497 : vector<1x1xf32> to vector<16x4096xf32>
    %gt3A_499 = arith.cmpf ogt, %broadcast_in_dim3A_494, %gt3A_498 : vector<16x4096xf32>
    %get3A_500 = arith.constant 7 : index
    %get3A_501 = arith.constant 1 : index
    %get3A_502 = vector.load %arg4[%get3A_500, %get3A_501] : memref<8x4xf32, #tpu.memory_space<vmem>>, vector<1x1xf32>
    %gt3A_503 = vector.broadcast %get3A_502 : vector<1x1xf32> to vector<16x4096xf32>
    %gt3A_504 = arith.cmpf ogt, %broadcast_in_dim3A_494, %gt3A_503 : vector<16x4096xf32>
    %get3A_505 = arith.constant 7 : index
    %get3A_506 = arith.constant 2 : index
    %get3A_507 = vector.load %arg4[%get3A_505, %get3A_506] : memref<8x4xf32, #tpu.memory_space<vmem>>, vector<1x1xf32>
    %gt3A_508 = vector.broadcast %get3A_507 : vector<1x1xf32> to vector<16x4096xf32>
    %gt3A_509 = arith.cmpf ogt, %broadcast_in_dim3A_494, %gt3A_508 : vector<16x4096xf32>
    %get3A_510 = arith.constant 112 : index
    %get3A_511 = arith.constant 3 : index
    %get3A_512 = vector.load %arg3[%get3A_510, %get3A_511] : memref<128x8xf32, #tpu.memory_space<vmem>>, vector<16x1xf32>
    %get3A_513 = arith.constant 112 : index
    %get3A_514 = arith.constant 2 : index
    %get3A_515 = vector.load %arg3[%get3A_513, %get3A_514] : memref<128x8xf32, #tpu.memory_space<vmem>>, vector<16x1xf32>
    %get3A_516 = arith.constant 112 : index
    %get3A_517 = arith.constant 1 : index
    %get3A_518 = vector.load %arg3[%get3A_516, %get3A_517] : memref<128x8xf32, #tpu.memory_space<vmem>>, vector<16x1xf32>
    %get3A_519 = arith.constant 112 : index
    %get3A_520 = arith.constant 0 : index
    %get3A_521 = vector.load %arg3[%get3A_519, %get3A_520] : memref<128x8xf32, #tpu.memory_space<vmem>>, vector<16x1xf32>
    %broadcast_in_dim3A_522 = vector.shape_cast %get3A_518 : vector<16x1xf32> to vector<16x1xf32>
    %broadcast_in_dim3A_523 = vector.broadcast %broadcast_in_dim3A_522 : vector<16x1xf32> to vector<16x4096xf32>
    %broadcast_in_dim3A_524 = vector.shape_cast %get3A_521 : vector<16x1xf32> to vector<16x1xf32>
    %broadcast_in_dim3A_525 = vector.broadcast %broadcast_in_dim3A_524 : vector<16x1xf32> to vector<16x4096xf32>
    %select_n3A_526 = arith.select %gt3A_499, %broadcast_in_dim3A_523, %broadcast_in_dim3A_525 : vector<16x4096xi1>, vector<16x4096xf32>
    %broadcast_in_dim3A_527 = vector.shape_cast %get3A_515 : vector<16x1xf32> to vector<16x1xf32>
    %broadcast_in_dim3A_528 = vector.broadcast %broadcast_in_dim3A_527 : vector<16x1xf32> to vector<16x4096xf32>
    %select_n3A_529 = arith.select %gt3A_504, %broadcast_in_dim3A_528, %select_n3A_526 : vector<16x4096xi1>, vector<16x4096xf32>
    %broadcast_in_dim3A_530 = vector.shape_cast %get3A_512 : vector<16x1xf32> to vector<16x1xf32>
    %broadcast_in_dim3A_531 = vector.broadcast %broadcast_in_dim3A_530 : vector<16x1xf32> to vector<16x4096xf32>
    %select_n3A_532 = arith.select %gt3A_509, %broadcast_in_dim3A_531, %select_n3A_529 : vector<16x4096xi1>, vector<16x4096xf32>
    %get3A_533 = arith.constant 112 : index
    %get3A_534 = arith.constant 7 : index
    %get3A_535 = vector.load %arg3[%get3A_533, %get3A_534] : memref<128x8xf32, #tpu.memory_space<vmem>>, vector<16x1xf32>
    %get3A_536 = arith.constant 112 : index
    %get3A_537 = arith.constant 6 : index
    %get3A_538 = vector.load %arg3[%get3A_536, %get3A_537] : memref<128x8xf32, #tpu.memory_space<vmem>>, vector<16x1xf32>
    %get3A_539 = arith.constant 112 : index
    %get3A_540 = arith.constant 5 : index
    %get3A_541 = vector.load %arg3[%get3A_539, %get3A_540] : memref<128x8xf32, #tpu.memory_space<vmem>>, vector<16x1xf32>
    %get3A_542 = arith.constant 112 : index
    %get3A_543 = arith.constant 4 : index
    %get3A_544 = vector.load %arg3[%get3A_542, %get3A_543] : memref<128x8xf32, #tpu.memory_space<vmem>>, vector<16x1xf32>
    %broadcast_in_dim3A_545 = vector.shape_cast %get3A_541 : vector<16x1xf32> to vector<16x1xf32>
    %broadcast_in_dim3A_546 = vector.broadcast %broadcast_in_dim3A_545 : vector<16x1xf32> to vector<16x4096xf32>
    %broadcast_in_dim3A_547 = vector.shape_cast %get3A_544 : vector<16x1xf32> to vector<16x1xf32>
    %broadcast_in_dim3A_548 = vector.broadcast %broadcast_in_dim3A_547 : vector<16x1xf32> to vector<16x4096xf32>
    %select_n3A_549 = arith.select %gt3A_499, %broadcast_in_dim3A_546, %broadcast_in_dim3A_548 : vector<16x4096xi1>, vector<16x4096xf32>
    %broadcast_in_dim3A_550 = vector.shape_cast %get3A_538 : vector<16x1xf32> to vector<16x1xf32>
    %broadcast_in_dim3A_551 = vector.broadcast %broadcast_in_dim3A_550 : vector<16x1xf32> to vector<16x4096xf32>
    %select_n3A_552 = arith.select %gt3A_504, %broadcast_in_dim3A_551, %select_n3A_549 : vector<16x4096xi1>, vector<16x4096xf32>
    %broadcast_in_dim3A_553 = vector.shape_cast %get3A_535 : vector<16x1xf32> to vector<16x1xf32>
    %broadcast_in_dim3A_554 = vector.broadcast %broadcast_in_dim3A_553 : vector<16x1xf32> to vector<16x4096xf32>
    %select_n3A_555 = arith.select %gt3A_509, %broadcast_in_dim3A_554, %select_n3A_552 : vector<16x4096xi1>, vector<16x4096xf32>
    %mul3A_556 = arith.mulf %broadcast_in_dim3A_494, %select_n3A_555 : vector<16x4096xf32>
    %add3A_557 = arith.addf %select_n3A_532, %mul3A_556 : vector<16x4096xf32>
    %swap3A_558 = arith.constant 112 : index
    %swap3A_559 = arith.constant 0 : index
    %swap3A_560 = vector.load %arg5[%swap3A_558, %swap3A_559] : memref<128x4096xf32, #tpu.memory_space<vmem>>, vector<16x4096xf32>
    tpu.vector_store %arg5[%swap3A_558, %swap3A_559], %add3A_557 {strides = array<i32>} : memref<128x4096xf32, #tpu.memory_space<vmem>>, vector<16x4096xf32>,
    return
  }
  func.func @transform_0(%arg0: i32, %arg1: i32) -> (i32, i32) {
    %c0_i32 = arith.constant 0 : i32
    return %arg1, %arg0 : i32, i32
  }
  func.func @transform_1(%arg0: i32, %arg1: i32) -> (i32, i32) {
    %c0_i32 = arith.constant 0 : i32
    %c0_i32_0 = arith.constant 0 : i32
    return %arg1, %c0_i32 : i32, i32
  }
  func.func @transform_2(%arg0: i32, %arg1: i32) -> (i32, i32) {
    %c0_i32 = arith.constant 0 : i32
    %c0_i32_0 = arith.constant 0 : i32
    return %arg1, %c0_i32 : i32, i32
  }
  func.func @transform_3(%arg0: i32, %arg1: i32) -> (i32, i32) {
    %c0_i32 = arith.constant 0 : i32
    return %arg1, %arg0 : i32, i32
  }
}

</mosaic_0001>

<sc_bundles>
// kernel: kernel.4.cloned.1.call-start
scs
__scs_entry_jumppad:
0x0: {  	(pc) =	sbr.rel $0x88, $3  }
0x1: {  	(tag) =	ssettag $0x0;
	lr =	simm.s32 $0x1  }
0x2: {  	[smem:$0x3F9D] =	sst lr;
	_ =	strace $0xD0000000  }
0x3: {  	_ = 	snop  }
0x4: {  	_ = 	snop  }
0x5: {  	_ = 	snop  }
0x6: {  	_ = 	snop  }
0x7: {  	_ = 	snop  }
__scs_overlays_trampoline_lowered:
0x8: {  	[smem:$0x3FAC] =	sst s0  }
0x9: {  	[smem:$0x3FAD] =	sst s1  }
0xa: {  	[smem:$0x3FAE] =	sst s2  }
0xb: {  	[smem:$0x3FAF] =	sst s3  }
0xc: {  	[smem:$0x3FB0] =	sst s4  }
0xd: {  	[smem:$0x3FB1] =	sst s5  }
0xe: {  	[smem:$0x3FB2] =	sst s6  }
0xf: {  	[smem:$0x3FB3] =	sst s7  }
0x10: {  	[smem:$0x3FB4] =	sst s8  }
0x11: {  	[smem:$0x3FB5] =	sst s9;
	s0 =	simm.s32 @!p0 $0x0  }
0x12: {  	s1 =	sld [smem:$0x3F9B];
	s0 =	simm.s32 @p0 $0x1  }
0x13: {  	[smem:$0x3FB6] =	sst s0;
	s0 =	simm.s32 @!p1 $0x0  }
0x14: {  	s2 =	sld [smem:$0x3F9A];
	s0 =	simm.s32 @p1 $0x1  }
0x15: {  	[smem:$0x3FB7] =	sst s0;
	s0 =	simm.s32 @!p2 $0x0  }
0x16: {  	s3 =	sld [smem:$0x3FDB];
	s0 =	simm.s32 @p2 $0x1  }
0x17: {  	s4 =	simm.s32 $0x1BF5;
	[smem:$0x3FB9] =	sst s0  }
0x18: {  	s0 =	sld [smem:$0x3F9C];
	_ =	swait.ge [sflag:s4], $0x0  }
0x19: {  	s7 =	sld [smem:$0x3F9D]  }
0x1a: {  	s8 =	sadd.s32 $0xFFFFE003, lr  }
0x1b: {  	s9 =	sadd.s32 $0xFFFFFEF7, lr;
	s5 =	simm.s32 $0xFFFFFFFF;
	p2 =	slt.u32 s8, $0xFFFFF086  }
0x1c: {  	p1 =	slt.u32 s9, $0xF7A;
	s5 =	simm.s32 @!p2 $0x0  }
0x1d: {  	s5 =	simm.s32 @p1 $0x1;
	p0 =	seq.s32 s7, s2  }
0x1e: {  	s7 =	smul.u32 @!p0 $0xF7A, s2;
	p2 =	seq.s32 @!p0 s5, $0x0  }
0x1f: {  	s9 =	smul.u32 $0xF7A, s1;
	s8 =	simm.s32 @!p0 $0x1BF5;
	p2 =	por !p2, p0  }
0x20: {  	[sflag:s8] =	ssyncset.s32 @!p0 $0xFFFFF086;
	s6 =	sadd.s32 @!p0 s3, s7;
	s7 =	simm.s32 @!p0 $0x108  }
0x21: {  	s3 =	sadd.s32 s3, s9;
	s6 =	sadd.s32 @!p0 $0x88, s6;
	s7 =	simm.s32 @p2 $0x1082  }
0x22: {  	[simem:s7], [sflag:s8] =	dma.local @!p0 [hbm:s6], $0xF7A  }
0x23: {  	s9 =	sor.u32 $0xD0000000, s2;
	s6 =	simm.s32 $0x108;
	_ =	swait.ge @!p0 [sflag:s8], $0x0  }
0x24: {  	s3 =	sadd.s32 $0x88, s3;
	s6 =	simm.s32 @!p1 $0x1082;
	[sflag:s4] =	ssyncset.s32 $0xFFFFF086  }
0x25: {  	[simem:s6], [sflag:s4] =	dma.local [hbm:s3], $0xF7A  }
0x26: {  	[smem:$0x3F9D] =	sst s1;
	(tag) =	ssettag s2;
	_ =	strace s9  }
0x27: {  	s1 =	sld [smem:$0x3FAD]  }
0x28: {  	s2 =	sld [smem:$0x3FAE]  }
0x29: {  	s4 =	sld [smem:$0x3FB0]  }
0x2a: {  	p0 =	seq.s32 s5, $0x0;
	s5 =	sld [smem:$0x3FB1]  }
0x2b: {  	s6 =	sld [smem:$0x3FB2]  }
0x2c: {  	s7 =	sld [smem:$0x3FB3]  }
0x2d: {  	s3 =	simm.s32 $0x108;
	s8 =	sld [smem:$0x3FB4]  }
0x2e: {  	s3 =	simm.s32 @!p0 $0x1082;
	s9 =	sld [smem:$0x3FB5]  }
0x2f: {  	lr =	sadd.s32 s0, s3;
	s0 =	sld [smem:$0x3FAC]  }
0x30: {  	s3 =	sld [smem:$0x3FAF]  }
0x31: {  	[smem:$0x3FB8] =	sst s10  }
0x32: {  	s10 =	sld [smem:$0x3FB6];
	_ =	sdelay $0x3  }
0x33: {  	p0 =	seq.s32 s10, $0x1;
	s10 =	sld [smem:$0x3FB8];
	_ =	sdelay $0x3  }
0x34: {  	[smem:$0x3FB8] =	sst s10  }
0x35: {  	s10 =	sld [smem:$0x3FB7];
	_ =	sdelay $0x3  }
0x36: {  	p1 =	seq.s32 s10, $0x1;
	s10 =	sld [smem:$0x3FB8];
	_ =	sdelay $0x3  }
0x37: {  	[smem:$0x3FB8] =	sst s10  }
0x38: {  	s10 =	sld [smem:$0x3FB9]  }
0x39: {  	_ = 	snop;
	(pc) =	sbr.ind lr, $3  }
0x3a: {  	_ = 	snop  }
0x3b: {  	_ = 	snop  }
0x3c: {  	p2 =	seq.s32 s10, $0x1;
	s10 =	sld [smem:$0x3FB8]  }
0x3d: {  	_ =	shalt  }
0x3e: {  	_ =	shalt  }
0x3f: {  	_ =	shalt  }
0x40: {  	_ =	shalt  }
0x41: {  	_ =	shalt  }
0x42: {  	_ =	shalt  }
0x43: {  	_ =	shalt  }
0x44: {  	_ =	shalt  }
0x45: {  	_ =	shalt  }
0x46: {  	_ =	shalt  }
0x47: {  	_ =	shalt  }
0x48: {  	_ =	shalt  }
0x49: {  	_ =	shalt  }
0x4a: {  	_ =	shalt  }
0x4b: {  	_ =	shalt  }
0x4c: {  	_ =	shalt  }
0x4d: {  	_ =	shalt  }
0x4e: {  	_ =	shalt  }
0x4f: {  	_ =	shalt  }
0x50: {  	_ =	shalt  }
0x51: {  	_ =	shalt  }
0x52: {  	_ =	shalt  }
0x53: {  	_ =	shalt  }
0x54: {  	_ =	shalt  }
0x55: {  	_ =	shalt  }
0x56: {  	_ =	shalt  }
0x57: {  	_ =	shalt  }
0x58: {  	_ =	shalt  }
0x59: {  	_ =	shalt  }
0x5a: {  	_ =	shalt  }
0x5b: {  	_ =	shalt  }
0x5c: {  	_ =	shalt  }
0x5d: {  	_ =	shalt  }
0x5e: {  	_ =	shalt  }
0x5f: {  	_ =	shalt  }
0x60: {  	_ =	shalt  }
0x61: {  	_ =	shalt  }
0x62: {  	_ =	shalt  }
0x63: {  	_ =	shalt  }
0x64: {  	_ =	shalt  }
0x65: {  	_ =	shalt  }
0x66: {  	_ =	shalt  }
0x67: {  	_ =	shalt  }
0x68: {  	_ =	shalt  }
0x69: {  	_ =	shalt  }
0x6a: {  	_ =	shalt  }
0x6b: {  	_ =	shalt  }
0x6c: {  	_ =	shalt  }
0x6d: {  	_ =	shalt  }
0x6e: {  	_ =	shalt  }
0x6f: {  	_ =	shalt  }
0x70: {  	_ =	shalt  }
0x71: {  	_ =	shalt  }
0x72: {  	_ =	shalt  }
0x73: {  	_ =	shalt  }
0x74: {  	_ =	shalt  }
0x75: {  	_ =	shalt  }
0x76: {  	_ =	shalt  }
0x77: {  	_ =	shalt  }
0x78: {  	_ =	shalt  }
0x79: {  	_ =	shalt  }
0x7a: {  	_ =	shalt  }
0x7b: {  	_ =	shalt  }
0x7c: {  	_ =	shalt  }
0x7d: {  	_ =	shalt  }
0x7e: {  	_ =	shalt  }
0x7f: {  	_ =	shalt  }
0x80: {  	_ =	shalt  }
0x81: {  	_ =	shalt  }
0x82: {  	_ =	shalt  }
0x83: {  	_ =	shalt  }
0x84: {  	_ =	shalt  }
0x85: {  	_ =	shalt  }
0x86: {  	_ =	shalt  }
0x87: {  	_ =	shalt  }
.Lfunc_end0:
.L_simem_size_0:
called_computation_lowered:
.L_overlay_start_0:
0x88: {  	s2 =	sld [smem:$0x3FD9]  }
0x89: {  	s3 =	sld [smem:$0x3FFE];
	_ =	sdelay $0x1  }
0x8a: {  	s1 =	srdreg.scid  }
0x8b: {  	s0 =	sand.u32 $0x1, s1  }
0x8c: {  	s17 =	sshll.u32 s0, $0xA;
	s2 =	sadd.s32 s3, s2  }
0x8d: {  	s2 =	sadd.s32 s2, s17  }
0x8e: {  	[smem:$0x3FC4] =	sst s2  }
0x8f: {  	_ = 	snop  }
0x90: {  	s2 =	sld [smem:$0x3FC9];
	(tm) =	ssettm $0x1  }
0x91: {  	s18 =	sld [smem:$0x3FFB];
	_ =	sdelay $0x3  }
0x92: {  	_ =	strace s18  }
0x93: {  	s3 =	sld [smem:$0x3FFC];
	_ =	sdelay $0x3  }
0x94: {  	_ =	strace s3  }
0x95: {  	s3 =	sld [smem:$0x3FFD];
	_ =	sdelay $0x3  }
0x96: {  	_ =	strace s3  }
0x97: {  	_ =	strace $0x8FFFFFFF  }
0x98: {  	s19 =	sld [smem:$0x3FDB];
	_ =	sdelay $0x1  }
0x99: {  	s4 =	simm.s32 $_scs_section_size  }
0x9a: {  	s5 =	simm.s32 $_size__tile_overlayer_lowered;
	s6 =	simm.s32 $_tile_overlayer_lowered  }
0x9b: {  	s22 =	simm.s32 $0x1BFF;
	s21 =	sshll.u32 s6, $0x1;
	s3 =	sadd.s32 s4, s19  }
0x9c: {  	s7 =	simm.s32 $0x0;
	s20 =	sshll.u32 s5, $0x1;
	s5 =	sadd.s32 s21, s3  }
0x9d: {  	[timem:s7], [sflag:s22] =	dma.local [hbm:s5], s20  }
0x9e: {  	_ =	swait.ge [sflag:s22], s20  }
0x9f: {  	s4 =	ssub.s32 $0x0, s20;
	[sflag:s22] =	ssyncset.done $0x0  }
0xa0: {  	[sflag:s22] =	ssyncadd.s32 s4;
	_ =	sdelay $0x1  }
0xa1: {  	s23 =	simm.s32 $0x1B8B  }
0xa2: {  	_ =	swait.ge [sflag:s23], $0x1  }
0xa3: {  	[sflag:s23] =	ssyncset.done $0x0  }
0xa4: {  	s25 =	simm.s32 $0x1B8E;
	s24 =	sld [smem:$0x3FFE];
	[sflag:s23] =	ssyncadd.s32 $0xFFFFFFFF  }
0xa5: {  	s26 =	simm.s32 $execute0_lowered;
	[smem:$0x3FD2] =	sst s25  }
0xa6: {  	s5 =	sshll.u32 s26, $0x1;
	_ =	strace $0x80000046;
	[dreg:$0x1] =	wrdreg $0xFFFFFFFF  }
0xa7: {  	s28 =	simm.s32 $_size_execute0_lowered;
	s3 =	sadd.s32 s3, s5;
	[dreg:$0x0] =	wrdreg $0x0  }
0xa8: {  	s5 =	sshll.u32 s28, $0x1;
	[dreg:$0x2] =	wrdreg s3  }
0xa9: {  	[dreg:$0x3] =	wrdreg s5  }
0xaa: {  	[dreg:$0x4] =	wrdreg $0xC0  }
0xab: {  	_ =	task [dreg:s7], $0x5FFFF  }
0xac: {  	[dreg:$0x1] =	wrdreg $0xFFFFFFFF  }
0xad: {  	[dreg:$0x0] =	wrdreg $0x60  }
0xae: {  	[dreg:$0x2] =	wrdreg s2  }
0xaf: {  	[dreg:$0x3] =	wrdreg s24  }
0xb0: {  	[dreg:$0x4] =	wrdreg $0x9  }
0xb1: {  	_ =	task.clear_ibuf [dreg:s7], $0x5FFFF;
	_ =	strace $0x90000046  }
0xb2: {  	s29 =	simm.s32 $0x9;
	_ =	strace $0x80000048  }
0xb3: {  	_ =	swait.ge [sflag:s29], $0x1  }
0xb4: {  	[sflag:s29] =	ssyncadd.s32 $0xFFFFFFFF  }
0xb5: {  	_ =	strace $0x90000048  }
0xb6: {  	_ =	sfence  }
0xb7: {  	s30 =	sld [smem:$0x0];
	_ =	sdelay $0x2  }
0xb8: {  	s31 =	sshll.u32 s1, $0xD;
	s1 =	sshrl.u32 s1, $0x2  }
0xb9: {  	s3 =	sand.u32 $0x4000, s31;
	s1 =	sadd.s32 s1, s30  }
0xba: {  	s0 =	sor.u32 s3, s0;
	s1 =	sshll.u32 s1, $0x11  }
0xbb: {  	s0 =	sor.u32 s1, s0  }
0xbc: {  	s0 =	sadd.s32 $0x8F2B, s0  }
0xbd: {  	[sflag:s0] =	ssyncadd.remote.s32 $0x1  }
0xbe: {  	_ =	sfence.sel $0xFFFF  }
0xbf: {  	[dreg:$0x0] =	wrdreg $0xFFFFFFFF;
	(pc) =	sbr.abs _section_cstart, $3  }
0xc0: {  	[dreg:$0x1] =	wrdreg $0xFFFFFFFF  }
0xc1: {  	_ =	task.clear_ibuf [dreg:s7], $0x2FFFF;
	_ =	strace $0x9FFFFFFF  }
0xc2: {  	(tm) =	ssettm $0x7FFFFFFF  }
0xc3: {  	_ =	shalt  }
tec
execute0_lowered:
.L_overlay_start_1:
0x0: {  	(tag) =	ssettag $0x1  }
0x1: {  	s7 =	rddreg [dreg:$0x0]  }
0x2: {  	s4 =	rddreg [dreg:$0x1]  }
0x3: {  	s0 =	rddreg [dreg:$0x2];
	s1 =	simm.s32 $0x0  }
0x4: {  	s5 =	srdreg.scid;
	s20 =	simm.s32 $0x3A00;
	s21 =	simm.s32 $0x80  }
0x5: {  	s22 =	simm.s32 $0x0;
	[smem:$0x7FF] =	sst s1;
	s2 =	sadd.s32 $0x600, s4  }
0x6: {  	s3 =	sadd.s32 $0x800, s4;
	s8 =	sand.u32 $0x1, s5;
	s5 =	sadd.s32 $0xA00, s4  }
0x7: {  	s6 =	sadd.s32 $0xE00, s4;
	s14 =	sadd.s32 $0x1200, s4;
	s4 =	stileid.u32  }
0x8: {  	s13 =	sadd.s32 $0x2C000, s7;
	_ =	strace $0x80000047;
	s9 =	ssub.s32 $0x2, s8  }
0x9: {  	s11 =	sshll.u32 s4, $0xA;
	s8 =	sshll.u32 s8, $0x9;
	s12 =	sshll.u32 s4, $0xD  }
0xa: {  	s10 =	sshrl.u32 s9, $0x1;
	s25 =	sor.u32 s8, s11;
	s8 =	sor.u32 s8, s12  }
0xb: {  	s15 =	ssub.s32 s9, s10;
	s8 =	sshrl.u32 s8, $0x3;
	s26 =	sor.u32 $0x80, s25  }
0xc: {  	s7 =	sadd.s32 s25, s13;
	s16 =	sor.u32 $0x100, s25;
	s18 =	sor.u32 $0x180, s25  }
0xd: {  	s8 =	sadd.s32 s14, s8;
	s28 =	sand.u32 $0x280, s26;
	s9 =	sadd.s32 s26, s13  }
0xe: {  	s17 =	sand.u32 $0x300, s16;
	s19 =	sand.u32 $0x380, s18;
	s15 =	smax.u32 s15, $0x1  }
0xf: {  	s11 =	sor.u32 s12, s28;
	s17 =	sor.u32 s12, s17;
	s30 =	sor.u32 s12, s19  }
0x10: {  	s19 =	simm.s32 $0x1D00;
	s11 =	sshrl.u32 s11, $0x3;
	s29 =	sshrl.u32 s17, $0x3  }
0x11: {  	s31 =	sshrl.u32 s30, $0x3;
	s17 =	simm.s32 $0x200;
	s10 =	sadd.s32 s14, s11  }
0x12: {  	s11 =	sadd.s32 s16, s13;
	s12 =	sadd.s32 s14, s29;
	s13 =	sadd.s32 s18, s13  }
0x13: {  	v0 =	vimm.s32 $0x0;
	s14 =	sadd.s32 s14, s31;
	s16 =	simm.s32 $0x1;
	s18 =	simm.s32 $0x400  }
.LBB2_1:
0x14: {  	[tilespmem:s1], [sflag:$0x1] =	stream.linear.gather [hbm4b:s2+s1], $0x200, $0x38;
	[tilespmem:$0x9E00] =	vst v63  }
0x15: {  	_ =	swait.ge [sflag:s16], $0x200  }
0x16: {  	[sflag:s16] =	ssyncset.done $0x0  }
0x17: {  	[sflag:s16] =	ssyncadd.s32 $0xFFFFFE00  }
0x18: {  	[tilespmem:s17], [sflag:$0x1] =	stream.linear.gather [hbm4b:s3+s1], $0x200, $0x38;
	[tilespmem:$0x9E00] =	vst v63  }
0x19: {  	_ =	swait.ge [sflag:s16], $0x200  }
0x1a: {  	[sflag:s16] =	ssyncset.done $0x0  }
0x1b: {  	[sflag:s16] =	ssyncadd.s32 $0xFFFFFE00  }
0x1c: {  	[tilespmem:s18], [sflag:$0x1] =	stream.linear.gather [hbm4b:s5+s1], $0x1900, $0x38;
	[tilespmem:$0x9E00] =	vst v63  }
0x1d: {  	_ =	swait.ge [sflag:s16], $0x1900  }
0x1e: {  	[sflag:s16] =	ssyncset.done $0x0  }
0x1f: {  	[sflag:s16] =	ssyncadd.s32 $0xFFFFE700  }
0x20: {  	[tilespmem:s19], [sflag:$0x1] =	stream.linear.gather [hbm4b:s6+s1], $0x1900, $0x38;
	[tilespmem:$0x9E00] =	vst v63  }
0x21: {  	_ =	swait.ge [sflag:s16], $0x1900  }
0x22: {  	[sflag:s16] =	ssyncset.done $0x0  }
0x23: {  	s23 =	simm.s32 $0x3600;
	[sflag:s16] =	ssyncadd.s32 $0xFFFFE700  }
0x24: {  	[tilespmem:s23], [sflag:$0x1] =	stream.linear.gather [hbm4b:s7+s1], $0x400, $0x38;
	[tilespmem:$0x9E00] =	vst v63  }
0x25: {  	s24 =	sadd.s32 $0x4000, s7  }
0x26: {  	[tilespmem:s20], [sflag:$0x1] =	stream.linear.gather [hbm4b:s24+s1], $0x200, $0x38;
	[tilespmem:$0x9E00] =	vst v63  }
0x27: {  	_ =	swait.ge [sflag:s16], $0x600  }
0x28: {  	[sflag:s16] =	ssyncset.done $0x0  }
0x29: {  	s25 =	simm.s32 $0x0;
	s24 =	simm.s32 $0x4580;
	[sflag:s16] =	ssyncadd.s32 $0xFFFFFA00  }
.LBB2_2:
0x2a: {  	s28 =	sadd.s32 $0x58, s25  }
0x2b: {  	s26 =	smul.u32 $0x5, s28;
	_ =	sdelay $0x1  }
0x2c: {  	v2 =	vmov s26  }
0x2d: {  	v1 =	vadd.s32 $0x1, v2  }
0x2e: {  	v3 =	vadd.s32 $0x2, v2  }
0x2f: {  	v10 =	vmov s23  }
0x30: {  	v4 =	vadd.s32 $0x3, v2  }
0x31: {  	s29 =	simm.s32 $0x0  }
0x32: {  	v8 =	vld.idx.msk [tilespmem:v1+s29+$0x0], $0xffff  }
0x33: {  	s26 =	simm.s32 $0x0;
	v9 =	vld.idx.msk [tilespmem:v3+s29+$0x0], $0xffff  }
0x34: {  	v1 =	vld.idx.msk [tilespmem:v10+s26+$0x0 ss:$0x1], $0xffff  }
0x35: {  	v6 =	vld.idx.msk [tilespmem:v4+s29+$0x0], $0xffff;
	_ =	sdelay $0x3  }
0x36: {  	vm0 =	vgt.f32 v1, v8;
	vm1 =	vgt.f32 v1, v9  }
0x37: {  	vm15 =	vgt.f32 v1, v6;
	v3 =	vsel vm0, $0x1, v0;
	v4 =	vsel vm1, $0x1, v0  }
0x38: {  	v3 =	vadd.s32 v4, v3;
	v4 =	vsel vm15, $0x1, v0  }
0x39: {  	s29 =	sshll.u32 s28, $0x2;
	v3 =	vadd.s32 v4, v3  }
0x3a: {  	s28 =	sshll.u32 s28, $0x6;
	v5 =	vmov s29;
	v11 =	vadd.s32 v2, v3  }
0x3b: {  	v7 =	vmov s28;
	v12 =	vadd.s32 v5, v3;
	v3 =	vshll.u32 v3, $0x4  }
0x3c: {  	v4 =	vadd.s32 v7, v3  }
0x3d: {  	v3 =	vor.u32 $0xF, v4  }
0x3e: {  	v23 =	vor.u32 $0x1, v4  }
0x3f: {  	v11 =	vld.idx.msk [tilespmem:v11+s1+$0x0], $0xffff  }
0x40: {  	v22 =	vor.u32 $0x2, v4;
	v12 =	vld.idx.msk [tilespmem:v12+s17+$0x0], $0xffff  }
0x41: {  	v26 =	vor.u32 $0x3, v4;
	v16 =	vld.idx.msk [tilespmem:v4+s19+$0x0], $0xffff  }
0x42: {  	v25 =	vor.u32 $0x4, v4;
	v27 =	vld.idx.msk [tilespmem:v3+s19+$0x0], $0xffff  }
0x43: {  	v24 =	vor.u32 $0x5, v4;
	v28 =	vld.idx.msk [tilespmem:v23+s19+$0x0], $0xffff  }
0x44: {  	v21 =	vor.u32 $0x6, v4;
	v30 =	vld.idx.msk [tilespmem:v3+s18+$0x0], $0xffff  }
0x45: {  	v20 =	vor.u32 $0x7, v4;
	v31 =	vld.idx.msk [tilespmem:v22+s19+$0x0], $0xffff  }
0x46: {  	v18 =	vor.u32 $0x8, v4;
	v32 =	vld.idx.msk [tilespmem:v26+s19+$0x0], $0xffff  }
0x47: {  	v19 =	vor.u32 $0x9, v4;
	v33 =	vld.idx.msk [tilespmem:v25+s19+$0x0], $0xffff  }
0x48: {  	v17 =	vor.u32 $0xA, v4;
	v36 =	vld.idx.msk [tilespmem:v24+s19+$0x0], $0xffff  }
0x49: {  	v15 =	vor.u32 $0xB, v4;
	v40 =	vld.idx.msk [tilespmem:v21+s19+$0x0], $0xffff;
	v1 =	vsub.f32 v1, v11  }
0x4a: {  	v14 =	vor.u32 $0xC, v4;
	v41 =	vld.idx.msk [tilespmem:v20+s19+$0x0], $0xffff  }
0x4b: {  	v13 =	vor.u32 $0xD, v4;
	v42 =	vld.idx.msk [tilespmem:v18+s19+$0x0], $0xffff;
	v11 =	vmul.f32 v12, v1  }
0x4c: {  	v37 =	vld.idx.msk [tilespmem:v19+s19+$0x0], $0xffff;
	v1 =	vmov s24;
	v12 =	vor.u32 $0xE, v4  }
0x4d: {  	v39 =	vld.idx.msk [tilespmem:v17+s19+$0x0], $0xffff;
	v3 =	vmul.f32 v16, v11;
	v16 =	vmul.f32 v27, v11  }
0x4e: {  	v38 =	vld.idx.msk [tilespmem:v15+s19+$0x0], $0xffff;
	v29 =	vmul.f32 v28, v11;
	v31 =	vmul.f32 v31, v11  }
0x4f: {  	v35 =	vld.idx.msk [tilespmem:v14+s19+$0x0], $0xffff;
	v34 =	vmul.f32 v32, v11;
	v32 =	vmul.f32 v33, v11;
	v16 =	vadd.f32 v16, v30  }
0x50: {  	v28 =	vmul.f32 v40, v11;
	v33 =	vld.idx.msk [tilespmem:v13+s19+$0x0], $0xffff;
	v27 =	vmul.f32 v41, v11  }
0x51: {  	s28 =	simm.s32 $0x10;
	s29 =	simm.s32 $0x80;
	v30 =	vmul.f32 v36, v11;
	v36 =	vld.idx.msk [tilespmem:v12+s19+$0x0], $0xffff;
	[tilespmem:v1+s26+$0x0 ss:$0x1] =	vst.idx.msk $0xffff, v16;
	v16 =	vmul.f32 v42, v11  }
.LBB2_3:
0x52: {  	p0 =	sne.s32 s29, $0x1C0;
	v40 =	vld.idx.msk [tilespmem:v10+s28+$0x0 ss:$0x1], $0xffff;
	v37 =	vmul.f32 v37, v11  }
0x53: {  	v39 =	vmul.f32 v39, v11;
	v23 =	vld.idx.msk [tilespmem:v23+s18+$0x0], $0xffff  }
0x54: {  	v38 =	vmul.f32 v38, v11;
	v22 =	vld.idx.msk [tilespmem:v22+s18+$0x0], $0xffff  }
0x55: {  	v35 =	vmul.f32 v35, v11;
	v26 =	vld.idx.msk [tilespmem:v26+s18+$0x0], $0xffff  }
0x56: {  	v33 =	vmul.f32 v33, v11;
	v25 =	vld.idx.msk [tilespmem:v25+s18+$0x0], $0xffff  }
0x57: {  	v36 =	vmul.f32 v36, v11;
	v24 =	vld.idx.msk [tilespmem:v24+s18+$0x0], $0xffff  }
0x58: {  	vm0 =	vgt.f32 v40, v8;
	vm1 =	vgt.f32 v40, v9;
	v11 =	vld.idx.msk [tilespmem:v21+s18+$0x0], $0xffff  }
0x59: {  	v21 =	vsel vm0, $0x1, v0;
	v41 =	vsel vm1, $0x1, v0;
	vm0 =	vgt.f32 v40, v6;
	v20 =	vld.idx.msk [tilespmem:v20+s18+$0x0], $0xffff  }
0x5a: {  	v23 =	vadd.f32 v29, v23;
	v21 =	vadd.s32 v41, v21;
	v41 =	vsel vm0, $0x1, v0;
	v29 =	vld.idx.msk [tilespmem:v18+s18+$0x0], $0xffff  }
0x5b: {  	v18 =	vadd.s32 v41, v21;
	v21 =	vadd.f32 v31, v22;
	v22 =	vadd.f32 v34, v26;
	v31 =	vld.idx.msk [tilespmem:v19+s18+$0x0], $0xffff  }
0x5c: {  	v19 =	vadd.s32 v2, v18;
	v25 =	vadd.f32 v32, v25;
	[tilespmem:v1+s26+$0xFFFFF900 ss:$0x1] =	vst.idx.msk $0xffff, v23;
	v32 =	vld.idx.msk [tilespmem:v17+s18+$0x0], $0xffff  }
0x5d: {  	v17 =	vadd.f32 v30, v24;
	[tilespmem:v1+s26+$0xFFFFF980 ss:$0x1] =	vst.idx.msk $0xffff, v21;
	v30 =	vld.idx.msk [tilespmem:v15+s18+$0x0], $0xffff  }
0x5e: {  	v15 =	vadd.s32 v5, v18;
	v18 =	vshll.u32 v18, $0x4;
	v11 =	vadd.f32 v28, v11;
	v28 =	vld.idx.msk [tilespmem:v14+s18+$0x0], $0xffff  }
0x5f: {  	v14 =	vadd.s32 v7, v18;
	v27 =	vadd.f32 v27, v20;
	[tilespmem:v1+s26+$0xFFFFFA00 ss:$0x1] =	vst.idx.msk $0xffff, v22;
	v34 =	vld.idx.msk [tilespmem:v13+s18+$0x0], $0xffff  }
0x60: {  	v23 =	vor.u32 $0x1, v14;
	v22 =	vor.u32 $0x2, v14;
	v41 =	vor.u32 $0xF, v14;
	[tilespmem:v1+s26+$0xFFFFFA80 ss:$0x1] =	vst.idx.msk $0xffff, v25;
	v42 =	vld.idx.msk [tilespmem:v12+s18+$0x0], $0xffff  }
0x61: {  	v26 =	vor.u32 $0x3, v14;
	v24 =	vor.u32 $0x5, v14;
	v25 =	vor.u32 $0x4, v14;
	v43 =	vld.idx.msk [tilespmem:v19+s1+$0x0], $0xffff;
	[tilespmem:v1+s26+$0xFFFFFB00 ss:$0x1] =	vst.idx.msk $0xffff, v17  }
0x62: {  	v21 =	vor.u32 $0x6, v14;
	v20 =	vor.u32 $0x7, v14;
	v18 =	vor.u32 $0x8, v14;
	v44 =	vld.idx.msk [tilespmem:v4+s18+$0x0], $0xffff;
	[tilespmem:v1+s26+$0xFFFFFB80 ss:$0x1] =	vst.idx.msk $0xffff, v11;
	v4 =	vmovc v14  }
0x63: {  	v11 =	vld.idx.msk [tilespmem:v15+s17+$0x0], $0xffff;
	v19 =	vor.u32 $0x9, v4;
	v17 =	vor.u32 $0xA, v4;
	v15 =	vor.u32 $0xB, v4;
	[tilespmem:v1+s26+$0xFFFFFC00 ss:$0x1] =	vst.idx.msk $0xffff, v27  }
0x64: {  	v13 =	vor.u32 $0xD, v4;
	v12 =	vor.u32 $0xE, v4;
	v27 =	vld.idx.msk [tilespmem:v14+s19+$0x0], $0xffff;
	v14 =	vor.u32 $0xC, v4  }
0x65: {  	v16 =	vadd.f32 v16, v29;
	v29 =	vadd.f32 v37, v31;
	v45 =	vld.idx.msk [tilespmem:v41+s19+$0x0], $0xffff  }
0x66: {  	v32 =	vadd.f32 v39, v32;
	v30 =	vadd.f32 v38, v30;
	v31 =	vld.idx.msk [tilespmem:v23+s19+$0x0], $0xffff  }
0x67: {  	v37 =	vsub.f32 v40, v43;
	v38 =	vld.idx.msk [tilespmem:v41+s18+$0x0], $0xffff;
	[tilespmem:v1+s26+$0xFFFFFC80 ss:$0x1] =	vst.idx.msk $0xffff, v16;
	v16 =	vadd.f32 v35, v28  }
0x68: {  	v33 =	vadd.f32 v33, v34;
	v3 =	vadd.f32 v3, v44;
	v28 =	vld.idx.msk [tilespmem:v22+s19+$0x0], $0xffff;
	[tilespmem:v1+s26+$0xFFFFFD00 ss:$0x1] =	vst.idx.msk $0xffff, v29  }
0x69: {  	v11 =	vmul.f32 v11, v37;
	v34 =	vld.idx.msk [tilespmem:v26+s19+$0x0], $0xffff;
	[tilespmem:v1+s26+$0xFFFFFD80 ss:$0x1] =	vst.idx.msk $0xffff, v32;
	v32 =	vadd.f32 v36, v42  }
0x6a: {  	v35 =	vld.idx.msk [tilespmem:v25+s19+$0x0], $0xffff;
	[tilespmem:v1+s26+$0xFFFFF880 ss:$0x1] =	vst.idx.msk $0xffff, v3  }
0x6b: {  	v3 =	vmul.f32 v27, v11;
	v36 =	vmul.f32 v45, v11;
	v27 =	vld.idx.msk [tilespmem:v24+s19+$0x0], $0xffff;
	[tilespmem:v1+s26+$0xFFFFFE00 ss:$0x1] =	vst.idx.msk $0xffff, v30  }
0x6c: {  	v29 =	vmul.f32 v31, v11;
	v40 =	vld.idx.msk [tilespmem:v21+s19+$0x0], $0xffff;
	[tilespmem:v1+s26+$0xFFFFFE80 ss:$0x1] =	vst.idx.msk $0xffff, v16  }
0x6d: {  	v30 =	vadd.f32 v36, v38;
	v16 =	vld.idx.msk [tilespmem:v20+s19+$0x0], $0xffff;
	[tilespmem:v1+s26+$0xFFFFFF00 ss:$0x1] =	vst.idx.msk $0xffff, v33  }
0x6e: {  	v31 =	vmul.f32 v28, v11;
	v36 =	vld.idx.msk [tilespmem:v18+s19+$0x0], $0xffff;
	[tilespmem:v1+s26+$0xFFFFFF80 ss:$0x1] =	vst.idx.msk $0xffff, v32;
	s26 =	smov.u32 s28  }
0x6f: {  	v34 =	vmul.f32 v34, v11;
	v37 =	vld.idx.msk [tilespmem:v19+s19+$0x0], $0xffff;
	[tilespmem:v1+s26+$0x0 ss:$0x1] =	vst.idx.msk $0xffff, v30  }
.Ltmp0:
0x70: {  	v32 =	vmul.f32 v35, v11;
	v39 =	vld.idx.msk [tilespmem:v17+s19+$0x0], $0xffff;
	(pc) =	sbr.rel @p0 .LBB2_3-.Ltmp0, $4  }
0x71: {  	v30 =	vmul.f32 v27, v11;
	v38 =	vld.idx.msk [tilespmem:v15+s19+$0x0], $0xffff  }
0x72: {  	v28 =	vmul.f32 v40, v11;
	v35 =	vld.idx.msk [tilespmem:v14+s19+$0x0], $0xffff  }
0x73: {  	v27 =	vmul.f32 v16, v11;
	v33 =	vld.idx.msk [tilespmem:v13+s19+$0x0], $0xffff  }
0x74: {  	s28 =	sshra.s32 s29, $0x2;
	s29 =	sadd.s32 $0x40, s29;
	v16 =	vmul.f32 v36, v11;
	v36 =	vld.idx.msk [tilespmem:v12+s19+$0x0], $0xffff  }
0x75: {  	_ =	sdelay $0x3  }
0x76: {  	v10 =	vld.idx.msk [tilespmem:v10+s28+$0x0 ss:$0x1], $0xffff  }
0x77: {  	v23 =	vld.idx.msk [tilespmem:v23+s18+$0x0], $0xffff  }
0x78: {  	v22 =	vld.idx.msk [tilespmem:v22+s18+$0x0], $0xffff  }
0x79: {  	v26 =	vld.idx.msk [tilespmem:v26+s18+$0x0], $0xffff  }
0x7a: {  	v25 =	vld.idx.msk [tilespmem:v25+s18+$0x0], $0xffff  }
0x7b: {  	v24 =	vld.idx.msk [tilespmem:v24+s18+$0x0], $0xffff  }
0x7c: {  	v60 =	vld.idx.msk [tilespmem:v21+s18+$0x0], $0xffff  }
0x7d: {  	v63 =	vld.idx.msk [tilespmem:v20+s18+$0x0], $0xffff;
	vm0 =	vgt.f32 v10, v8;
	vm1 =	vgt.f32 v10, v9  }
0x7e: {  	v18 =	vld.idx.msk [tilespmem:v18+s18+$0x0], $0xffff;
	vm15 =	vgt.f32 v10, v6;
	v61 =	vsel vm0, $0x1, v0;
	v62 =	vsel vm1, $0x1, v0  }
0x7f: {  	v19 =	vld.idx.msk [tilespmem:v19+s18+$0x0], $0xffff;
	v50 =	vsel vm15, $0x1, v0;
	v9 =	vadd.s32 v62, v61  }
0x80: {  	v17 =	vld.idx.msk [tilespmem:v17+s18+$0x0], $0xffff;
	v9 =	vadd.s32 v50, v9  }
0x81: {  	v15 =	vld.idx.msk [tilespmem:v15+s18+$0x0], $0xffff;
	v2 =	vadd.s32 v2, v9  }
0x82: {  	v14 =	vld.idx.msk [tilespmem:v14+s18+$0x0], $0xffff;
	v5 =	vadd.s32 v5, v9;
	v9 =	vshll.u32 v9, $0x4  }
0x83: {  	v12 =	vld.idx.msk [tilespmem:v12+s18+$0x0], $0xffff;
	v7 =	vadd.s32 v7, v9  }
0x84: {  	v4 =	vld.idx.msk [tilespmem:v4+s18+$0x0], $0xffff;
	v51 =	vor.u32 $0xF, v7  }
0x85: {  	v9 =	vld.idx.msk [tilespmem:v13+s18+$0x0], $0xffff;
	v20 =	vor.u32 $0x1, v7  }
0x86: {  	v2 =	vld.idx.msk [tilespmem:v2+s1+$0x0], $0xffff  }
0x87: {  	v21 =	vor.u32 $0x2, v7;
	v5 =	vld.idx.msk [tilespmem:v5+s17+$0x0], $0xffff  }
0x88: {  	v40 =	vor.u32 $0x3, v7;
	v41 =	vld.idx.msk [tilespmem:v7+s19+$0x0], $0xffff  }
0x89: {  	v42 =	vor.u32 $0x4, v7;
	v43 =	vld.idx.msk [tilespmem:v51+s19+$0x0], $0xffff  }
0x8a: {  	v44 =	vor.u32 $0x5, v7;
	v45 =	vld.idx.msk [tilespmem:v20+s19+$0x0], $0xffff  }
0x8b: {  	v46 =	vor.u32 $0x6, v7;
	v13 =	vld.idx.msk [tilespmem:v51+s18+$0x0], $0xffff  }
0x8c: {  	v47 =	vor.u32 $0x7, v7;
	v48 =	vld.idx.msk [tilespmem:v21+s19+$0x0], $0xffff  }
0x8d: {  	v23 =	vadd.f32 v29, v23;
	v49 =	vor.u32 $0x8, v7;
	v50 =	vld.idx.msk [tilespmem:v40+s19+$0x0], $0xffff  }
0x8e: {  	v37 =	vmul.f32 v37, v11;
	v22 =	vadd.f32 v31, v22;
	v29 =	vor.u32 $0x9, v7;
	v51 =	vld.idx.msk [tilespmem:v42+s19+$0x0], $0xffff  }
0x8f: {  	v26 =	vadd.f32 v34, v26;
	[tilespmem:v1+s26+$0xFFFFF900 ss:$0x1] =	vst.idx.msk $0xffff, v23;
	v31 =	vor.u32 $0xA, v7;
	v34 =	vld.idx.msk [tilespmem:v44+s19+$0x0], $0xffff  }
0x90: {  	v52 =	vadd.f32 v32, v25;
	[tilespmem:v1+s26+$0xFFFFF980 ss:$0x1] =	vst.idx.msk $0xffff, v22;
	v25 =	vor.u32 $0xB, v7;
	v53 =	vld.idx.msk [tilespmem:v46+s19+$0x0], $0xffff  }
0x91: {  	v54 =	vadd.f32 v30, v24;
	[tilespmem:v1+s26+$0xFFFFFA00 ss:$0x1] =	vst.idx.msk $0xffff, v26;
	v24 =	vor.u32 $0xC, v7;
	v55 =	vld.idx.msk [tilespmem:v47+s19+$0x0], $0xffff  }
0x92: {  	v8 =	vadd.f32 v28, v60;
	[tilespmem:v1+s26+$0xFFFFFA80 ss:$0x1] =	vst.idx.msk $0xffff, v52;
	v23 =	vor.u32 $0xE, v7;
	v56 =	vld.idx.msk [tilespmem:v49+s19+$0x0], $0xffff  }
0x93: {  	v39 =	vmul.f32 v39, v11;
	v6 =	vadd.f32 v27, v63;
	[tilespmem:v1+s26+$0xFFFFFB00 ss:$0x1] =	vst.idx.msk $0xffff, v54;
	v57 =	vld.idx.msk [tilespmem:v29+s19+$0x0], $0xffff  }
0x94: {  	v59 =	vmul.f32 v38, v11;
	v16 =	vadd.f32 v16, v18;
	[tilespmem:v1+s26+$0xFFFFFB80 ss:$0x1] =	vst.idx.msk $0xffff, v8;
	v58 =	vld.idx.msk [tilespmem:v31+s19+$0x0], $0xffff  }
0x95: {  	v17 =	vadd.f32 v39, v17;
	v3 =	vadd.f32 v3, v4;
	[tilespmem:v1+s26+$0xFFFFFC00 ss:$0x1] =	vst.idx.msk $0xffff, v6;
	v60 =	vld.idx.msk [tilespmem:v25+s19+$0x0], $0xffff  }
0x96: {  	v63 =	vmul.f32 v33, v11;
	v61 =	vadd.f32 v37, v19;
	[tilespmem:v1+s26+$0xFFFFFC80 ss:$0x1] =	vst.idx.msk $0xffff, v16;
	v19 =	vld.idx.msk [tilespmem:v24+s19+$0x0], $0xffff  }
0x97: {  	v62 =	vmul.f32 v35, v11;
	[tilespmem:v1+s26+$0xFFFFFD80 ss:$0x1] =	vst.idx.msk $0xffff, v17;
	v6 =	vld.idx.msk [tilespmem:v23+s19+$0x0], $0xffff;
	v2 =	vsub.f32 v10, v2  }
0x98: {  	v8 =	vadd.f32 v59, v15;
	v35 =	vmul.f32 v36, v11;
	[tilespmem:v1+s26+$0xFFFFF880 ss:$0x1] =	vst.idx.msk $0xffff, v3;
	v33 =	vld.idx.msk [tilespmem:v20+s18+$0x0], $0xffff  }
0x99: {  	[tilespmem:v1+s26+$0xFFFFFD00 ss:$0x1] =	vst.idx.msk $0xffff, v61;
	v4 =	vadd.f32 v62, v14;
	v3 =	vld.idx.msk [tilespmem:v21+s18+$0x0], $0xffff;
	v2 =	vmul.f32 v5, v2  }
0x9a: {  	[tilespmem:v1+s26+$0xFFFFFE00 ss:$0x1] =	vst.idx.msk $0xffff, v8;
	v11 =	vadd.f32 v35, v12;
	v26 =	vor.u32 $0xD, v7;
	v37 =	vld.idx.msk [tilespmem:v40+s18+$0x0], $0xffff  }
0x9b: {  	[tilespmem:v1+s26+$0xFFFFFE80 ss:$0x1] =	vst.idx.msk $0xffff, v4;
	v39 =	vld.idx.msk [tilespmem:v42+s18+$0x0], $0xffff;
	v5 =	vadd.f32 v63, v9;
	v36 =	vmul.f32 v43, v2  }
0x9c: {  	[tilespmem:v1+s26+$0xFFFFFF80 ss:$0x1] =	vst.idx.msk $0xffff, v11;
	v42 =	vld.idx.msk [tilespmem:v44+s18+$0x0], $0xffff;
	v38 =	vmul.f32 v45, v2  }
0x9d: {  	v44 =	vld.idx.msk [tilespmem:v46+s18+$0x0], $0xffff;
	[tilespmem:v1+s26+$0xFFFFFF00 ss:$0x1] =	vst.idx.msk $0xffff, v5;
	v40 =	vmul.f32 v48, v2;
	v9 =	vadd.f32 v36, v13  }
0x9e: {  	v46 =	vld.idx.msk [tilespmem:v47+s18+$0x0], $0xffff;
	v43 =	vmul.f32 v50, v2;
	v45 =	vmul.f32 v51, v2;
	v12 =	vadd.f32 v38, v33  }
0x9f: {  	v47 =	vmul.f32 v34, v2;
	v48 =	vld.idx.msk [tilespmem:v49+s18+$0x0], $0xffff;
	v3 =	vadd.f32 v40, v3;
	[tilespmem:v1+s28+$0x0 ss:$0x1] =	vst.idx.msk $0xffff, v9  }
0xa0: {  	v10 =	vld.idx.msk [tilespmem:v26+s19+$0x0], $0xffff;
	v49 =	vmul.f32 v53, v2;
	v8 =	vadd.f32 v43, v37;
	[tilespmem:v1+s28+$0xFFFFF900 ss:$0x1] =	vst.idx.msk $0xffff, v12  }
0xa1: {  	v51 =	vld.idx.msk [tilespmem:v31+s18+$0x0], $0xffff;
	v52 =	vmul.f32 v56, v2;
	v4 =	vadd.f32 v45, v39;
	[tilespmem:v1+s28+$0xFFFFF980 ss:$0x1] =	vst.idx.msk $0xffff, v3  }
0xa2: {  	v50 =	vld.idx.msk [tilespmem:v29+s18+$0x0], $0xffff;
	v54 =	vmul.f32 v57, v2;
	v5 =	vadd.f32 v47, v42;
	[tilespmem:v1+s28+$0xFFFFFA00 ss:$0x1] =	vst.idx.msk $0xffff, v8  }
0xa3: {  	v53 =	vld.idx.msk [tilespmem:v7+s18+$0x0], $0xffff;
	v11 =	vadd.f32 v49, v44;
	v3 =	vmul.f32 v55, v2;
	[tilespmem:v1+s28+$0xFFFFFA80 ss:$0x1] =	vst.idx.msk $0xffff, v4  }
0xa4: {  	v56 =	vmul.f32 v58, v2;
	v57 =	vld.idx.msk [tilespmem:v24+s18+$0x0], $0xffff;
	[tilespmem:v1+s28+$0xFFFFFB00 ss:$0x1] =	vst.idx.msk $0xffff, v5;
	v8 =	vadd.f32 v52, v48  }
0xa5: {  	v55 =	vld.idx.msk [tilespmem:v25+s18+$0x0], $0xffff;
	[tilespmem:v1+s28+$0xFFFFFB80 ss:$0x1] =	vst.idx.msk $0xffff, v11;
	v3 =	vadd.f32 v3, v46  }
0xa6: {  	v59 =	vld.idx.msk [tilespmem:v26+s18+$0x0], $0xffff;
	v58 =	vmul.f32 v41, v2;
	v5 =	vadd.f32 v56, v51;
	[tilespmem:v1+s28+$0xFFFFFC80 ss:$0x1] =	vst.idx.msk $0xffff, v8  }
0xa7: {  	v61 =	vld.idx.msk [tilespmem:v23+s18+$0x0], $0xffff;
	v62 =	vmul.f32 v19, v2;
	[tilespmem:v1+s28+$0xFFFFFC00 ss:$0x1] =	vst.idx.msk $0xffff, v3;
	v3 =	vadd.f32 v54, v50  }
0xa8: {  	s25 =	sadd.s32 $0x1, s25;
	v60 =	vmul.f32 v60, v2;
	v4 =	vadd.f32 v58, v53;
	[tilespmem:v1+s28+$0xFFFFFD80 ss:$0x1] =	vst.idx.msk $0xffff, v5  }
0xa9: {  	p0 =	sne.s32 s25, $0xC;
	v63 =	vadd.f32 v62, v57;
	[tilespmem:v1+s28+$0xFFFFFD00 ss:$0x1] =	vst.idx.msk $0xffff, v3;
	v3 =	vmul.f32 v10, v2  }
.Ltmp1:
0xaa: {  	[tilespmem:v1+s28+$0xFFFFF880 ss:$0x1] =	vst.idx.msk $0xffff, v4;
	v7 =	vadd.f32 v60, v55;
	v2 =	vmul.f32 v6, v2;
	(pc) =	sbr.rel @p0 .LBB2_2-.Ltmp1, $4  }
0xab: {  	[tilespmem:v1+s28+$0xFFFFFE80 ss:$0x1] =	vst.idx.msk $0xffff, v63;
	v3 =	vadd.f32 v3, v59  }
0xac: {  	[tilespmem:v1+s28+$0xFFFFFE00 ss:$0x1] =	vst.idx.msk $0xffff, v7;
	v2 =	vadd.f32 v2, v61  }
0xad: {  	[tilespmem:v1+s28+$0xFFFFFF00 ss:$0x1] =	vst.idx.msk $0xffff, v3  }
0xae: {  	s23 =	sadd.s32 $0x80, s23;
	s24 =	sadd.s32 $0x800, s24;
	[tilespmem:v1+s28+$0xFFFFFF80 ss:$0x1] =	vst.idx.msk $0xffff, v2  }
0xaf: {  	s23 =	simm.s32 $0x3E00  }
0xb0: {  	[hbm4b:s8+s21] =	stream.strided.scatter [tilespmem:s23], [sflag:$0x1], $0x400, s18, s21, $0x38;
	[tilespmem:$0x9E00] =	vst v63  }
0xb1: {  	s24 =	smov.u32 s8;
	s23 =	simm.s32 $0x1000  }
.LBB2_6:
0xb2: {  	p0 =	sne.s32 s23, $0x17000  }
.Ltmp2:
0xb3: {  	_ = 	snop;
	(pc) =	sbr.rel @p0 .LBB2_6-.Ltmp2, $4  }
0xb4: {  	_ = 	snop  }
0xb5: {  	s25 =	sshra.s32 s23, $0x2;
	s23 =	sadd.s32 $0x1000, s23  }
0xb6: {  	s24 =	sadd.s32 $0x4000, s24;
	s25 =	sadd.s32 $0x3E00, s25  }
0xb7: {  	[hbm4b:s24+s21] =	stream.strided.scatter [tilespmem:s25], [sflag:$0x1], $0x400, s18, s21, $0x38;
	[tilespmem:$0x9E00] =	vst v63  }
0xb8: {  	_ =	swait.ge [sflag:s16], $0x6000  }
0xb9: {  	[sflag:s16] =	ssyncset.done $0x0  }
0xba: {  	s23 =	simm.s32 $0x0;
	s24 =	simm.s32 $0x3600;
	[sflag:s16] =	ssyncadd.s32 $0xFFFFA000  }
0xbb: {  	[tilespmem:s24], [sflag:$0x1] =	stream.linear.gather [hbm4b:s9+s23], $0x400, $0x38;
	[tilespmem:$0x9E00] =	vst v63  }
0xbc: {  	s25 =	sadd.s32 $0x4000, s9  }
0xbd: {  	[tilespmem:s20], [sflag:$0x1] =	stream.linear.gather [hbm4b:s25+s23], $0x200, $0x38;
	[tilespmem:$0x9E00] =	vst v63  }
0xbe: {  	_ =	swait.ge [sflag:s16], $0x600  }
0xbf: {  	[sflag:s16] =	ssyncset.done $0x0  }
0xc0: {  	s26 =	simm.s32 $0x0;
	s25 =	simm.s32 $0x4580;
	[sflag:s16] =	ssyncadd.s32 $0xFFFFFA00  }
.LBB2_8:
0xc1: {  	s29 =	sadd.s32 $0x58, s26  }
0xc2: {  	s28 =	smul.u32 $0x5, s29;
	_ =	sdelay $0x1  }
0xc3: {  	v2 =	vmov s28  }
0xc4: {  	v1 =	vadd.s32 $0x1, v2  }
0xc5: {  	v3 =	vadd.s32 $0x2, v2  }
0xc6: {  	v10 =	vmov s24  }
0xc7: {  	v4 =	vadd.s32 $0x3, v2;
	_ =	sdelay $0x1  }
0xc8: {  	v8 =	vld.idx.msk [tilespmem:v1+s23+$0x0], $0xffff  }
0xc9: {  	s28 =	simm.s32 $0x0;
	v9 =	vld.idx.msk [tilespmem:v3+s23+$0x0], $0xffff  }
0xca: {  	v1 =	vld.idx.msk [tilespmem:v10+s28+$0x0 ss:$0x1], $0xffff  }
0xcb: {  	v6 =	vld.idx.msk [tilespmem:v4+s23+$0x0], $0xffff;
	_ =	sdelay $0x3  }
0xcc: {  	vm0 =	vgt.f32 v1, v8;
	vm1 =	vgt.f32 v1, v9  }
0xcd: {  	vm15 =	vgt.f32 v1, v6;
	v3 =	vsel vm0, $0x1, v0;
	v4 =	vsel vm1, $0x1, v0  }
0xce: {  	v3 =	vadd.s32 v4, v3;
	v4 =	vsel vm15, $0x1, v0  }
0xcf: {  	s30 =	sshll.u32 s29, $0x2;
	v3 =	vadd.s32 v4, v3  }
0xd0: {  	s29 =	sshll.u32 s29, $0x6;
	v5 =	vmov s30;
	v11 =	vadd.s32 v2, v3  }
0xd1: {  	v7 =	vmov s29;
	v12 =	vadd.s32 v5, v3;
	v3 =	vshll.u32 v3, $0x4  }
0xd2: {  	v4 =	vadd.s32 v7, v3  }
0xd3: {  	v3 =	vor.u32 $0xF, v4  }
0xd4: {  	v23 =	vor.u32 $0x1, v4  }
0xd5: {  	v11 =	vld.idx.msk [tilespmem:v11+s1+$0x0], $0xffff  }
0xd6: {  	v22 =	vor.u32 $0x2, v4;
	v12 =	vld.idx.msk [tilespmem:v12+s17+$0x0], $0xffff  }
0xd7: {  	v26 =	vor.u32 $0x3, v4;
	v16 =	vld.idx.msk [tilespmem:v4+s19+$0x0], $0xffff  }
0xd8: {  	v25 =	vor.u32 $0x4, v4;
	v27 =	vld.idx.msk [tilespmem:v3+s19+$0x0], $0xffff  }
0xd9: {  	v24 =	vor.u32 $0x5, v4;
	v28 =	vld.idx.msk [tilespmem:v23+s19+$0x0], $0xffff  }
0xda: {  	v21 =	vor.u32 $0x6, v4;
	v30 =	vld.idx.msk [tilespmem:v3+s18+$0x0], $0xffff  }
0xdb: {  	v20 =	vor.u32 $0x7, v4;
	v31 =	vld.idx.msk [tilespmem:v22+s19+$0x0], $0xffff  }
0xdc: {  	v18 =	vor.u32 $0x8, v4;
	v32 =	vld.idx.msk [tilespmem:v26+s19+$0x0], $0xffff  }
0xdd: {  	v19 =	vor.u32 $0x9, v4;
	v33 =	vld.idx.msk [tilespmem:v25+s19+$0x0], $0xffff  }
0xde: {  	v17 =	vor.u32 $0xA, v4;
	v36 =	vld.idx.msk [tilespmem:v24+s19+$0x0], $0xffff  }
0xdf: {  	v15 =	vor.u32 $0xB, v4;
	v40 =	vld.idx.msk [tilespmem:v21+s19+$0x0], $0xffff;
	v1 =	vsub.f32 v1, v11  }
0xe0: {  	v14 =	vor.u32 $0xC, v4;
	v41 =	vld.idx.msk [tilespmem:v20+s19+$0x0], $0xffff  }
0xe1: {  	v13 =	vor.u32 $0xD, v4;
	v42 =	vld.idx.msk [tilespmem:v18+s19+$0x0], $0xffff;
	v11 =	vmul.f32 v12, v1  }
0xe2: {  	v37 =	vld.idx.msk [tilespmem:v19+s19+$0x0], $0xffff;
	v1 =	vmov s25;
	v12 =	vor.u32 $0xE, v4  }
0xe3: {  	v39 =	vld.idx.msk [tilespmem:v17+s19+$0x0], $0xffff;
	v3 =	vmul.f32 v16, v11;
	v16 =	vmul.f32 v27, v11  }
0xe4: {  	v38 =	vld.idx.msk [tilespmem:v15+s19+$0x0], $0xffff;
	v29 =	vmul.f32 v28, v11;
	v31 =	vmul.f32 v31, v11  }
0xe5: {  	v35 =	vld.idx.msk [tilespmem:v14+s19+$0x0], $0xffff;
	v34 =	vmul.f32 v32, v11;
	v32 =	vmul.f32 v33, v11;
	v16 =	vadd.f32 v16, v30  }
0xe6: {  	v28 =	vmul.f32 v40, v11;
	v33 =	vld.idx.msk [tilespmem:v13+s19+$0x0], $0xffff;
	v27 =	vmul.f32 v41, v11  }
0xe7: {  	s29 =	simm.s32 $0x10;
	s30 =	simm.s32 $0x80;
	v30 =	vmul.f32 v36, v11;
	v36 =	vld.idx.msk [tilespmem:v12+s19+$0x0], $0xffff;
	[tilespmem:v1+s28+$0x0 ss:$0x1] =	vst.idx.msk $0xffff, v16;
	v16 =	vmul.f32 v42, v11  }
.LBB2_9:
0xe8: {  	p0 =	sne.s32 s30, $0x1C0;
	v40 =	vld.idx.msk [tilespmem:v10+s29+$0x0 ss:$0x1], $0xffff;
	v37 =	vmul.f32 v37, v11  }
0xe9: {  	v39 =	vmul.f32 v39, v11;
	v23 =	vld.idx.msk [tilespmem:v23+s18+$0x0], $0xffff  }
0xea: {  	v38 =	vmul.f32 v38, v11;
	v22 =	vld.idx.msk [tilespmem:v22+s18+$0x0], $0xffff  }
0xeb: {  	v35 =	vmul.f32 v35, v11;
	v26 =	vld.idx.msk [tilespmem:v26+s18+$0x0], $0xffff  }
0xec: {  	v33 =	vmul.f32 v33, v11;
	v25 =	vld.idx.msk [tilespmem:v25+s18+$0x0], $0xffff  }
0xed: {  	v36 =	vmul.f32 v36, v11;
	v24 =	vld.idx.msk [tilespmem:v24+s18+$0x0], $0xffff  }
0xee: {  	vm0 =	vgt.f32 v40, v8;
	vm1 =	vgt.f32 v40, v9;
	v11 =	vld.idx.msk [tilespmem:v21+s18+$0x0], $0xffff  }
0xef: {  	v21 =	vsel vm0, $0x1, v0;
	v41 =	vsel vm1, $0x1, v0;
	vm0 =	vgt.f32 v40, v6;
	v20 =	vld.idx.msk [tilespmem:v20+s18+$0x0], $0xffff  }
0xf0: {  	v23 =	vadd.f32 v29, v23;
	v21 =	vadd.s32 v41, v21;
	v41 =	vsel vm0, $0x1, v0;
	v29 =	vld.idx.msk [tilespmem:v18+s18+$0x0], $0xffff  }
0xf1: {  	v18 =	vadd.s32 v41, v21;
	v21 =	vadd.f32 v31, v22;
	v22 =	vadd.f32 v34, v26;
	v31 =	vld.idx.msk [tilespmem:v19+s18+$0x0], $0xffff  }
0xf2: {  	v19 =	vadd.s32 v2, v18;
	v25 =	vadd.f32 v32, v25;
	[tilespmem:v1+s28+$0xFFFFF900 ss:$0x1] =	vst.idx.msk $0xffff, v23;
	v32 =	vld.idx.msk [tilespmem:v17+s18+$0x0], $0xffff  }
0xf3: {  	v17 =	vadd.f32 v30, v24;
	[tilespmem:v1+s28+$0xFFFFF980 ss:$0x1] =	vst.idx.msk $0xffff, v21;
	v30 =	vld.idx.msk [tilespmem:v15+s18+$0x0], $0xffff  }
0xf4: {  	v15 =	vadd.s32 v5, v18;
	v18 =	vshll.u32 v18, $0x4;
	v11 =	vadd.f32 v28, v11;
	v28 =	vld.idx.msk [tilespmem:v14+s18+$0x0], $0xffff  }
0xf5: {  	v14 =	vadd.s32 v7, v18;
	v27 =	vadd.f32 v27, v20;
	[tilespmem:v1+s28+$0xFFFFFA00 ss:$0x1] =	vst.idx.msk $0xffff, v22;
	v34 =	vld.idx.msk [tilespmem:v13+s18+$0x0], $0xffff  }
0xf6: {  	v23 =	vor.u32 $0x1, v14;
	v22 =	vor.u32 $0x2, v14;
	v41 =	vor.u32 $0xF, v14;
	[tilespmem:v1+s28+$0xFFFFFA80 ss:$0x1] =	vst.idx.msk $0xffff, v25;
	v42 =	vld.idx.msk [tilespmem:v12+s18+$0x0], $0xffff  }
0xf7: {  	v26 =	vor.u32 $0x3, v14;
	v24 =	vor.u32 $0x5, v14;
	v25 =	vor.u32 $0x4, v14;
	v43 =	vld.idx.msk [tilespmem:v19+s1+$0x0], $0xffff;
	[tilespmem:v1+s28+$0xFFFFFB00 ss:$0x1] =	vst.idx.msk $0xffff, v17  }
0xf8: {  	v21 =	vor.u32 $0x6, v14;
	v20 =	vor.u32 $0x7, v14;
	v18 =	vor.u32 $0x8, v14;
	v44 =	vld.idx.msk [tilespmem:v4+s18+$0x0], $0xffff;
	[tilespmem:v1+s28+$0xFFFFFB80 ss:$0x1] =	vst.idx.msk $0xffff, v11;
	v4 =	vmovc v14  }
0xf9: {  	v11 =	vld.idx.msk [tilespmem:v15+s17+$0x0], $0xffff;
	v19 =	vor.u32 $0x9, v4;
	v17 =	vor.u32 $0xA, v4;
	v15 =	vor.u32 $0xB, v4;
	[tilespmem:v1+s28+$0xFFFFFC00 ss:$0x1] =	vst.idx.msk $0xffff, v27  }
0xfa: {  	v13 =	vor.u32 $0xD, v4;
	v12 =	vor.u32 $0xE, v4;
	v27 =	vld.idx.msk [tilespmem:v14+s19+$0x0], $0xffff;
	v14 =	vor.u32 $0xC, v4  }
0xfb: {  	v16 =	vadd.f32 v16, v29;
	v29 =	vadd.f32 v37, v31;
	v45 =	vld.idx.msk [tilespmem:v41+s19+$0x0], $0xffff  }
0xfc: {  	v32 =	vadd.f32 v39, v32;
	v30 =	vadd.f32 v38, v30;
	v31 =	vld.idx.msk [tilespmem:v23+s19+$0x0], $0xffff  }
0xfd: {  	v37 =	vsub.f32 v40, v43;
	v38 =	vld.idx.msk [tilespmem:v41+s18+$0x0], $0xffff;
	[tilespmem:v1+s28+$0xFFFFFC80 ss:$0x1] =	vst.idx.msk $0xffff, v16;
	v16 =	vadd.f32 v35, v28  }
0xfe: {  	v33 =	vadd.f32 v33, v34;
	v3 =	vadd.f32 v3, v44;
	v28 =	vld.idx.msk [tilespmem:v22+s19+$0x0], $0xffff;
	[tilespmem:v1+s28+$0xFFFFFD00 ss:$0x1] =	vst.idx.msk $0xffff, v29  }
0xff: {  	v11 =	vmul.f32 v11, v37;
	v34 =	vld.idx.msk [tilespmem:v26+s19+$0x0], $0xffff;
	[tilespmem:v1+s28+$0xFFFFFD80 ss:$0x1] =	vst.idx.msk $0xffff, v32;
	v32 =	vadd.f32 v36, v42  }
0x100: {  	v35 =	vld.idx.msk [tilespmem:v25+s19+$0x0], $0xffff;
	[tilespmem:v1+s28+$0xFFFFF880 ss:$0x1] =	vst.idx.msk $0xffff, v3  }
0x101: {  	v3 =	vmul.f32 v27, v11;
	v36 =	vmul.f32 v45, v11;
	v27 =	vld.idx.msk [tilespmem:v24+s19+$0x0], $0xffff;
	[tilespmem:v1+s28+$0xFFFFFE00 ss:$0x1] =	vst.idx.msk $0xffff, v30  }
0x102: {  	v29 =	vmul.f32 v31, v11;
	v40 =	vld.idx.msk [tilespmem:v21+s19+$0x0], $0xffff;
	[tilespmem:v1+s28+$0xFFFFFE80 ss:$0x1] =	vst.idx.msk $0xffff, v16  }
0x103: {  	v30 =	vadd.f32 v36, v38;
	v16 =	vld.idx.msk [tilespmem:v20+s19+$0x0], $0xffff;
	[tilespmem:v1+s28+$0xFFFFFF00 ss:$0x1] =	vst.idx.msk $0xffff, v33  }
0x104: {  	v31 =	vmul.f32 v28, v11;
	v36 =	vld.idx.msk [tilespmem:v18+s19+$0x0], $0xffff;
	[tilespmem:v1+s28+$0xFFFFFF80 ss:$0x1] =	vst.idx.msk $0xffff, v32;
	s28 =	smov.u32 s29  }
0x105: {  	v34 =	vmul.f32 v34, v11;
	v37 =	vld.idx.msk [tilespmem:v19+s19+$0x0], $0xffff;
	[tilespmem:v1+s28+$0x0 ss:$0x1] =	vst.idx.msk $0xffff, v30  }
.Ltmp3:
0x106: {  	v32 =	vmul.f32 v35, v11;
	v39 =	vld.idx.msk [tilespmem:v17+s19+$0x0], $0xffff;
	(pc) =	sbr.rel @p0 .LBB2_9-.Ltmp3, $4  }
0x107: {  	v30 =	vmul.f32 v27, v11;
	v38 =	vld.idx.msk [tilespmem:v15+s19+$0x0], $0xffff  }
0x108: {  	v28 =	vmul.f32 v40, v11;
	v35 =	vld.idx.msk [tilespmem:v14+s19+$0x0], $0xffff  }
0x109: {  	v27 =	vmul.f32 v16, v11;
	v33 =	vld.idx.msk [tilespmem:v13+s19+$0x0], $0xffff  }
0x10a: {  	s29 =	sshra.s32 s30, $0x2;
	s30 =	sadd.s32 $0x40, s30;
	v16 =	vmul.f32 v36, v11;
	v36 =	vld.idx.msk [tilespmem:v12+s19+$0x0], $0xffff  }
0x10b: {  	_ =	sdelay $0x3  }
0x10c: {  	v10 =	vld.idx.msk [tilespmem:v10+s29+$0x0 ss:$0x1], $0xffff  }
0x10d: {  	v23 =	vld.idx.msk [tilespmem:v23+s18+$0x0], $0xffff  }
0x10e: {  	v22 =	vld.idx.msk [tilespmem:v22+s18+$0x0], $0xffff  }
0x10f: {  	v26 =	vld.idx.msk [tilespmem:v26+s18+$0x0], $0xffff  }
0x110: {  	v25 =	vld.idx.msk [tilespmem:v25+s18+$0x0], $0xffff  }
0x111: {  	v24 =	vld.idx.msk [tilespmem:v24+s18+$0x0], $0xffff  }
0x112: {  	v60 =	vld.idx.msk [tilespmem:v21+s18+$0x0], $0xffff  }
0x113: {  	v63 =	vld.idx.msk [tilespmem:v20+s18+$0x0], $0xffff;
	vm0 =	vgt.f32 v10, v8;
	vm1 =	vgt.f32 v10, v9  }
0x114: {  	v18 =	vld.idx.msk [tilespmem:v18+s18+$0x0], $0xffff;
	vm15 =	vgt.f32 v10, v6;
	v61 =	vsel vm0, $0x1, v0;
	v62 =	vsel vm1, $0x1, v0  }
0x115: {  	v19 =	vld.idx.msk [tilespmem:v19+s18+$0x0], $0xffff;
	v50 =	vsel vm15, $0x1, v0;
	v9 =	vadd.s32 v62, v61  }
0x116: {  	v17 =	vld.idx.msk [tilespmem:v17+s18+$0x0], $0xffff;
	v9 =	vadd.s32 v50, v9  }
0x117: {  	v15 =	vld.idx.msk [tilespmem:v15+s18+$0x0], $0xffff;
	v2 =	vadd.s32 v2, v9  }
0x118: {  	v14 =	vld.idx.msk [tilespmem:v14+s18+$0x0], $0xffff;
	v5 =	vadd.s32 v5, v9;
	v9 =	vshll.u32 v9, $0x4  }
0x119: {  	v12 =	vld.idx.msk [tilespmem:v12+s18+$0x0], $0xffff;
	v7 =	vadd.s32 v7, v9  }
0x11a: {  	v4 =	vld.idx.msk [tilespmem:v4+s18+$0x0], $0xffff;
	v51 =	vor.u32 $0xF, v7  }
0x11b: {  	v9 =	vld.idx.msk [tilespmem:v13+s18+$0x0], $0xffff;
	v20 =	vor.u32 $0x1, v7  }
0x11c: {  	v2 =	vld.idx.msk [tilespmem:v2+s1+$0x0], $0xffff  }
0x11d: {  	v21 =	vor.u32 $0x2, v7;
	v5 =	vld.idx.msk [tilespmem:v5+s17+$0x0], $0xffff  }
0x11e: {  	v40 =	vor.u32 $0x3, v7;
	v41 =	vld.idx.msk [tilespmem:v7+s19+$0x0], $0xffff  }
0x11f: {  	v42 =	vor.u32 $0x4, v7;
	v43 =	vld.idx.msk [tilespmem:v51+s19+$0x0], $0xffff  }
0x120: {  	v44 =	vor.u32 $0x5, v7;
	v45 =	vld.idx.msk [tilespmem:v20+s19+$0x0], $0xffff  }
0x121: {  	v46 =	vor.u32 $0x6, v7;
	v13 =	vld.idx.msk [tilespmem:v51+s18+$0x0], $0xffff  }
0x122: {  	v47 =	vor.u32 $0x7, v7;
	v48 =	vld.idx.msk [tilespmem:v21+s19+$0x0], $0xffff  }
0x123: {  	v23 =	vadd.f32 v29, v23;
	v49 =	vor.u32 $0x8, v7;
	v50 =	vld.idx.msk [tilespmem:v40+s19+$0x0], $0xffff  }
0x124: {  	v37 =	vmul.f32 v37, v11;
	v22 =	vadd.f32 v31, v22;
	v29 =	vor.u32 $0x9, v7;
	v51 =	vld.idx.msk [tilespmem:v42+s19+$0x0], $0xffff  }
0x125: {  	v26 =	vadd.f32 v34, v26;
	[tilespmem:v1+s28+$0xFFFFF900 ss:$0x1] =	vst.idx.msk $0xffff, v23;
	v31 =	vor.u32 $0xA, v7;
	v34 =	vld.idx.msk [tilespmem:v44+s19+$0x0], $0xffff  }
0x126: {  	v52 =	vadd.f32 v32, v25;
	[tilespmem:v1+s28+$0xFFFFF980 ss:$0x1] =	vst.idx.msk $0xffff, v22;
	v25 =	vor.u32 $0xB, v7;
	v53 =	vld.idx.msk [tilespmem:v46+s19+$0x0], $0xffff  }
0x127: {  	v54 =	vadd.f32 v30, v24;
	[tilespmem:v1+s28+$0xFFFFFA00 ss:$0x1] =	vst.idx.msk $0xffff, v26;
	v24 =	vor.u32 $0xC, v7;
	v55 =	vld.idx.msk [tilespmem:v47+s19+$0x0], $0xffff  }
0x128: {  	v8 =	vadd.f32 v28, v60;
	[tilespmem:v1+s28+$0xFFFFFA80 ss:$0x1] =	vst.idx.msk $0xffff, v52;
	v23 =	vor.u32 $0xE, v7;
	v56 =	vld.idx.msk [tilespmem:v49+s19+$0x0], $0xffff  }
0x129: {  	v39 =	vmul.f32 v39, v11;
	v6 =	vadd.f32 v27, v63;
	[tilespmem:v1+s28+$0xFFFFFB00 ss:$0x1] =	vst.idx.msk $0xffff, v54;
	v57 =	vld.idx.msk [tilespmem:v29+s19+$0x0], $0xffff  }
0x12a: {  	v59 =	vmul.f32 v38, v11;
	v16 =	vadd.f32 v16, v18;
	[tilespmem:v1+s28+$0xFFFFFB80 ss:$0x1] =	vst.idx.msk $0xffff, v8;
	v58 =	vld.idx.msk [tilespmem:v31+s19+$0x0], $0xffff  }
0x12b: {  	v17 =	vadd.f32 v39, v17;
	v3 =	vadd.f32 v3, v4;
	[tilespmem:v1+s28+$0xFFFFFC00 ss:$0x1] =	vst.idx.msk $0xffff, v6;
	v60 =	vld.idx.msk [tilespmem:v25+s19+$0x0], $0xffff  }
0x12c: {  	v63 =	vmul.f32 v33, v11;
	v61 =	vadd.f32 v37, v19;
	[tilespmem:v1+s28+$0xFFFFFC80 ss:$0x1] =	vst.idx.msk $0xffff, v16;
	v19 =	vld.idx.msk [tilespmem:v24+s19+$0x0], $0xffff  }
0x12d: {  	v62 =	vmul.f32 v35, v11;
	[tilespmem:v1+s28+$0xFFFFFD80 ss:$0x1] =	vst.idx.msk $0xffff, v17;
	v6 =	vld.idx.msk [tilespmem:v23+s19+$0x0], $0xffff;
	v2 =	vsub.f32 v10, v2  }
0x12e: {  	v8 =	vadd.f32 v59, v15;
	v35 =	vmul.f32 v36, v11;
	[tilespmem:v1+s28+$0xFFFFF880 ss:$0x1] =	vst.idx.msk $0xffff, v3;
	v33 =	vld.idx.msk [tilespmem:v20+s18+$0x0], $0xffff  }
0x12f: {  	[tilespmem:v1+s28+$0xFFFFFD00 ss:$0x1] =	vst.idx.msk $0xffff, v61;
	v4 =	vadd.f32 v62, v14;
	v3 =	vld.idx.msk [tilespmem:v21+s18+$0x0], $0xffff;
	v2 =	vmul.f32 v5, v2  }
0x130: {  	[tilespmem:v1+s28+$0xFFFFFE00 ss:$0x1] =	vst.idx.msk $0xffff, v8;
	v11 =	vadd.f32 v35, v12;
	v26 =	vor.u32 $0xD, v7;
	v37 =	vld.idx.msk [tilespmem:v40+s18+$0x0], $0xffff  }
0x131: {  	[tilespmem:v1+s28+$0xFFFFFE80 ss:$0x1] =	vst.idx.msk $0xffff, v4;
	v39 =	vld.idx.msk [tilespmem:v42+s18+$0x0], $0xffff;
	v5 =	vadd.f32 v63, v9;
	v36 =	vmul.f32 v43, v2  }
0x132: {  	[tilespmem:v1+s28+$0xFFFFFF80 ss:$0x1] =	vst.idx.msk $0xffff, v11;
	v42 =	vld.idx.msk [tilespmem:v44+s18+$0x0], $0xffff;
	v38 =	vmul.f32 v45, v2  }
0x133: {  	v44 =	vld.idx.msk [tilespmem:v46+s18+$0x0], $0xffff;
	[tilespmem:v1+s28+$0xFFFFFF00 ss:$0x1] =	vst.idx.msk $0xffff, v5;
	v40 =	vmul.f32 v48, v2;
	v9 =	vadd.f32 v36, v13  }
0x134: {  	v46 =	vld.idx.msk [tilespmem:v47+s18+$0x0], $0xffff;
	v43 =	vmul.f32 v50, v2;
	v45 =	vmul.f32 v51, v2;
	v12 =	vadd.f32 v38, v33  }
0x135: {  	v47 =	vmul.f32 v34, v2;
	v48 =	vld.idx.msk [tilespmem:v49+s18+$0x0], $0xffff;
	v3 =	vadd.f32 v40, v3;
	[tilespmem:v1+s29+$0x0 ss:$0x1] =	vst.idx.msk $0xffff, v9  }
0x136: {  	v10 =	vld.idx.msk [tilespmem:v26+s19+$0x0], $0xffff;
	v49 =	vmul.f32 v53, v2;
	v8 =	vadd.f32 v43, v37;
	[tilespmem:v1+s29+$0xFFFFF900 ss:$0x1] =	vst.idx.msk $0xffff, v12  }
0x137: {  	v51 =	vld.idx.msk [tilespmem:v31+s18+$0x0], $0xffff;
	v52 =	vmul.f32 v56, v2;
	v4 =	vadd.f32 v45, v39;
	[tilespmem:v1+s29+$0xFFFFF980 ss:$0x1] =	vst.idx.msk $0xffff, v3  }
0x138: {  	v50 =	vld.idx.msk [tilespmem:v29+s18+$0x0], $0xffff;
	v54 =	vmul.f32 v57, v2;
	v5 =	vadd.f32 v47, v42;
	[tilespmem:v1+s29+$0xFFFFFA00 ss:$0x1] =	vst.idx.msk $0xffff, v8  }
0x139: {  	v53 =	vld.idx.msk [tilespmem:v7+s18+$0x0], $0xffff;
	v11 =	vadd.f32 v49, v44;
	v3 =	vmul.f32 v55, v2;
	[tilespmem:v1+s29+$0xFFFFFA80 ss:$0x1] =	vst.idx.msk $0xffff, v4  }
0x13a: {  	v56 =	vmul.f32 v58, v2;
	v57 =	vld.idx.msk [tilespmem:v24+s18+$0x0], $0xffff;
	[tilespmem:v1+s29+$0xFFFFFB00 ss:$0x1] =	vst.idx.msk $0xffff, v5;
	v8 =	vadd.f32 v52, v48  }
0x13b: {  	v55 =	vld.idx.msk [tilespmem:v25+s18+$0x0], $0xffff;
	[tilespmem:v1+s29+$0xFFFFFB80 ss:$0x1] =	vst.idx.msk $0xffff, v11;
	v3 =	vadd.f32 v3, v46  }
0x13c: {  	v59 =	vld.idx.msk [tilespmem:v26+s18+$0x0], $0xffff;
	v58 =	vmul.f32 v41, v2;
	v5 =	vadd.f32 v56, v51;
	[tilespmem:v1+s29+$0xFFFFFC80 ss:$0x1] =	vst.idx.msk $0xffff, v8  }
0x13d: {  	v61 =	vld.idx.msk [tilespmem:v23+s18+$0x0], $0xffff;
	v62 =	vmul.f32 v19, v2;
	[tilespmem:v1+s29+$0xFFFFFC00 ss:$0x1] =	vst.idx.msk $0xffff, v3;
	v3 =	vadd.f32 v54, v50  }
0x13e: {  	s26 =	sadd.s32 $0x1, s26;
	v60 =	vmul.f32 v60, v2;
	v4 =	vadd.f32 v58, v53;
	[tilespmem:v1+s29+$0xFFFFFD80 ss:$0x1] =	vst.idx.msk $0xffff, v5  }
0x13f: {  	p0 =	sne.s32 s26, $0xC;
	v63 =	vadd.f32 v62, v57;
	[tilespmem:v1+s29+$0xFFFFFD00 ss:$0x1] =	vst.idx.msk $0xffff, v3;
	v3 =	vmul.f32 v10, v2  }
.Ltmp4:
0x140: {  	[tilespmem:v1+s29+$0xFFFFF880 ss:$0x1] =	vst.idx.msk $0xffff, v4;
	v7 =	vadd.f32 v60, v55;
	v2 =	vmul.f32 v6, v2;
	(pc) =	sbr.rel @p0 .LBB2_8-.Ltmp4, $4  }
0x141: {  	[tilespmem:v1+s29+$0xFFFFFE80 ss:$0x1] =	vst.idx.msk $0xffff, v63;
	v3 =	vadd.f32 v3, v59  }
0x142: {  	[tilespmem:v1+s29+$0xFFFFFE00 ss:$0x1] =	vst.idx.msk $0xffff, v7;
	v2 =	vadd.f32 v2, v61  }
0x143: {  	[tilespmem:v1+s29+$0xFFFFFF00 ss:$0x1] =	vst.idx.msk $0xffff, v3  }
0x144: {  	s24 =	sadd.s32 $0x80, s24;
	s25 =	sadd.s32 $0x800, s25;
	[tilespmem:v1+s29+$0xFFFFFF80 ss:$0x1] =	vst.idx.msk $0xffff, v2  }
0x145: {  	s23 =	simm.s32 $0x3E00  }
0x146: {  	[hbm4b:s10+s21] =	stream.strided.scatter [tilespmem:s23], [sflag:$0x1], $0x400, s18, s21, $0x38;
	[tilespmem:$0x9E00] =	vst v63  }
0x147: {  	s24 =	smov.u32 s10;
	s23 =	simm.s32 $0x1000  }
.LBB2_12:
0x148: {  	p0 =	sne.s32 s23, $0x17000  }
.Ltmp5:
0x149: {  	_ = 	snop;
	(pc) =	sbr.rel @p0 .LBB2_12-.Ltmp5, $4  }
0x14a: {  	_ = 	snop  }
0x14b: {  	s25 =	sshra.s32 s23, $0x2;
	s23 =	sadd.s32 $0x1000, s23  }
0x14c: {  	s24 =	sadd.s32 $0x4000, s24;
	s25 =	sadd.s32 $0x3E00, s25  }
0x14d: {  	[hbm4b:s24+s21] =	stream.strided.scatter [tilespmem:s25], [sflag:$0x1], $0x400, s18, s21, $0x38;
	[tilespmem:$0x9E00] =	vst v63  }
0x14e: {  	_ =	swait.ge [sflag:s16], $0x6000  }
0x14f: {  	[sflag:s16] =	ssyncset.done $0x0  }
0x150: {  	s23 =	simm.s32 $0x0;
	s24 =	simm.s32 $0x3600;
	[sflag:s16] =	ssyncadd.s32 $0xFFFFA000  }
0x151: {  	[tilespmem:s24], [sflag:$0x1] =	stream.linear.gather [hbm4b:s11+s23], $0x400, $0x38;
	[tilespmem:$0x9E00] =	vst v63  }
0x152: {  	s25 =	sadd.s32 $0x4000, s11  }
0x153: {  	[tilespmem:s20], [sflag:$0x1] =	stream.linear.gather [hbm4b:s25+s23], $0x200, $0x38;
	[tilespmem:$0x9E00] =	vst v63  }
0x154: {  	_ =	swait.ge [sflag:s16], $0x600  }
0x155: {  	[sflag:s16] =	ssyncset.done $0x0  }
0x156: {  	s26 =	simm.s32 $0x0;
	s25 =	simm.s32 $0x4580;
	[sflag:s16] =	ssyncadd.s32 $0xFFFFFA00  }
.LBB2_14:
0x157: {  	s29 =	sadd.s32 $0x58, s26  }
0x158: {  	s28 =	smul.u32 $0x5, s29;
	_ =	sdelay $0x1  }
0x159: {  	v2 =	vmov s28  }
0x15a: {  	v1 =	vadd.s32 $0x1, v2  }
0x15b: {  	v3 =	vadd.s32 $0x2, v2  }
0x15c: {  	v10 =	vmov s24  }
0x15d: {  	v4 =	vadd.s32 $0x3, v2;
	_ =	sdelay $0x1  }
0x15e: {  	v8 =	vld.idx.msk [tilespmem:v1+s23+$0x0], $0xffff  }
0x15f: {  	s28 =	simm.s32 $0x0;
	v9 =	vld.idx.msk [tilespmem:v3+s23+$0x0], $0xffff  }
0x160: {  	v1 =	vld.idx.msk [tilespmem:v10+s28+$0x0 ss:$0x1], $0xffff  }
0x161: {  	v6 =	vld.idx.msk [tilespmem:v4+s23+$0x0], $0xffff;
	_ =	sdelay $0x3  }
0x162: {  	vm0 =	vgt.f32 v1, v8;
	vm1 =	vgt.f32 v1, v9  }
0x163: {  	vm15 =	vgt.f32 v1, v6;
	v3 =	vsel vm0, $0x1, v0;
	v4 =	vsel vm1, $0x1, v0  }
0x164: {  	v3 =	vadd.s32 v4, v3;
	v4 =	vsel vm15, $0x1, v0  }
0x165: {  	s30 =	sshll.u32 s29, $0x2;
	v3 =	vadd.s32 v4, v3  }
0x166: {  	s29 =	sshll.u32 s29, $0x6;
	v5 =	vmov s30;
	v11 =	vadd.s32 v2, v3  }
0x167: {  	v7 =	vmov s29;
	v12 =	vadd.s32 v5, v3;
	v3 =	vshll.u32 v3, $0x4  }
0x168: {  	v4 =	vadd.s32 v7, v3  }
0x169: {  	v3 =	vor.u32 $0xF, v4  }
0x16a: {  	v23 =	vor.u32 $0x1, v4  }
0x16b: {  	v11 =	vld.idx.msk [tilespmem:v11+s1+$0x0], $0xffff  }
0x16c: {  	v22 =	vor.u32 $0x2, v4;
	v12 =	vld.idx.msk [tilespmem:v12+s17+$0x0], $0xffff  }
0x16d: {  	v26 =	vor.u32 $0x3, v4;
	v16 =	vld.idx.msk [tilespmem:v4+s19+$0x0], $0xffff  }
0x16e: {  	v25 =	vor.u32 $0x4, v4;
	v27 =	vld.idx.msk [tilespmem:v3+s19+$0x0], $0xffff  }
0x16f: {  	v24 =	vor.u32 $0x5, v4;
	v28 =	vld.idx.msk [tilespmem:v23+s19+$0x0], $0xffff  }
0x170: {  	v21 =	vor.u32 $0x6, v4;
	v30 =	vld.idx.msk [tilespmem:v3+s18+$0x0], $0xffff  }
0x171: {  	v20 =	vor.u32 $0x7, v4;
	v31 =	vld.idx.msk [tilespmem:v22+s19+$0x0], $0xffff  }
0x172: {  	v18 =	vor.u32 $0x8, v4;
	v32 =	vld.idx.msk [tilespmem:v26+s19+$0x0], $0xffff  }
0x173: {  	v19 =	vor.u32 $0x9, v4;
	v33 =	vld.idx.msk [tilespmem:v25+s19+$0x0], $0xffff  }
0x174: {  	v17 =	vor.u32 $0xA, v4;
	v36 =	vld.idx.msk [tilespmem:v24+s19+$0x0], $0xffff  }
0x175: {  	v15 =	vor.u32 $0xB, v4;
	v40 =	vld.idx.msk [tilespmem:v21+s19+$0x0], $0xffff;
	v1 =	vsub.f32 v1, v11  }
0x176: {  	v14 =	vor.u32 $0xC, v4;
	v41 =	vld.idx.msk [tilespmem:v20+s19+$0x0], $0xffff  }
0x177: {  	v13 =	vor.u32 $0xD, v4;
	v42 =	vld.idx.msk [tilespmem:v18+s19+$0x0], $0xffff;
	v11 =	vmul.f32 v12, v1  }
0x178: {  	v37 =	vld.idx.msk [tilespmem:v19+s19+$0x0], $0xffff;
	v1 =	vmov s25;
	v12 =	vor.u32 $0xE, v4  }
0x179: {  	v39 =	vld.idx.msk [tilespmem:v17+s19+$0x0], $0xffff;
	v3 =	vmul.f32 v16, v11;
	v16 =	vmul.f32 v27, v11  }
0x17a: {  	v38 =	vld.idx.msk [tilespmem:v15+s19+$0x0], $0xffff;
	v29 =	vmul.f32 v28, v11;
	v31 =	vmul.f32 v31, v11  }
0x17b: {  	v35 =	vld.idx.msk [tilespmem:v14+s19+$0x0], $0xffff;
	v34 =	vmul.f32 v32, v11;
	v32 =	vmul.f32 v33, v11;
	v16 =	vadd.f32 v16, v30  }
0x17c: {  	v28 =	vmul.f32 v40, v11;
	v33 =	vld.idx.msk [tilespmem:v13+s19+$0x0], $0xffff;
	v27 =	vmul.f32 v41, v11  }
0x17d: {  	s29 =	simm.s32 $0x10;
	s30 =	simm.s32 $0x80;
	v30 =	vmul.f32 v36, v11;
	v36 =	vld.idx.msk [tilespmem:v12+s19+$0x0], $0xffff;
	[tilespmem:v1+s28+$0x0 ss:$0x1] =	vst.idx.msk $0xffff, v16;
	v16 =	vmul.f32 v42, v11  }
.LBB2_15:
0x17e: {  	p0 =	sne.s32 s30, $0x1C0;
	v40 =	vld.idx.msk [tilespmem:v10+s29+$0x0 ss:$0x1], $0xffff;
	v37 =	vmul.f32 v37, v11  }
0x17f: {  	v39 =	vmul.f32 v39, v11;
	v23 =	vld.idx.msk [tilespmem:v23+s18+$0x0], $0xffff  }
0x180: {  	v38 =	vmul.f32 v38, v11;
	v22 =	vld.idx.msk [tilespmem:v22+s18+$0x0], $0xffff  }
0x181: {  	v35 =	vmul.f32 v35, v11;
	v26 =	vld.idx.msk [tilespmem:v26+s18+$0x0], $0xffff  }
0x182: {  	v33 =	vmul.f32 v33, v11;
	v25 =	vld.idx.msk [tilespmem:v25+s18+$0x0], $0xffff  }
0x183: {  	v36 =	vmul.f32 v36, v11;
	v24 =	vld.idx.msk [tilespmem:v24+s18+$0x0], $0xffff  }
0x184: {  	vm0 =	vgt.f32 v40, v8;
	vm1 =	vgt.f32 v40, v9;
	v11 =	vld.idx.msk [tilespmem:v21+s18+$0x0], $0xffff  }
0x185: {  	v21 =	vsel vm0, $0x1, v0;
	v41 =	vsel vm1, $0x1, v0;
	vm0 =	vgt.f32 v40, v6;
	v20 =	vld.idx.msk [tilespmem:v20+s18+$0x0], $0xffff  }
0x186: {  	v23 =	vadd.f32 v29, v23;
	v21 =	vadd.s32 v41, v21;
	v41 =	vsel vm0, $0x1, v0;
	v29 =	vld.idx.msk [tilespmem:v18+s18+$0x0], $0xffff  }
0x187: {  	v18 =	vadd.s32 v41, v21;
	v21 =	vadd.f32 v31, v22;
	v22 =	vadd.f32 v34, v26;
	v31 =	vld.idx.msk [tilespmem:v19+s18+$0x0], $0xffff  }
0x188: {  	v19 =	vadd.s32 v2, v18;
	v25 =	vadd.f32 v32, v25;
	[tilespmem:v1+s28+$0xFFFFF900 ss:$0x1] =	vst.idx.msk $0xffff, v23;
	v32 =	vld.idx.msk [tilespmem:v17+s18+$0x0], $0xffff  }
0x189: {  	v17 =	vadd.f32 v30, v24;
	[tilespmem:v1+s28+$0xFFFFF980 ss:$0x1] =	vst.idx.msk $0xffff, v21;
	v30 =	vld.idx.msk [tilespmem:v15+s18+$0x0], $0xffff  }
0x18a: {  	v15 =	vadd.s32 v5, v18;
	v18 =	vshll.u32 v18, $0x4;
	v11 =	vadd.f32 v28, v11;
	v28 =	vld.idx.msk [tilespmem:v14+s18+$0x0], $0xffff  }
0x18b: {  	v14 =	vadd.s32 v7, v18;
	v27 =	vadd.f32 v27, v20;
	[tilespmem:v1+s28+$0xFFFFFA00 ss:$0x1] =	vst.idx.msk $0xffff, v22;
	v34 =	vld.idx.msk [tilespmem:v13+s18+$0x0], $0xffff  }
0x18c: {  	v23 =	vor.u32 $0x1, v14;
	v22 =	vor.u32 $0x2, v14;
	v41 =	vor.u32 $0xF, v14;
	[tilespmem:v1+s28+$0xFFFFFA80 ss:$0x1] =	vst.idx.msk $0xffff, v25;
	v42 =	vld.idx.msk [tilespmem:v12+s18+$0x0], $0xffff  }
0x18d: {  	v26 =	vor.u32 $0x3, v14;
	v24 =	vor.u32 $0x5, v14;
	v25 =	vor.u32 $0x4, v14;
	v43 =	vld.idx.msk [tilespmem:v19+s1+$0x0], $0xffff;
	[tilespmem:v1+s28+$0xFFFFFB00 ss:$0x1] =	vst.idx.msk $0xffff, v17  }
0x18e: {  	v21 =	vor.u32 $0x6, v14;
	v20 =	vor.u32 $0x7, v14;
	v18 =	vor.u32 $0x8, v14;
	v44 =	vld.idx.msk [tilespmem:v4+s18+$0x0], $0xffff;
	[tilespmem:v1+s28+$0xFFFFFB80 ss:$0x1] =	vst.idx.msk $0xffff, v11;
	v4 =	vmovc v14  }
0x18f: {  	v11 =	vld.idx.msk [tilespmem:v15+s17+$0x0], $0xffff;
	v19 =	vor.u32 $0x9, v4;
	v17 =	vor.u32 $0xA, v4;
	v15 =	vor.u32 $0xB, v4;
	[tilespmem:v1+s28+$0xFFFFFC00 ss:$0x1] =	vst.idx.msk $0xffff, v27  }
0x190: {  	v13 =	vor.u32 $0xD, v4;
	v12 =	vor.u32 $0xE, v4;
	v27 =	vld.idx.msk [tilespmem:v14+s19+$0x0], $0xffff;
	v14 =	vor.u32 $0xC, v4  }
0x191: {  	v16 =	vadd.f32 v16, v29;
	v29 =	vadd.f32 v37, v31;
	v45 =	vld.idx.msk [tilespmem:v41+s19+$0x0], $0xffff  }
0x192: {  	v32 =	vadd.f32 v39, v32;
	v30 =	vadd.f32 v38, v30;
	v31 =	vld.idx.msk [tilespmem:v23+s19+$0x0], $0xffff  }
0x193: {  	v37 =	vsub.f32 v40, v43;
	v38 =	vld.idx.msk [tilespmem:v41+s18+$0x0], $0xffff;
	[tilespmem:v1+s28+$0xFFFFFC80 ss:$0x1] =	vst.idx.msk $0xffff, v16;
	v16 =	vadd.f32 v35, v28  }
0x194: {  	v33 =	vadd.f32 v33, v34;
	v3 =	vadd.f32 v3, v44;
	v28 =	vld.idx.msk [tilespmem:v22+s19+$0x0], $0xffff;
	[tilespmem:v1+s28+$0xFFFFFD00 ss:$0x1] =	vst.idx.msk $0xffff, v29  }
0x195: {  	v11 =	vmul.f32 v11, v37;
	v34 =	vld.idx.msk [tilespmem:v26+s19+$0x0], $0xffff;
	[tilespmem:v1+s28+$0xFFFFFD80 ss:$0x1] =	vst.idx.msk $0xffff, v32;
	v32 =	vadd.f32 v36, v42  }
0x196: {  	v35 =	vld.idx.msk [tilespmem:v25+s19+$0x0], $0xffff;
	[tilespmem:v1+s28+$0xFFFFF880 ss:$0x1] =	vst.idx.msk $0xffff, v3  }
0x197: {  	v3 =	vmul.f32 v27, v11;
	v36 =	vmul.f32 v45, v11;
	v27 =	vld.idx.msk [tilespmem:v24+s19+$0x0], $0xffff;
	[tilespmem:v1+s28+$0xFFFFFE00 ss:$0x1] =	vst.idx.msk $0xffff, v30  }
0x198: {  	v29 =	vmul.f32 v31, v11;
	v40 =	vld.idx.msk [tilespmem:v21+s19+$0x0], $0xffff;
	[tilespmem:v1+s28+$0xFFFFFE80 ss:$0x1] =	vst.idx.msk $0xffff, v16  }
0x199: {  	v30 =	vadd.f32 v36, v38;
	v16 =	vld.idx.msk [tilespmem:v20+s19+$0x0], $0xffff;
	[tilespmem:v1+s28+$0xFFFFFF00 ss:$0x1] =	vst.idx.msk $0xffff, v33  }
0x19a: {  	v31 =	vmul.f32 v28, v11;
	v36 =	vld.idx.msk [tilespmem:v18+s19+$0x0], $0xffff;
	[tilespmem:v1+s28+$0xFFFFFF80 ss:$0x1] =	vst.idx.msk $0xffff, v32;
	s28 =	smov.u32 s29  }
0x19b: {  	v34 =	vmul.f32 v34, v11;
	v37 =	vld.idx.msk [tilespmem:v19+s19+$0x0], $0xffff;
	[tilespmem:v1+s28+$0x0 ss:$0x1] =	vst.idx.msk $0xffff, v30  }
.Ltmp6:
0x19c: {  	v32 =	vmul.f32 v35, v11;
	v39 =	vld.idx.msk [tilespmem:v17+s19+$0x0], $0xffff;
	(pc) =	sbr.rel @p0 .LBB2_15-.Ltmp6, $4  }
0x19d: {  	v30 =	vmul.f32 v27, v11;
	v38 =	vld.idx.msk [tilespmem:v15+s19+$0x0], $0xffff  }
0x19e: {  	v28 =	vmul.f32 v40, v11;
	v35 =	vld.idx.msk [tilespmem:v14+s19+$0x0], $0xffff  }
0x19f: {  	v27 =	vmul.f32 v16, v11;
	v33 =	vld.idx.msk [tilespmem:v13+s19+$0x0], $0xffff  }
0x1a0: {  	s29 =	sshra.s32 s30, $0x2;
	s30 =	sadd.s32 $0x40, s30;
	v16 =	vmul.f32 v36, v11;
	v36 =	vld.idx.msk [tilespmem:v12+s19+$0x0], $0xffff  }
0x1a1: {  	_ =	sdelay $0x3  }
0x1a2: {  	v10 =	vld.idx.msk [tilespmem:v10+s29+$0x0 ss:$0x1], $0xffff  }
0x1a3: {  	v23 =	vld.idx.msk [tilespmem:v23+s18+$0x0], $0xffff  }
0x1a4: {  	v22 =	vld.idx.msk [tilespmem:v22+s18+$0x0], $0xffff  }
0x1a5: {  	v26 =	vld.idx.msk [tilespmem:v26+s18+$0x0], $0xffff  }
0x1a6: {  	v25 =	vld.idx.msk [tilespmem:v25+s18+$0x0], $0xffff  }
0x1a7: {  	v24 =	vld.idx.msk [tilespmem:v24+s18+$0x0], $0xffff  }
0x1a8: {  	v60 =	vld.idx.msk [tilespmem:v21+s18+$0x0], $0xffff  }
0x1a9: {  	v63 =	vld.idx.msk [tilespmem:v20+s18+$0x0], $0xffff;
	vm0 =	vgt.f32 v10, v8;
	vm1 =	vgt.f32 v10, v9  }
0x1aa: {  	v18 =	vld.idx.msk [tilespmem:v18+s18+$0x0], $0xffff;
	vm15 =	vgt.f32 v10, v6;
	v61 =	vsel vm0, $0x1, v0;
	v62 =	vsel vm1, $0x1, v0  }
0x1ab: {  	v19 =	vld.idx.msk [tilespmem:v19+s18+$0x0], $0xffff;
	v50 =	vsel vm15, $0x1, v0;
	v9 =	vadd.s32 v62, v61  }
0x1ac: {  	v17 =	vld.idx.msk [tilespmem:v17+s18+$0x0], $0xffff;
	v9 =	vadd.s32 v50, v9  }
0x1ad: {  	v15 =	vld.idx.msk [tilespmem:v15+s18+$0x0], $0xffff;
	v2 =	vadd.s32 v2, v9  }
0x1ae: {  	v14 =	vld.idx.msk [tilespmem:v14+s18+$0x0], $0xffff;
	v5 =	vadd.s32 v5, v9;
	v9 =	vshll.u32 v9, $0x4  }
0x1af: {  	v12 =	vld.idx.msk [tilespmem:v12+s18+$0x0], $0xffff;
	v7 =	vadd.s32 v7, v9  }
0x1b0: {  	v4 =	vld.idx.msk [tilespmem:v4+s18+$0x0], $0xffff;
	v51 =	vor.u32 $0xF, v7  }
0x1b1: {  	v9 =	vld.idx.msk [tilespmem:v13+s18+$0x0], $0xffff;
	v20 =	vor.u32 $0x1, v7  }
0x1b2: {  	v2 =	vld.idx.msk [tilespmem:v2+s1+$0x0], $0xffff  }
0x1b3: {  	v21 =	vor.u32 $0x2, v7;
	v5 =	vld.idx.msk [tilespmem:v5+s17+$0x0], $0xffff  }
0x1b4: {  	v40 =	vor.u32 $0x3, v7;
	v41 =	vld.idx.msk [tilespmem:v7+s19+$0x0], $0xffff  }
0x1b5: {  	v42 =	vor.u32 $0x4, v7;
	v43 =	vld.idx.msk [tilespmem:v51+s19+$0x0], $0xffff  }
0x1b6: {  	v44 =	vor.u32 $0x5, v7;
	v45 =	vld.idx.msk [tilespmem:v20+s19+$0x0], $0xffff  }
0x1b7: {  	v46 =	vor.u32 $0x6, v7;
	v13 =	vld.idx.msk [tilespmem:v51+s18+$0x0], $0xffff  }
0x1b8: {  	v47 =	vor.u32 $0x7, v7;
	v48 =	vld.idx.msk [tilespmem:v21+s19+$0x0], $0xffff  }
0x1b9: {  	v23 =	vadd.f32 v29, v23;
	v49 =	vor.u32 $0x8, v7;
	v50 =	vld.idx.msk [tilespmem:v40+s19+$0x0], $0xffff  }
0x1ba: {  	v37 =	vmul.f32 v37, v11;
	v22 =	vadd.f32 v31, v22;
	v29 =	vor.u32 $0x9, v7;
	v51 =	vld.idx.msk [tilespmem:v42+s19+$0x0], $0xffff  }
0x1bb: {  	v26 =	vadd.f32 v34, v26;
	[tilespmem:v1+s28+$0xFFFFF900 ss:$0x1] =	vst.idx.msk $0xffff, v23;
	v31 =	vor.u32 $0xA, v7;
	v34 =	vld.idx.msk [tilespmem:v44+s19+$0x0], $0xffff  }
0x1bc: {  	v52 =	vadd.f32 v32, v25;
	[tilespmem:v1+s28+$0xFFFFF980 ss:$0x1] =	vst.idx.msk $0xffff, v22;
	v25 =	vor.u32 $0xB, v7;
	v53 =	vld.idx.msk [tilespmem:v46+s19+$0x0], $0xffff  }
0x1bd: {  	v54 =	vadd.f32 v30, v24;
	[tilespmem:v1+s28+$0xFFFFFA00 ss:$0x1] =	vst.idx.msk $0xffff, v26;
	v24 =	vor.u32 $0xC, v7;
	v55 =	vld.idx.msk [tilespmem:v47+s19+$0x0], $0xffff  }
0x1be: {  	v8 =	vadd.f32 v28, v60;
	[tilespmem:v1+s28+$0xFFFFFA80 ss:$0x1] =	vst.idx.msk $0xffff, v52;
	v23 =	vor.u32 $0xE, v7;
	v56 =	vld.idx.msk [tilespmem:v49+s19+$0x0], $0xffff  }
0x1bf: {  	v39 =	vmul.f32 v39, v11;
	v6 =	vadd.f32 v27, v63;
	[tilespmem:v1+s28+$0xFFFFFB00 ss:$0x1] =	vst.idx.msk $0xffff, v54;
	v57 =	vld.idx.msk [tilespmem:v29+s19+$0x0], $0xffff  }
0x1c0: {  	v59 =	vmul.f32 v38, v11;
	v16 =	vadd.f32 v16, v18;
	[tilespmem:v1+s28+$0xFFFFFB80 ss:$0x1] =	vst.idx.msk $0xffff, v8;
	v58 =	vld.idx.msk [tilespmem:v31+s19+$0x0], $0xffff  }
0x1c1: {  	v17 =	vadd.f32 v39, v17;
	v3 =	vadd.f32 v3, v4;
	[tilespmem:v1+s28+$0xFFFFFC00 ss:$0x1] =	vst.idx.msk $0xffff, v6;
	v60 =	vld.idx.msk [tilespmem:v25+s19+$0x0], $0xffff  }
0x1c2: {  	v63 =	vmul.f32 v33, v11;
	v61 =	vadd.f32 v37, v19;
	[tilespmem:v1+s28+$0xFFFFFC80 ss:$0x1] =	vst.idx.msk $0xffff, v16;
	v19 =	vld.idx.msk [tilespmem:v24+s19+$0x0], $0xffff  }
0x1c3: {  	v62 =	vmul.f32 v35, v11;
	[tilespmem:v1+s28+$0xFFFFFD80 ss:$0x1] =	vst.idx.msk $0xffff, v17;
	v6 =	vld.idx.msk [tilespmem:v23+s19+$0x0], $0xffff;
	v2 =	vsub.f32 v10, v2  }
0x1c4: {  	v8 =	vadd.f32 v59, v15;
	v35 =	vmul.f32 v36, v11;
	[tilespmem:v1+s28+$0xFFFFF880 ss:$0x1] =	vst.idx.msk $0xffff, v3;
	v33 =	vld.idx.msk [tilespmem:v20+s18+$0x0], $0xffff  }
0x1c5: {  	[tilespmem:v1+s28+$0xFFFFFD00 ss:$0x1] =	vst.idx.msk $0xffff, v61;
	v4 =	vadd.f32 v62, v14;
	v3 =	vld.idx.msk [tilespmem:v21+s18+$0x0], $0xffff;
	v2 =	vmul.f32 v5, v2  }
0x1c6: {  	[tilespmem:v1+s28+$0xFFFFFE00 ss:$0x1] =	vst.idx.msk $0xffff, v8;
	v11 =	vadd.f32 v35, v12;
	v26 =	vor.u32 $0xD, v7;
	v37 =	vld.idx.msk [tilespmem:v40+s18+$0x0], $0xffff  }
0x1c7: {  	[tilespmem:v1+s28+$0xFFFFFE80 ss:$0x1] =	vst.idx.msk $0xffff, v4;
	v39 =	vld.idx.msk [tilespmem:v42+s18+$0x0], $0xffff;
	v5 =	vadd.f32 v63, v9;
	v36 =	vmul.f32 v43, v2  }
0x1c8: {  	[tilespmem:v1+s28+$0xFFFFFF80 ss:$0x1] =	vst.idx.msk $0xffff, v11;
	v42 =	vld.idx.msk [tilespmem:v44+s18+$0x0], $0xffff;
	v38 =	vmul.f32 v45, v2  }
0x1c9: {  	v44 =	vld.idx.msk [tilespmem:v46+s18+$0x0], $0xffff;
	[tilespmem:v1+s28+$0xFFFFFF00 ss:$0x1] =	vst.idx.msk $0xffff, v5;
	v40 =	vmul.f32 v48, v2;
	v9 =	vadd.f32 v36, v13  }
0x1ca: {  	v46 =	vld.idx.msk [tilespmem:v47+s18+$0x0], $0xffff;
	v43 =	vmul.f32 v50, v2;
	v45 =	vmul.f32 v51, v2;
	v12 =	vadd.f32 v38, v33  }
0x1cb: {  	v47 =	vmul.f32 v34, v2;
	v48 =	vld.idx.msk [tilespmem:v49+s18+$0x0], $0xffff;
	v3 =	vadd.f32 v40, v3;
	[tilespmem:v1+s29+$0x0 ss:$0x1] =	vst.idx.msk $0xffff, v9  }
0x1cc: {  	v10 =	vld.idx.msk [tilespmem:v26+s19+$0x0], $0xffff;
	v49 =	vmul.f32 v53, v2;
	v8 =	vadd.f32 v43, v37;
	[tilespmem:v1+s29+$0xFFFFF900 ss:$0x1] =	vst.idx.msk $0xffff, v12  }
0x1cd: {  	v51 =	vld.idx.msk [tilespmem:v31+s18+$0x0], $0xffff;
	v52 =	vmul.f32 v56, v2;
	v4 =	vadd.f32 v45, v39;
	[tilespmem:v1+s29+$0xFFFFF980 ss:$0x1] =	vst.idx.msk $0xffff, v3  }
0x1ce: {  	v50 =	vld.idx.msk [tilespmem:v29+s18+$0x0], $0xffff;
	v54 =	vmul.f32 v57, v2;
	v5 =	vadd.f32 v47, v42;
	[tilespmem:v1+s29+$0xFFFFFA00 ss:$0x1] =	vst.idx.msk $0xffff, v8  }
0x1cf: {  	v53 =	vld.idx.msk [tilespmem:v7+s18+$0x0], $0xffff;
	v11 =	vadd.f32 v49, v44;
	v3 =	vmul.f32 v55, v2;
	[tilespmem:v1+s29+$0xFFFFFA80 ss:$0x1] =	vst.idx.msk $0xffff, v4  }
0x1d0: {  	v56 =	vmul.f32 v58, v2;
	v57 =	vld.idx.msk [tilespmem:v24+s18+$0x0], $0xffff;
	[tilespmem:v1+s29+$0xFFFFFB00 ss:$0x1] =	vst.idx.msk $0xffff, v5;
	v8 =	vadd.f32 v52, v48  }
0x1d1: {  	v55 =	vld.idx.msk [tilespmem:v25+s18+$0x0], $0xffff;
	[tilespmem:v1+s29+$0xFFFFFB80 ss:$0x1] =	vst.idx.msk $0xffff, v11;
	v3 =	vadd.f32 v3, v46  }
0x1d2: {  	v59 =	vld.idx.msk [tilespmem:v26+s18+$0x0], $0xffff;
	v58 =	vmul.f32 v41, v2;
	v5 =	vadd.f32 v56, v51;
	[tilespmem:v1+s29+$0xFFFFFC80 ss:$0x1] =	vst.idx.msk $0xffff, v8  }
0x1d3: {  	v61 =	vld.idx.msk [tilespmem:v23+s18+$0x0], $0xffff;
	v62 =	vmul.f32 v19, v2;
	[tilespmem:v1+s29+$0xFFFFFC00 ss:$0x1] =	vst.idx.msk $0xffff, v3;
	v3 =	vadd.f32 v54, v50  }
0x1d4: {  	s26 =	sadd.s32 $0x1, s26;
	v60 =	vmul.f32 v60, v2;
	v4 =	vadd.f32 v58, v53;
	[tilespmem:v1+s29+$0xFFFFFD80 ss:$0x1] =	vst.idx.msk $0xffff, v5  }
0x1d5: {  	p0 =	sne.s32 s26, $0xC;
	v63 =	vadd.f32 v62, v57;
	[tilespmem:v1+s29+$0xFFFFFD00 ss:$0x1] =	vst.idx.msk $0xffff, v3;
	v3 =	vmul.f32 v10, v2  }
.Ltmp7:
0x1d6: {  	[tilespmem:v1+s29+$0xFFFFF880 ss:$0x1] =	vst.idx.msk $0xffff, v4;
	v7 =	vadd.f32 v60, v55;
	v2 =	vmul.f32 v6, v2;
	(pc) =	sbr.rel @p0 .LBB2_14-.Ltmp7, $4  }
0x1d7: {  	[tilespmem:v1+s29+$0xFFFFFE80 ss:$0x1] =	vst.idx.msk $0xffff, v63;
	v3 =	vadd.f32 v3, v59  }
0x1d8: {  	[tilespmem:v1+s29+$0xFFFFFE00 ss:$0x1] =	vst.idx.msk $0xffff, v7;
	v2 =	vadd.f32 v2, v61  }
0x1d9: {  	[tilespmem:v1+s29+$0xFFFFFF00 ss:$0x1] =	vst.idx.msk $0xffff, v3  }
0x1da: {  	s24 =	sadd.s32 $0x80, s24;
	s25 =	sadd.s32 $0x800, s25;
	[tilespmem:v1+s29+$0xFFFFFF80 ss:$0x1] =	vst.idx.msk $0xffff, v2  }
0x1db: {  	s23 =	simm.s32 $0x3E00  }
0x1dc: {  	[hbm4b:s12+s21] =	stream.strided.scatter [tilespmem:s23], [sflag:$0x1], $0x400, s18, s21, $0x38;
	[tilespmem:$0x9E00] =	vst v63  }
0x1dd: {  	s24 =	smov.u32 s12;
	s23 =	simm.s32 $0x1000  }
.LBB2_18:
0x1de: {  	p0 =	sne.s32 s23, $0x17000  }
.Ltmp8:
0x1df: {  	_ = 	snop;
	(pc) =	sbr.rel @p0 .LBB2_18-.Ltmp8, $4  }
0x1e0: {  	_ = 	snop  }
0x1e1: {  	s25 =	sshra.s32 s23, $0x2;
	s23 =	sadd.s32 $0x1000, s23  }
0x1e2: {  	s24 =	sadd.s32 $0x4000, s24;
	s25 =	sadd.s32 $0x3E00, s25  }
0x1e3: {  	[hbm4b:s24+s21] =	stream.strided.scatter [tilespmem:s25], [sflag:$0x1], $0x400, s18, s21, $0x38;
	[tilespmem:$0x9E00] =	vst v63  }
0x1e4: {  	_ =	swait.ge [sflag:s16], $0x6000  }
0x1e5: {  	[sflag:s16] =	ssyncset.done $0x0  }
0x1e6: {  	s23 =	simm.s32 $0x0;
	s24 =	simm.s32 $0x3600;
	[sflag:s16] =	ssyncadd.s32 $0xFFFFA000  }
0x1e7: {  	[tilespmem:s24], [sflag:$0x1] =	stream.linear.gather [hbm4b:s13+s23], $0x400, $0x38;
	[tilespmem:$0x9E00] =	vst v63  }
0x1e8: {  	s25 =	sadd.s32 $0x4000, s13  }
0x1e9: {  	[tilespmem:s20], [sflag:$0x1] =	stream.linear.gather [hbm4b:s25+s23], $0x200, $0x38;
	[tilespmem:$0x9E00] =	vst v63  }
0x1ea: {  	_ =	swait.ge [sflag:s16], $0x600  }
0x1eb: {  	[sflag:s16] =	ssyncset.done $0x0  }
0x1ec: {  	s26 =	simm.s32 $0x0;
	s25 =	simm.s32 $0x4580;
	[sflag:s16] =	ssyncadd.s32 $0xFFFFFA00  }
.LBB2_20:
0x1ed: {  	s29 =	sadd.s32 $0x58, s26  }
0x1ee: {  	s28 =	smul.u32 $0x5, s29;
	_ =	sdelay $0x1  }
0x1ef: {  	v2 =	vmov s28  }
0x1f0: {  	v1 =	vadd.s32 $0x1, v2  }
0x1f1: {  	v3 =	vadd.s32 $0x2, v2  }
0x1f2: {  	v10 =	vmov s24  }
0x1f3: {  	v4 =	vadd.s32 $0x3, v2;
	_ =	sdelay $0x1  }
0x1f4: {  	v8 =	vld.idx.msk [tilespmem:v1+s23+$0x0], $0xffff  }
0x1f5: {  	s28 =	simm.s32 $0x0;
	v9 =	vld.idx.msk [tilespmem:v3+s23+$0x0], $0xffff  }
0x1f6: {  	v1 =	vld.idx.msk [tilespmem:v10+s28+$0x0 ss:$0x1], $0xffff  }
0x1f7: {  	v6 =	vld.idx.msk [tilespmem:v4+s23+$0x0], $0xffff;
	_ =	sdelay $0x3  }
0x1f8: {  	vm0 =	vgt.f32 v1, v8;
	vm1 =	vgt.f32 v1, v9  }
0x1f9: {  	vm15 =	vgt.f32 v1, v6;
	v3 =	vsel vm0, $0x1, v0;
	v4 =	vsel vm1, $0x1, v0  }
0x1fa: {  	v3 =	vadd.s32 v4, v3;
	v4 =	vsel vm15, $0x1, v0  }
0x1fb: {  	s30 =	sshll.u32 s29, $0x2;
	v3 =	vadd.s32 v4, v3  }
0x1fc: {  	s29 =	sshll.u32 s29, $0x6;
	v5 =	vmov s30;
	v11 =	vadd.s32 v2, v3  }
0x1fd: {  	v7 =	vmov s29;
	v12 =	vadd.s32 v5, v3;
	v3 =	vshll.u32 v3, $0x4  }
0x1fe: {  	v4 =	vadd.s32 v7, v3  }
0x1ff: {  	v3 =	vor.u32 $0xF, v4  }
0x200: {  	v23 =	vor.u32 $0x1, v4  }
0x201: {  	v11 =	vld.idx.msk [tilespmem:v11+s1+$0x0], $0xffff  }
0x202: {  	v22 =	vor.u32 $0x2, v4;
	v12 =	vld.idx.msk [tilespmem:v12+s17+$0x0], $0xffff  }
0x203: {  	v26 =	vor.u32 $0x3, v4;
	v16 =	vld.idx.msk [tilespmem:v4+s19+$0x0], $0xffff  }
0x204: {  	v25 =	vor.u32 $0x4, v4;
	v27 =	vld.idx.msk [tilespmem:v3+s19+$0x0], $0xffff  }
0x205: {  	v24 =	vor.u32 $0x5, v4;
	v28 =	vld.idx.msk [tilespmem:v23+s19+$0x0], $0xffff  }
0x206: {  	v21 =	vor.u32 $0x6, v4;
	v30 =	vld.idx.msk [tilespmem:v3+s18+$0x0], $0xffff  }
0x207: {  	v20 =	vor.u32 $0x7, v4;
	v31 =	vld.idx.msk [tilespmem:v22+s19+$0x0], $0xffff  }
0x208: {  	v18 =	vor.u32 $0x8, v4;
	v32 =	vld.idx.msk [tilespmem:v26+s19+$0x0], $0xffff  }
0x209: {  	v19 =	vor.u32 $0x9, v4;
	v33 =	vld.idx.msk [tilespmem:v25+s19+$0x0], $0xffff  }
0x20a: {  	v17 =	vor.u32 $0xA, v4;
	v36 =	vld.idx.msk [tilespmem:v24+s19+$0x0], $0xffff  }
0x20b: {  	v15 =	vor.u32 $0xB, v4;
	v40 =	vld.idx.msk [tilespmem:v21+s19+$0x0], $0xffff;
	v1 =	vsub.f32 v1, v11  }
0x20c: {  	v14 =	vor.u32 $0xC, v4;
	v41 =	vld.idx.msk [tilespmem:v20+s19+$0x0], $0xffff  }
0x20d: {  	v13 =	vor.u32 $0xD, v4;
	v42 =	vld.idx.msk [tilespmem:v18+s19+$0x0], $0xffff;
	v11 =	vmul.f32 v12, v1  }
0x20e: {  	v37 =	vld.idx.msk [tilespmem:v19+s19+$0x0], $0xffff;
	v1 =	vmov s25;
	v12 =	vor.u32 $0xE, v4  }
0x20f: {  	v39 =	vld.idx.msk [tilespmem:v17+s19+$0x0], $0xffff;
	v3 =	vmul.f32 v16, v11;
	v16 =	vmul.f32 v27, v11  }
0x210: {  	v38 =	vld.idx.msk [tilespmem:v15+s19+$0x0], $0xffff;
	v29 =	vmul.f32 v28, v11;
	v31 =	vmul.f32 v31, v11  }
0x211: {  	v35 =	vld.idx.msk [tilespmem:v14+s19+$0x0], $0xffff;
	v34 =	vmul.f32 v32, v11;
	v32 =	vmul.f32 v33, v11;
	v16 =	vadd.f32 v16, v30  }
0x212: {  	v28 =	vmul.f32 v40, v11;
	v33 =	vld.idx.msk [tilespmem:v13+s19+$0x0], $0xffff;
	v27 =	vmul.f32 v41, v11  }
0x213: {  	s29 =	simm.s32 $0x10;
	s30 =	simm.s32 $0x80;
	v30 =	vmul.f32 v36, v11;
	v36 =	vld.idx.msk [tilespmem:v12+s19+$0x0], $0xffff;
	[tilespmem:v1+s28+$0x0 ss:$0x1] =	vst.idx.msk $0xffff, v16;
	v16 =	vmul.f32 v42, v11  }
.LBB2_21:
0x214: {  	p0 =	sne.s32 s30, $0x1C0;
	v40 =	vld.idx.msk [tilespmem:v10+s29+$0x0 ss:$0x1], $0xffff;
	v37 =	vmul.f32 v37, v11  }
0x215: {  	v39 =	vmul.f32 v39, v11;
	v23 =	vld.idx.msk [tilespmem:v23+s18+$0x0], $0xffff  }
0x216: {  	v38 =	vmul.f32 v38, v11;
	v22 =	vld.idx.msk [tilespmem:v22+s18+$0x0], $0xffff  }
0x217: {  	v35 =	vmul.f32 v35, v11;
	v26 =	vld.idx.msk [tilespmem:v26+s18+$0x0], $0xffff  }
0x218: {  	v33 =	vmul.f32 v33, v11;
	v25 =	vld.idx.msk [tilespmem:v25+s18+$0x0], $0xffff  }
0x219: {  	v36 =	vmul.f32 v36, v11;
	v24 =	vld.idx.msk [tilespmem:v24+s18+$0x0], $0xffff  }
0x21a: {  	vm0 =	vgt.f32 v40, v8;
	vm1 =	vgt.f32 v40, v9;
	v11 =	vld.idx.msk [tilespmem:v21+s18+$0x0], $0xffff  }
0x21b: {  	v21 =	vsel vm0, $0x1, v0;
	v41 =	vsel vm1, $0x1, v0;
	vm0 =	vgt.f32 v40, v6;
	v20 =	vld.idx.msk [tilespmem:v20+s18+$0x0], $0xffff  }
0x21c: {  	v23 =	vadd.f32 v29, v23;
	v21 =	vadd.s32 v41, v21;
	v41 =	vsel vm0, $0x1, v0;
	v29 =	vld.idx.msk [tilespmem:v18+s18+$0x0], $0xffff  }
0x21d: {  	v18 =	vadd.s32 v41, v21;
	v21 =	vadd.f32 v31, v22;
	v22 =	vadd.f32 v34, v26;
	v31 =	vld.idx.msk [tilespmem:v19+s18+$0x0], $0xffff  }
0x21e: {  	v19 =	vadd.s32 v2, v18;
	v25 =	vadd.f32 v32, v25;
	[tilespmem:v1+s28+$0xFFFFF900 ss:$0x1] =	vst.idx.msk $0xffff, v23;
	v32 =	vld.idx.msk [tilespmem:v17+s18+$0x0], $0xffff  }
0x21f: {  	v17 =	vadd.f32 v30, v24;
	[tilespmem:v1+s28+$0xFFFFF980 ss:$0x1] =	vst.idx.msk $0xffff, v21;
	v30 =	vld.idx.msk [tilespmem:v15+s18+$0x0], $0xffff  }
0x220: {  	v15 =	vadd.s32 v5, v18;
	v18 =	vshll.u32 v18, $0x4;
	v11 =	vadd.f32 v28, v11;
	v28 =	vld.idx.msk [tilespmem:v14+s18+$0x0], $0xffff  }
0x221: {  	v14 =	vadd.s32 v7, v18;
	v27 =	vadd.f32 v27, v20;
	[tilespmem:v1+s28+$0xFFFFFA00 ss:$0x1] =	vst.idx.msk $0xffff, v22;
	v34 =	vld.idx.msk [tilespmem:v13+s18+$0x0], $0xffff  }
0x222: {  	v23 =	vor.u32 $0x1, v14;
	v22 =	vor.u32 $0x2, v14;
	v41 =	vor.u32 $0xF, v14;
	[tilespmem:v1+s28+$0xFFFFFA80 ss:$0x1] =	vst.idx.msk $0xffff, v25;
	v42 =	vld.idx.msk [tilespmem:v12+s18+$0x0], $0xffff  }
0x223: {  	v26 =	vor.u32 $0x3, v14;
	v24 =	vor.u32 $0x5, v14;
	v25 =	vor.u32 $0x4, v14;
	v43 =	vld.idx.msk [tilespmem:v19+s1+$0x0], $0xffff;
	[tilespmem:v1+s28+$0xFFFFFB00 ss:$0x1] =	vst.idx.msk $0xffff, v17  }
0x224: {  	v21 =	vor.u32 $0x6, v14;
	v20 =	vor.u32 $0x7, v14;
	v18 =	vor.u32 $0x8, v14;
	v44 =	vld.idx.msk [tilespmem:v4+s18+$0x0], $0xffff;
	[tilespmem:v1+s28+$0xFFFFFB80 ss:$0x1] =	vst.idx.msk $0xffff, v11;
	v4 =	vmovc v14  }
0x225: {  	v11 =	vld.idx.msk [tilespmem:v15+s17+$0x0], $0xffff;
	v19 =	vor.u32 $0x9, v4;
	v17 =	vor.u32 $0xA, v4;
	v15 =	vor.u32 $0xB, v4;
	[tilespmem:v1+s28+$0xFFFFFC00 ss:$0x1] =	vst.idx.msk $0xffff, v27  }
0x226: {  	v13 =	vor.u32 $0xD, v4;
	v12 =	vor.u32 $0xE, v4;
	v27 =	vld.idx.msk [tilespmem:v14+s19+$0x0], $0xffff;
	v14 =	vor.u32 $0xC, v4  }
0x227: {  	v16 =	vadd.f32 v16, v29;
	v29 =	vadd.f32 v37, v31;
	v45 =	vld.idx.msk [tilespmem:v41+s19+$0x0], $0xffff  }
0x228: {  	v32 =	vadd.f32 v39, v32;
	v30 =	vadd.f32 v38, v30;
	v31 =	vld.idx.msk [tilespmem:v23+s19+$0x0], $0xffff  }
0x229: {  	v37 =	vsub.f32 v40, v43;
	v38 =	vld.idx.msk [tilespmem:v41+s18+$0x0], $0xffff;
	[tilespmem:v1+s28+$0xFFFFFC80 ss:$0x1] =	vst.idx.msk $0xffff, v16;
	v16 =	vadd.f32 v35, v28  }
0x22a: {  	v33 =	vadd.f32 v33, v34;
	v3 =	vadd.f32 v3, v44;
	v28 =	vld.idx.msk [tilespmem:v22+s19+$0x0], $0xffff;
	[tilespmem:v1+s28+$0xFFFFFD00 ss:$0x1] =	vst.idx.msk $0xffff, v29  }
0x22b: {  	v11 =	vmul.f32 v11, v37;
	v34 =	vld.idx.msk [tilespmem:v26+s19+$0x0], $0xffff;
	[tilespmem:v1+s28+$0xFFFFFD80 ss:$0x1] =	vst.idx.msk $0xffff, v32;
	v32 =	vadd.f32 v36, v42  }
0x22c: {  	v35 =	vld.idx.msk [tilespmem:v25+s19+$0x0], $0xffff;
	[tilespmem:v1+s28+$0xFFFFF880 ss:$0x1] =	vst.idx.msk $0xffff, v3  }
0x22d: {  	v3 =	vmul.f32 v27, v11;
	v36 =	vmul.f32 v45, v11;
	v27 =	vld.idx.msk [tilespmem:v24+s19+$0x0], $0xffff;
	[tilespmem:v1+s28+$0xFFFFFE00 ss:$0x1] =	vst.idx.msk $0xffff, v30  }
0x22e: {  	v29 =	vmul.f32 v31, v11;
	v40 =	vld.idx.msk [tilespmem:v21+s19+$0x0], $0xffff;
	[tilespmem:v1+s28+$0xFFFFFE80 ss:$0x1] =	vst.idx.msk $0xffff, v16  }
0x22f: {  	v30 =	vadd.f32 v36, v38;
	v16 =	vld.idx.msk [tilespmem:v20+s19+$0x0], $0xffff;
	[tilespmem:v1+s28+$0xFFFFFF00 ss:$0x1] =	vst.idx.msk $0xffff, v33  }
0x230: {  	v31 =	vmul.f32 v28, v11;
	v36 =	vld.idx.msk [tilespmem:v18+s19+$0x0], $0xffff;
	[tilespmem:v1+s28+$0xFFFFFF80 ss:$0x1] =	vst.idx.msk $0xffff, v32;
	s28 =	smov.u32 s29  }
0x231: {  	v34 =	vmul.f32 v34, v11;
	v37 =	vld.idx.msk [tilespmem:v19+s19+$0x0], $0xffff;
	[tilespmem:v1+s28+$0x0 ss:$0x1] =	vst.idx.msk $0xffff, v30  }
.Ltmp9:
0x232: {  	v32 =	vmul.f32 v35, v11;
	v39 =	vld.idx.msk [tilespmem:v17+s19+$0x0], $0xffff;
	(pc) =	sbr.rel @p0 .LBB2_21-.Ltmp9, $4  }
0x233: {  	v30 =	vmul.f32 v27, v11;
	v38 =	vld.idx.msk [tilespmem:v15+s19+$0x0], $0xffff  }
0x234: {  	v28 =	vmul.f32 v40, v11;
	v35 =	vld.idx.msk [tilespmem:v14+s19+$0x0], $0xffff  }
0x235: {  	v27 =	vmul.f32 v16, v11;
	v33 =	vld.idx.msk [tilespmem:v13+s19+$0x0], $0xffff  }
0x236: {  	s29 =	sshra.s32 s30, $0x2;
	s30 =	sadd.s32 $0x40, s30;
	v16 =	vmul.f32 v36, v11;
	v36 =	vld.idx.msk [tilespmem:v12+s19+$0x0], $0xffff  }
0x237: {  	_ =	sdelay $0x3  }
0x238: {  	v10 =	vld.idx.msk [tilespmem:v10+s29+$0x0 ss:$0x1], $0xffff  }
0x239: {  	v23 =	vld.idx.msk [tilespmem:v23+s18+$0x0], $0xffff  }
0x23a: {  	v22 =	vld.idx.msk [tilespmem:v22+s18+$0x0], $0xffff  }
0x23b: {  	v26 =	vld.idx.msk [tilespmem:v26+s18+$0x0], $0xffff  }
0x23c: {  	v25 =	vld.idx.msk [tilespmem:v25+s18+$0x0], $0xffff  }
0x23d: {  	v24 =	vld.idx.msk [tilespmem:v24+s18+$0x0], $0xffff  }
0x23e: {  	v60 =	vld.idx.msk [tilespmem:v21+s18+$0x0], $0xffff  }
0x23f: {  	v63 =	vld.idx.msk [tilespmem:v20+s18+$0x0], $0xffff;
	vm0 =	vgt.f32 v10, v8;
	vm1 =	vgt.f32 v10, v9  }
0x240: {  	v18 =	vld.idx.msk [tilespmem:v18+s18+$0x0], $0xffff;
	vm15 =	vgt.f32 v10, v6;
	v61 =	vsel vm0, $0x1, v0;
	v62 =	vsel vm1, $0x1, v0  }
0x241: {  	v19 =	vld.idx.msk [tilespmem:v19+s18+$0x0], $0xffff;
	v50 =	vsel vm15, $0x1, v0;
	v9 =	vadd.s32 v62, v61  }
0x242: {  	v17 =	vld.idx.msk [tilespmem:v17+s18+$0x0], $0xffff;
	v9 =	vadd.s32 v50, v9  }
0x243: {  	v15 =	vld.idx.msk [tilespmem:v15+s18+$0x0], $0xffff;
	v2 =	vadd.s32 v2, v9  }
0x244: {  	v14 =	vld.idx.msk [tilespmem:v14+s18+$0x0], $0xffff;
	v5 =	vadd.s32 v5, v9;
	v9 =	vshll.u32 v9, $0x4  }
0x245: {  	v12 =	vld.idx.msk [tilespmem:v12+s18+$0x0], $0xffff;
	v7 =	vadd.s32 v7, v9  }
0x246: {  	v4 =	vld.idx.msk [tilespmem:v4+s18+$0x0], $0xffff;
	v51 =	vor.u32 $0xF, v7  }
0x247: {  	v9 =	vld.idx.msk [tilespmem:v13+s18+$0x0], $0xffff;
	v20 =	vor.u32 $0x1, v7  }
0x248: {  	v2 =	vld.idx.msk [tilespmem:v2+s1+$0x0], $0xffff  }
0x249: {  	v21 =	vor.u32 $0x2, v7;
	v5 =	vld.idx.msk [tilespmem:v5+s17+$0x0], $0xffff  }
0x24a: {  	v40 =	vor.u32 $0x3, v7;
	v41 =	vld.idx.msk [tilespmem:v7+s19+$0x0], $0xffff  }
0x24b: {  	v42 =	vor.u32 $0x4, v7;
	v43 =	vld.idx.msk [tilespmem:v51+s19+$0x0], $0xffff  }
0x24c: {  	v44 =	vor.u32 $0x5, v7;
	v45 =	vld.idx.msk [tilespmem:v20+s19+$0x0], $0xffff  }
0x24d: {  	v46 =	vor.u32 $0x6, v7;
	v13 =	vld.idx.msk [tilespmem:v51+s18+$0x0], $0xffff  }
0x24e: {  	v47 =	vor.u32 $0x7, v7;
	v48 =	vld.idx.msk [tilespmem:v21+s19+$0x0], $0xffff  }
0x24f: {  	v23 =	vadd.f32 v29, v23;
	v49 =	vor.u32 $0x8, v7;
	v50 =	vld.idx.msk [tilespmem:v40+s19+$0x0], $0xffff  }
0x250: {  	v37 =	vmul.f32 v37, v11;
	v22 =	vadd.f32 v31, v22;
	v29 =	vor.u32 $0x9, v7;
	v51 =	vld.idx.msk [tilespmem:v42+s19+$0x0], $0xffff  }
0x251: {  	v26 =	vadd.f32 v34, v26;
	[tilespmem:v1+s28+$0xFFFFF900 ss:$0x1] =	vst.idx.msk $0xffff, v23;
	v31 =	vor.u32 $0xA, v7;
	v34 =	vld.idx.msk [tilespmem:v44+s19+$0x0], $0xffff  }
0x252: {  	v52 =	vadd.f32 v32, v25;
	[tilespmem:v1+s28+$0xFFFFF980 ss:$0x1] =	vst.idx.msk $0xffff, v22;
	v25 =	vor.u32 $0xB, v7;
	v53 =	vld.idx.msk [tilespmem:v46+s19+$0x0], $0xffff  }
0x253: {  	v54 =	vadd.f32 v30, v24;
	[tilespmem:v1+s28+$0xFFFFFA00 ss:$0x1] =	vst.idx.msk $0xffff, v26;
	v24 =	vor.u32 $0xC, v7;
	v55 =	vld.idx.msk [tilespmem:v47+s19+$0x0], $0xffff  }
0x254: {  	v8 =	vadd.f32 v28, v60;
	[tilespmem:v1+s28+$0xFFFFFA80 ss:$0x1] =	vst.idx.msk $0xffff, v52;
	v23 =	vor.u32 $0xE, v7;
	v56 =	vld.idx.msk [tilespmem:v49+s19+$0x0], $0xffff  }
0x255: {  	v39 =	vmul.f32 v39, v11;
	v6 =	vadd.f32 v27, v63;
	[tilespmem:v1+s28+$0xFFFFFB00 ss:$0x1] =	vst.idx.msk $0xffff, v54;
	v57 =	vld.idx.msk [tilespmem:v29+s19+$0x0], $0xffff  }
0x256: {  	v59 =	vmul.f32 v38, v11;
	v16 =	vadd.f32 v16, v18;
	[tilespmem:v1+s28+$0xFFFFFB80 ss:$0x1] =	vst.idx.msk $0xffff, v8;
	v58 =	vld.idx.msk [tilespmem:v31+s19+$0x0], $0xffff  }
0x257: {  	v17 =	vadd.f32 v39, v17;
	v3 =	vadd.f32 v3, v4;
	[tilespmem:v1+s28+$0xFFFFFC00 ss:$0x1] =	vst.idx.msk $0xffff, v6;
	v60 =	vld.idx.msk [tilespmem:v25+s19+$0x0], $0xffff  }
0x258: {  	v63 =	vmul.f32 v33, v11;
	v61 =	vadd.f32 v37, v19;
	[tilespmem:v1+s28+$0xFFFFFC80 ss:$0x1] =	vst.idx.msk $0xffff, v16;
	v19 =	vld.idx.msk [tilespmem:v24+s19+$0x0], $0xffff  }
0x259: {  	v62 =	vmul.f32 v35, v11;
	[tilespmem:v1+s28+$0xFFFFFD80 ss:$0x1] =	vst.idx.msk $0xffff, v17;
	v6 =	vld.idx.msk [tilespmem:v23+s19+$0x0], $0xffff;
	v2 =	vsub.f32 v10, v2  }
0x25a: {  	v8 =	vadd.f32 v59, v15;
	v35 =	vmul.f32 v36, v11;
	[tilespmem:v1+s28+$0xFFFFF880 ss:$0x1] =	vst.idx.msk $0xffff, v3;
	v33 =	vld.idx.msk [tilespmem:v20+s18+$0x0], $0xffff  }
0x25b: {  	[tilespmem:v1+s28+$0xFFFFFD00 ss:$0x1] =	vst.idx.msk $0xffff, v61;
	v4 =	vadd.f32 v62, v14;
	v3 =	vld.idx.msk [tilespmem:v21+s18+$0x0], $0xffff;
	v2 =	vmul.f32 v5, v2  }
0x25c: {  	[tilespmem:v1+s28+$0xFFFFFE00 ss:$0x1] =	vst.idx.msk $0xffff, v8;
	v11 =	vadd.f32 v35, v12;
	v26 =	vor.u32 $0xD, v7;
	v37 =	vld.idx.msk [tilespmem:v40+s18+$0x0], $0xffff  }
0x25d: {  	[tilespmem:v1+s28+$0xFFFFFE80 ss:$0x1] =	vst.idx.msk $0xffff, v4;
	v39 =	vld.idx.msk [tilespmem:v42+s18+$0x0], $0xffff;
	v5 =	vadd.f32 v63, v9;
	v36 =	vmul.f32 v43, v2  }
0x25e: {  	[tilespmem:v1+s28+$0xFFFFFF80 ss:$0x1] =	vst.idx.msk $0xffff, v11;
	v42 =	vld.idx.msk [tilespmem:v44+s18+$0x0], $0xffff;
	v38 =	vmul.f32 v45, v2  }
0x25f: {  	v44 =	vld.idx.msk [tilespmem:v46+s18+$0x0], $0xffff;
	[tilespmem:v1+s28+$0xFFFFFF00 ss:$0x1] =	vst.idx.msk $0xffff, v5;
	v40 =	vmul.f32 v48, v2;
	v9 =	vadd.f32 v36, v13  }
0x260: {  	v46 =	vld.idx.msk [tilespmem:v47+s18+$0x0], $0xffff;
	v43 =	vmul.f32 v50, v2;
	v45 =	vmul.f32 v51, v2;
	v12 =	vadd.f32 v38, v33  }
0x261: {  	v47 =	vmul.f32 v34, v2;
	v48 =	vld.idx.msk [tilespmem:v49+s18+$0x0], $0xffff;
	v3 =	vadd.f32 v40, v3;
	[tilespmem:v1+s29+$0x0 ss:$0x1] =	vst.idx.msk $0xffff, v9  }
0x262: {  	v10 =	vld.idx.msk [tilespmem:v26+s19+$0x0], $0xffff;
	v49 =	vmul.f32 v53, v2;
	v8 =	vadd.f32 v43, v37;
	[tilespmem:v1+s29+$0xFFFFF900 ss:$0x1] =	vst.idx.msk $0xffff, v12  }
0x263: {  	v51 =	vld.idx.msk [tilespmem:v31+s18+$0x0], $0xffff;
	v52 =	vmul.f32 v56, v2;
	v4 =	vadd.f32 v45, v39;
	[tilespmem:v1+s29+$0xFFFFF980 ss:$0x1] =	vst.idx.msk $0xffff, v3  }
0x264: {  	v50 =	vld.idx.msk [tilespmem:v29+s18+$0x0], $0xffff;
	v54 =	vmul.f32 v57, v2;
	v5 =	vadd.f32 v47, v42;
	[tilespmem:v1+s29+$0xFFFFFA00 ss:$0x1] =	vst.idx.msk $0xffff, v8  }
0x265: {  	v53 =	vld.idx.msk [tilespmem:v7+s18+$0x0], $0xffff;
	v11 =	vadd.f32 v49, v44;
	v3 =	vmul.f32 v55, v2;
	[tilespmem:v1+s29+$0xFFFFFA80 ss:$0x1] =	vst.idx.msk $0xffff, v4  }
0x266: {  	v56 =	vmul.f32 v58, v2;
	v57 =	vld.idx.msk [tilespmem:v24+s18+$0x0], $0xffff;
	[tilespmem:v1+s29+$0xFFFFFB00 ss:$0x1] =	vst.idx.msk $0xffff, v5;
	v8 =	vadd.f32 v52, v48  }
0x267: {  	v55 =	vld.idx.msk [tilespmem:v25+s18+$0x0], $0xffff;
	[tilespmem:v1+s29+$0xFFFFFB80 ss:$0x1] =	vst.idx.msk $0xffff, v11;
	v3 =	vadd.f32 v3, v46  }
0x268: {  	v59 =	vld.idx.msk [tilespmem:v26+s18+$0x0], $0xffff;
	v58 =	vmul.f32 v41, v2;
	v5 =	vadd.f32 v56, v51;
	[tilespmem:v1+s29+$0xFFFFFC80 ss:$0x1] =	vst.idx.msk $0xffff, v8  }
0x269: {  	v61 =	vld.idx.msk [tilespmem:v23+s18+$0x0], $0xffff;
	v62 =	vmul.f32 v19, v2;
	[tilespmem:v1+s29+$0xFFFFFC00 ss:$0x1] =	vst.idx.msk $0xffff, v3;
	v3 =	vadd.f32 v54, v50  }
0x26a: {  	s26 =	sadd.s32 $0x1, s26;
	v60 =	vmul.f32 v60, v2;
	v4 =	vadd.f32 v58, v53;
	[tilespmem:v1+s29+$0xFFFFFD80 ss:$0x1] =	vst.idx.msk $0xffff, v5  }
0x26b: {  	p0 =	sne.s32 s26, $0xC;
	v63 =	vadd.f32 v62, v57;
	[tilespmem:v1+s29+$0xFFFFFD00 ss:$0x1] =	vst.idx.msk $0xffff, v3;
	v3 =	vmul.f32 v10, v2  }
.Ltmp10:
0x26c: {  	[tilespmem:v1+s29+$0xFFFFF880 ss:$0x1] =	vst.idx.msk $0xffff, v4;
	v7 =	vadd.f32 v60, v55;
	v2 =	vmul.f32 v6, v2;
	(pc) =	sbr.rel @p0 .LBB2_20-.Ltmp10, $4  }
0x26d: {  	[tilespmem:v1+s29+$0xFFFFFE80 ss:$0x1] =	vst.idx.msk $0xffff, v63;
	v3 =	vadd.f32 v3, v59  }
0x26e: {  	[tilespmem:v1+s29+$0xFFFFFE00 ss:$0x1] =	vst.idx.msk $0xffff, v7;
	v2 =	vadd.f32 v2, v61  }
0x26f: {  	[tilespmem:v1+s29+$0xFFFFFF00 ss:$0x1] =	vst.idx.msk $0xffff, v3  }
0x270: {  	s24 =	sadd.s32 $0x80, s24;
	s25 =	sadd.s32 $0x800, s25;
	[tilespmem:v1+s29+$0xFFFFFF80 ss:$0x1] =	vst.idx.msk $0xffff, v2  }
0x271: {  	s23 =	simm.s32 $0x3E00  }
0x272: {  	[hbm4b:s14+s21] =	stream.strided.scatter [tilespmem:s23], [sflag:$0x1], $0x400, s18, s21, $0x38;
	[tilespmem:$0x9E00] =	vst v63  }
0x273: {  	s24 =	smov.u32 s14;
	s23 =	simm.s32 $0x1000  }
.LBB2_24:
0x274: {  	p0 =	sne.s32 s23, $0x17000  }
.Ltmp11:
0x275: {  	_ = 	snop;
	(pc) =	sbr.rel @p0 .LBB2_24-.Ltmp11, $4  }
0x276: {  	_ = 	snop  }
0x277: {  	s25 =	sshra.s32 s23, $0x2;
	s23 =	sadd.s32 $0x1000, s23  }
0x278: {  	s24 =	sadd.s32 $0x4000, s24;
	s25 =	sadd.s32 $0x3E00, s25  }
0x279: {  	[hbm4b:s24+s21] =	stream.strided.scatter [tilespmem:s25], [sflag:$0x1], $0x400, s18, s21, $0x38;
	[tilespmem:$0x9E00] =	vst v63  }
0x27a: {  	s22 =	sadd.s32 $0x1, s22  }
0x27b: {  	p0 =	sne.s32 s22, s15  }
.Ltmp12:
0x27c: {  	_ = 	snop;
	(pc) =	sbr.rel @p0 .LBB2_1-.Ltmp12, $4  }
0x27d: {  	_ = 	snop  }
0x27e: {  	_ =	swait.ge [sflag:s16], $0x6000  }
0x27f: {  	[sflag:s16] =	ssyncset.done $0x0  }
0x280: {  	[sflag:s16] =	ssyncadd.s32 $0xFFFFA000  }
0x281: {  	_ =	sfence.sel $0x180000  }
0x282: {  	[bflag:$0x0] =	sbarrier.arrive $0xFFFF  }
0x283: {  	p0 =	sne.s32 s4, $0x0;
	_ =	strace $0x90000047  }
0x284: {  	s0 =	sadd.s32 @!p0 $0x100000, s0;
	[bflag:$0x2] =	sbarrier.arrive $0xFFFF  }
0x285: {  	[sflag:s0] =	ssyncadd.tile.s32 @!p0 $0x1;
	_ =	shalt  }
.Lfunc_end2:
_tile_overlayer_lowered:
.L_overlay_start_2:
0x286: {  	(tag) =	ssettag $0x2  }
0x287: {  	s0 =	rddreg [dreg:$0x0];
	s2 =	stileid.u32  }
0x288: {  	s1 =	rddreg [dreg:$0x1];
	p0 =	sne.s32 s2, $0x0  }
0x289: {  	s3 =	rddreg [dreg:$0x2];
	[bflag:$0x3] =	sbarrier.arrive $0xFFFF;
	s2 =	simm.s32 @!p0 $0x1C01  }
0x28a: {  	[timem:s3], [sflag:s2] =	dma.local @!p0 [hbm:s0], s1  }
0x28b: {  	s0 =	simm.s32 @!p0 $0x1  }
0x28c: {  	_ =	swait.ge @!p0 [sflag:s0], s1  }
0x28d: {  	s1 =	ssub.s32 @!p0 $0x0, s1;
	[sflag:s0] =	ssyncset.done @!p0 $0x0  }
0x28e: {  	[sflag:s0] =	ssyncadd.s32 @!p0 s1  }
0x28f: {  	[bflag:$0x3] =	sbarrier.arrive $0xFFFF  }
0x290: {  	_ =	shalt  }

</sc_bundles>
